<compile_context>
chip_gen: v7x
topology: tpu7x:2x2x1
jax: 0.10.2.dev20260603
libtpu: 0.0.44.dev20260713+nightly
codegen_flags: <defaults>
</compile_context>

<pallas_src>
import functools

import jax
import jax.numpy as jnp
from jax import lax
from jax.experimental import pallas as pl
from jax.experimental.pallas import tpu as pltpu
from jax.experimental.pallas import tpu_sc as plsc

_NC = 2
_NS = 16
_NW = _NC * _NS


def _sc_pool(idx2, W2, batch, bag, dim):
    bpw = batch // _NW
    half = dim // 2
    mesh = plsc.VectorSubcoreMesh(core_axis_name="c", subcore_axis_name="s")

    @functools.partial(
        pl.kernel,
        out_type=jax.ShapeDtypeStruct((batch, dim), jnp.float32),
        mesh=mesh,
        scratch_types=[
            pltpu.VMEM((2 * bag, bpw), jnp.int32),
            pltpu.VMEM((bpw, half), jnp.float32),
            pltpu.VMEM((bpw, half), jnp.float32),
            pltpu.SemaphoreType.DMA,
        ],
        compiler_params=pltpu.CompilerParams(use_tc_tiling_on_sc=False),
    )
    def body(idx2_hbm, w2_hbm, out_hbm, idx_v, acc_a, acc_b, sem):
        wid = lax.axis_index("s") * _NC + lax.axis_index("c")
        base = wid * bpw

        pltpu.sync_copy(idx2_hbm.at[:, pl.ds(base, bpw)], idx_v)

        zeros = jnp.zeros((16,), jnp.float32)

        @pl.loop(0, bpw)
        def _(i):
            acc_a[i, :] = zeros
            acc_b[i, :] = zeros

        copies = [
            pltpu.async_copy(w2_hbm.at[idx_v.at[j]], acc_a, sem, add=True)
            for j in range(bag)
        ] + [
            pltpu.async_copy(w2_hbm.at[idx_v.at[bag + j]], acc_b, sem, add=True)
            for j in range(bag)
        ]
        for c in copies:
            c.wait()

        pltpu.sync_copy(acc_a, out_hbm.at[pl.ds(base, bpw), pl.ds(0, half)])
        pltpu.sync_copy(acc_b, out_hbm.at[pl.ds(base, bpw), pl.ds(half, half)])

    return body(idx2, W2)


def _tc_relayout(WT, num_emb, dim):
    rblk = 1024
    cblk = rblk * 32
    grid = (num_emb + cblk - 1) // cblk
    rows = grid * rblk

    def body(x_ref, o_ref):
        pieces = [
            x_ref[:, k * rblk:(k + 1) * rblk].T for k in range(32)
        ]
        o_ref[...] = jnp.concatenate(pieces, axis=1)

    return pl.pallas_call(
        body,
        grid=(grid,),
        in_specs=[pl.BlockSpec((dim, cblk), lambda i: (0, i))],
        out_specs=pl.BlockSpec((rblk, 32 * dim), lambda i: (i, 0)),
        out_shape=jax.ShapeDtypeStruct((rows, 32 * dim), jnp.float32),
    )(WT)


def _tc_proj(pooled, P, batch, dim, out_dim):
    blk = 1024

    def body(x_ref, p_ref, o_ref):
        o_ref[...] = lax.dot_general(
            x_ref[...], p_ref[...],
            (((1,), (1,)), ((), ())),
            preferred_element_type=jnp.float32,
        )

    return pl.pallas_call(
        body,
        grid=(batch // blk,),
        in_specs=[
            pl.BlockSpec((blk, dim), lambda i: (i, 0)),
            pl.BlockSpec((out_dim, dim), lambda i: (0, 0)),
        ],
        out_specs=pl.BlockSpec((blk, out_dim), lambda i: (i, 0)),
        out_shape=jax.ShapeDtypeStruct((batch, out_dim), jnp.float32),
    )(pooled, P)


def kernel(input, W, P):
    batch, bag = input.shape
    num_emb, dim = W.shape
    out_dim = P.shape[0]
    W_w = _tc_relayout(W.T, num_emb, dim)
    nw = W_w.shape[0] // 8
    W2 = (W_w.reshape(nw, 8, 8, 128)
             .transpose(0, 2, 1, 3)
             .reshape(nw * 8 * 8 * 128 // (dim // 2), dim // 2))

    e = input.astype(jnp.int32)
    i = e >> 15
    k = (e >> 10) & 31
    r = e & 1023
    a = (i << 7) | (r >> 3)
    row_a = (((((a << 3) | (k >> 2)) << 3) | (r & 7)) << 3) | ((k & 3) << 1)
    idx2 = jnp.concatenate([row_a.T, (row_a | 1).T], axis=0)

    pooled = _sc_pool(idx2, W2, batch, bag, dim)
    return _tc_proj(pooled, P, batch, dim, out_dim)

# --- scband reference (transcript-rebuilt; emitter-appended) ---
"""Pipeline reference for scband-pr-embedding-bag-67336497267111 (READ-ONLY COPY).

The authoritative reference and input builder live on the scoring server;
editing this copy changes nothing except your own understanding.
"""

import jax, jax.numpy as jnp
import numpy as np

NUM_EMBEDDINGS = 1000000
EMBEDDING_DIM = 32
BASE_DIM = 128
BATCH = 4096
BAG = 50

def setup_inputs(seed: int = 0) -> dict:
    key = jax.random.key(seed)
    k1, k2, k3 = jax.random.split(key, 3)
    inp = jax.random.randint(k1, (BATCH, BAG), 0, NUM_EMBEDDINGS, dtype=jnp.int64 if jax.config.jax_enable_x64 else jnp.int32)
    # xavier_uniform for embedding table: bound = sqrt(6/(fan_in+fan_out))
    b_w = float(np.sqrt(6.0 / (NUM_EMBEDDINGS + EMBEDDING_DIM)))
    W = jax.random.uniform(k2, (NUM_EMBEDDINGS, EMBEDDING_DIM), dtype=jnp.float32, minval=-b_w, maxval=b_w)
    # xavier_uniform for linear proj weight [out, in] = [BASE_DIM, EMBEDDING_DIM]
    b_p = float(np.sqrt(6.0 / (EMBEDDING_DIM + BASE_DIM)))
    P = jax.random.uniform(k3, (BASE_DIM, EMBEDDING_DIM), dtype=jnp.float32, minval=-b_p, maxval=b_p)
    return {"input": inp, "W": W, "P": P}

def reference(input, W, P):
    # EmbeddingBag(mode='sum') with 2D input: each row is a bag
    emb = jnp.take(W, input, axis=0)          # [B, BAG, EMBEDDING_DIM]
    pooled = jnp.sum(emb, axis=1)             # [B, EMBEDDING_DIM]
    # Linear(embedding_dim -> base_dim, bias=False): y = x @ P.T
    out = pooled @ P.T                        # [B, BASE_DIM]
    return out

if __name__ == "__main__":
    import jax
    _d = setup_inputs()
    print(jax.jit(kernel)(*tuple(_d.values())))

</pallas_src>

<mosaic_0001>
#map = affine_map<(d0, d1) -> (0, 0)>
module attributes {stable_mosaic.version = 14 : i64} {
  func.func @body(%arg0: i32, %arg1: i32, %arg2: memref<100x4096xi32, #tpu.memory_space<hbm>>, %arg3: memref<2031616x16xf32, #tpu.memory_space<hbm>>, %arg4: memref<4096x32xf32, #tpu.memory_space<hbm>>, %arg5: memref<100x128xi32, #tpu.memory_space<vmem>>, %arg6: memref<128x16xf32, #tpu.memory_space<vmem>>, %arg7: memref<128x16xf32, #tpu.memory_space<vmem>>, %arg8: memref<!tpu.dma_semaphore, #tpu.memory_space<semaphore_mem>>) attributes {dimension_semantics = [#tpu.dimension_semantics<core_parallel>, #tpu.dimension_semantics<subcore_parallel>], iteration_bounds = array<i64: 2, 16>, scalar_prefetch = 0 : i64, scratch_operands = 4 : i64, tpu.core_type = #tpu.core_type<sc_vector_subcore>, window_params = [{transform_indices = #map}, {transform_indices = #map}, {transform_indices = #map}]} {
    %mul3A = arith.constant 2 : i32
    %mul3A_0 = arith.muli %arg1, %mul3A : i32
    %add3A = arith.addi %mul3A_0, %arg0 : i32
    %mul3A_1 = arith.constant 128 : i32
    %mul3A_2 = arith.muli %add3A, %mul3A_1 : i32
    "tpu.region"() ({
      %run_scoped3A = tpu.sem_alloc : memref<!tpu.dma_semaphore, #tpu.memory_space<semaphore_mem>>
      %dma_start3A_1406 = arith.constant 0 : i32
      %dma_start3A_1407 = tpu.memref_slice %arg2[%dma_start3A_1406, %mul3A_2] : memref<100x4096xi32, #tpu.memory_space<hbm>> -> memref<100x128xi32, #tpu.memory_space<hbm>>
      %dma_start3A_1408 = arith.constant 0 : i32
      %dma_start3A_1409 = tpu.memref_slice %arg2[%dma_start3A_1408, %mul3A_2] : memref<100x4096xi32, #tpu.memory_space<hbm>> -> memref<100x128xi32, #tpu.memory_space<hbm>>
      tpu.enqueue_dma source(%dma_start3A_1409 : memref<100x128xi32, #tpu.memory_space<hbm>>) target(%arg5 : memref<100x128xi32, #tpu.memory_space<vmem>>) target_semaphore(%run_scoped3A : memref<!tpu.dma_semaphore, #tpu.memory_space<semaphore_mem>>)
      %dma_wait3A_1410 = arith.constant 0 : i32
      %dma_wait3A_1411 = tpu.memref_slice %arg2[%dma_wait3A_1410, %mul3A_2] : memref<100x4096xi32, #tpu.memory_space<hbm>> -> memref<100x128xi32, #tpu.memory_space<hbm>>
      %dma_wait3A_1412 = arith.constant 0 : i32
      %dma_wait3A_1413 = tpu.memref_slice %arg2[%dma_wait3A_1412, %mul3A_2] : memref<100x4096xi32, #tpu.memory_space<hbm>> -> memref<100x128xi32, #tpu.memory_space<hbm>>
      tpu.wait_dma2 semaphore(%run_scoped3A : memref<!tpu.dma_semaphore, #tpu.memory_space<semaphore_mem>>) src(%dma_wait3A_1413 : memref<100x128xi32, #tpu.memory_space<hbm>>) dst(%arg5 : memref<100x128xi32, #tpu.memory_space<vmem>>)
      tpu.yield
    }) : () -> ()
    %broadcast_in_dim3A = arith.constant 0.000000e+00 : f32
    %broadcast_in_dim3A_3 = vector.broadcast %broadcast_in_dim3A : f32 to vector<16xf32>
    %scan3A = arith.constant 0 : i32
    %scan3A_4 = arith.constant 128 : i32
    %scan3A_5 = arith.addi %scan3A, %scan3A_4 : i32
    %scan3A_6 = arith.constant 1 : i32
    scf.for %scan3A_1406 = %scan3A to %scan3A_5 step %scan3A_6  : i32 {
      %mul3A_1407 = arith.constant 1 : i32
      %mul3A_1408 = arith.muli %scan3A_1406, %mul3A_1407 : i32
      %add3A_1409 = arith.constant 0 : i32
      %add3A_1410 = arith.addi %add3A_1409, %mul3A_1408 : i32
      %swap3A = arith.index_cast %add3A_1410 : i32 to index
      %swap3A_1411 = arith.constant 0 : index
      %swap3A_1412 = tpu.vector_load %arg6[%swap3A, %swap3A_1411] {strides = array<i32>} : memref<128x16xf32, #tpu.memory_space<vmem>>, vector<1x16xf32>,
      %swap3A_1413 = vector.shape_cast %swap3A_1412 : vector<1x16xf32> to vector<16xf32>
      %swap3A_1414 = vector.shape_cast %broadcast_in_dim3A_3 : vector<16xf32> to vector<1x16xf32>
      tpu.vector_store %arg6[%swap3A, %swap3A_1411], %swap3A_1414 {strides = array<i32>} : memref<128x16xf32, #tpu.memory_space<vmem>>, vector<1x16xf32>,
      %swap3A_1415 = arith.index_cast %add3A_1410 : i32 to index
      %swap3A_1416 = arith.constant 0 : index
      %swap3A_1417 = tpu.vector_load %arg7[%swap3A_1415, %swap3A_1416] {strides = array<i32>} : memref<128x16xf32, #tpu.memory_space<vmem>>, vector<1x16xf32>,
      %swap3A_1418 = vector.shape_cast %swap3A_1417 : vector<1x16xf32> to vector<16xf32>
      %swap3A_1419 = vector.shape_cast %broadcast_in_dim3A_3 : vector<16xf32> to vector<1x16xf32>
      tpu.vector_store %arg7[%swap3A_1415, %swap3A_1416], %swap3A_1419 {strides = array<i32>} : memref<128x16xf32, #tpu.memory_space<vmem>>, vector<1x16xf32>,
    }
    %scan3A_7 = arith.constant 128 : i32
    %dma_start3A = arith.constant 0 : i32
    %dma_start3A_8 = arith.constant 0 : i32
    %dma_start3A_9 = tpu.memref_slice %arg5[%dma_start3A, %dma_start3A_8] : memref<100x128xi32, #tpu.memory_space<vmem>> -> memref<1x128xi32, #tpu.memory_space<vmem>>
    %dma_start3A_10 = tpu.memref_squeeze %dma_start3A_9 : memref<1x128xi32, #tpu.memory_space<vmem>> -> memref<128xi32, #tpu.memory_space<vmem>>
    %dma_start3A_11 = arith.constant 0 : i32
    %dma_start3A_12 = arith.constant 0 : i32
    %dma_start3A_13 = tpu.memref_slice %arg3[%dma_start3A_11, %dma_start3A_12] : memref<2031616x16xf32, #tpu.memory_space<hbm>> -> memref<2031616x16xf32, #tpu.memory_space<hbm>>
    tpu.enqueue_indirect_dma source(%dma_start3A_13 : memref<2031616x16xf32, #tpu.memory_space<hbm>>) target(%arg6 : memref<128x16xf32, #tpu.memory_space<vmem>>) offsets(%dma_start3A_10 : memref<128xi32, #tpu.memory_space<vmem>>) semaphore(%arg8 : memref<!tpu.dma_semaphore, #tpu.memory_space<semaphore_mem>>) {add = true}
    %dma_start3A_14 = arith.constant 1 : i32
    %dma_start3A_15 = arith.constant 0 : i32
    %dma_start3A_16 = tpu.memref_slice %arg5[%dma_start3A_14, %dma_start3A_15] : memref<100x128xi32, #tpu.memory_space<vmem>> -> memref<1x128xi32, #tpu.memory_space<vmem>>
    %dma_start3A_17 = tpu.memref_squeeze %dma_start3A_16 : memref<1x128xi32, #tpu.memory_space<vmem>> -> memref<128xi32, #tpu.memory_space<vmem>>
    %dma_start3A_18 = arith.constant 0 : i32
    %dma_start3A_19 = arith.constant 0 : i32
    %dma_start3A_20 = tpu.memref_slice %arg3[%dma_start3A_18, %dma_start3A_19] : memref<2031616x16xf32, #tpu.memory_space<hbm>> -> memref<2031616x16xf32, #tpu.memory_space<hbm>>
    tpu.enqueue_indirect_dma source(%dma_start3A_20 : memref<2031616x16xf32, #tpu.memory_space<hbm>>) target(%arg6 : memref<128x16xf32, #tpu.memory_space<vmem>>) offsets(%dma_start3A_17 : memref<128xi32, #tpu.memory_space<vmem>>) semaphore(%arg8 : memref<!tpu.dma_semaphore, #tpu.memory_space<semaphore_mem>>) {add = true}
    %dma_start3A_21 = arith.constant 2 : i32
    %dma_start3A_22 = arith.constant 0 : i32
    %dma_start3A_23 = tpu.memref_slice %arg5[%dma_start3A_21, %dma_start3A_22] : memref<100x128xi32, #tpu.memory_space<vmem>> -> memref<1x128xi32, #tpu.memory_space<vmem>>
    %dma_start3A_24 = tpu.memref_squeeze %dma_start3A_23 : memref<1x128xi32, #tpu.memory_space<vmem>> -> memref<128xi32, #tpu.memory_space<vmem>>
    %dma_start3A_25 = arith.constant 0 : i32
    %dma_start3A_26 = arith.constant 0 : i32
    %dma_start3A_27 = tpu.memref_slice %arg3[%dma_start3A_25, %dma_start3A_26] : memref<2031616x16xf32, #tpu.memory_space<hbm>> -> memref<2031616x16xf32, #tpu.memory_space<hbm>>
    tpu.enqueue_indirect_dma source(%dma_start3A_27 : memref<2031616x16xf32, #tpu.memory_space<hbm>>) target(%arg6 : memref<128x16xf32, #tpu.memory_space<vmem>>) offsets(%dma_start3A_24 : memref<128xi32, #tpu.memory_space<vmem>>) semaphore(%arg8 : memref<!tpu.dma_semaphore, #tpu.memory_space<semaphore_mem>>) {add = true}
    %dma_start3A_28 = arith.constant 3 : i32
    %dma_start3A_29 = arith.constant 0 : i32
    %dma_start3A_30 = tpu.memref_slice %arg5[%dma_start3A_28, %dma_start3A_29] : memref<100x128xi32, #tpu.memory_space<vmem>> -> memref<1x128xi32, #tpu.memory_space<vmem>>
    %dma_start3A_31 = tpu.memref_squeeze %dma_start3A_30 : memref<1x128xi32, #tpu.memory_space<vmem>> -> memref<128xi32, #tpu.memory_space<vmem>>
    %dma_start3A_32 = arith.constant 0 : i32
    %dma_start3A_33 = arith.constant 0 : i32
    %dma_start3A_34 = tpu.memref_slice %arg3[%dma_start3A_32, %dma_start3A_33] : memref<2031616x16xf32, #tpu.memory_space<hbm>> -> memref<2031616x16xf32, #tpu.memory_space<hbm>>
    tpu.enqueue_indirect_dma source(%dma_start3A_34 : memref<2031616x16xf32, #tpu.memory_space<hbm>>) target(%arg6 : memref<128x16xf32, #tpu.memory_space<vmem>>) offsets(%dma_start3A_31 : memref<128xi32, #tpu.memory_space<vmem>>) semaphore(%arg8 : memref<!tpu.dma_semaphore, #tpu.memory_space<semaphore_mem>>) {add = true}
    %dma_start3A_35 = arith.constant 4 : i32
    %dma_start3A_36 = arith.constant 0 : i32
    %dma_start3A_37 = tpu.memref_slice %arg5[%dma_start3A_35, %dma_start3A_36] : memref<100x128xi32, #tpu.memory_space<vmem>> -> memref<1x128xi32, #tpu.memory_space<vmem>>
    %dma_start3A_38 = tpu.memref_squeeze %dma_start3A_37 : memref<1x128xi32, #tpu.memory_space<vmem>> -> memref<128xi32, #tpu.memory_space<vmem>>
    %dma_start3A_39 = arith.constant 0 : i32
    %dma_start3A_40 = arith.constant 0 : i32
    %dma_start3A_41 = tpu.memref_slice %arg3[%dma_start3A_39, %dma_start3A_40] : memref<2031616x16xf32, #tpu.memory_space<hbm>> -> memref<2031616x16xf32, #tpu.memory_space<hbm>>
    tpu.enqueue_indirect_dma source(%dma_start3A_41 : memref<2031616x16xf32, #tpu.memory_space<hbm>>) target(%arg6 : memref<128x16xf32, #tpu.memory_space<vmem>>) offsets(%dma_start3A_38 : memref<128xi32, #tpu.memory_space<vmem>>) semaphore(%arg8 : memref<!tpu.dma_semaphore, #tpu.memory_space<semaphore_mem>>) {add = true}
    %dma_start3A_42 = arith.constant 5 : i32
    %dma_start3A_43 = arith.constant 0 : i32
    %dma_start3A_44 = tpu.memref_slice %arg5[%dma_start3A_42, %dma_start3A_43] : memref<100x128xi32, #tpu.memory_space<vmem>> -> memref<1x128xi32, #tpu.memory_space<vmem>>
    %dma_start3A_45 = tpu.memref_squeeze %dma_start3A_44 : memref<1x128xi32, #tpu.memory_space<vmem>> -> memref<128xi32, #tpu.memory_space<vmem>>
    %dma_start3A_46 = arith.constant 0 : i32
    %dma_start3A_47 = arith.constant 0 : i32
    %dma_start3A_48 = tpu.memref_slice %arg3[%dma_start3A_46, %dma_start3A_47] : memref<2031616x16xf32, #tpu.memory_space<hbm>> -> memref<2031616x16xf32, #tpu.memory_space<hbm>>
    tpu.enqueue_indirect_dma source(%dma_start3A_48 : memref<2031616x16xf32, #tpu.memory_space<hbm>>) target(%arg6 : memref<128x16xf32, #tpu.memory_space<vmem>>) offsets(%dma_start3A_45 : memref<128xi32, #tpu.memory_space<vmem>>) semaphore(%arg8 : memref<!tpu.dma_semaphore, #tpu.memory_space<semaphore_mem>>) {add = true}
    %dma_start3A_49 = arith.constant 6 : i32
    %dma_start3A_50 = arith.constant 0 : i32
    %dma_start3A_51 = tpu.memref_slice %arg5[%dma_start3A_49, %dma_start3A_50] : memref<100x128xi32, #tpu.memory_space<vmem>> -> memref<1x128xi32, #tpu.memory_space<vmem>>
    %dma_start3A_52 = tpu.memref_squeeze %dma_start3A_51 : memref<1x128xi32, #tpu.memory_space<vmem>> -> memref<128xi32, #tpu.memory_space<vmem>>
    %dma_start3A_53 = arith.constant 0 : i32
    %dma_start3A_54 = arith.constant 0 : i32
    %dma_start3A_55 = tpu.memref_slice %arg3[%dma_start3A_53, %dma_start3A_54] : memref<2031616x16xf32, #tpu.memory_space<hbm>> -> memref<2031616x16xf32, #tpu.memory_space<hbm>>
    tpu.enqueue_indirect_dma source(%dma_start3A_55 : memref<2031616x16xf32, #tpu.memory_space<hbm>>) target(%arg6 : memref<128x16xf32, #tpu.memory_space<vmem>>) offsets(%dma_start3A_52 : memref<128xi32, #tpu.memory_space<vmem>>) semaphore(%arg8 : memref<!tpu.dma_semaphore, #tpu.memory_space<semaphore_mem>>) {add = true}
    %dma_start3A_56 = arith.constant 7 : i32
    %dma_start3A_57 = arith.constant 0 : i32
    %dma_start3A_58 = tpu.memref_slice %arg5[%dma_start3A_56, %dma_start3A_57] : memref<100x128xi32, #tpu.memory_space<vmem>> -> memref<1x128xi32, #tpu.memory_space<vmem>>
    %dma_start3A_59 = tpu.memref_squeeze %dma_start3A_58 : memref<1x128xi32, #tpu.memory_space<vmem>> -> memref<128xi32, #tpu.memory_space<vmem>>
    %dma_start3A_60 = arith.constant 0 : i32
    %dma_start3A_61 = arith.constant 0 : i32
    %dma_start3A_62 = tpu.memref_slice %arg3[%dma_start3A_60, %dma_start3A_61] : memref<2031616x16xf32, #tpu.memory_space<hbm>> -> memref<2031616x16xf32, #tpu.memory_space<hbm>>
    tpu.enqueue_indirect_dma source(%dma_start3A_62 : memref<2031616x16xf32, #tpu.memory_space<hbm>>) target(%arg6 : memref<128x16xf32, #tpu.memory_space<vmem>>) offsets(%dma_start3A_59 : memref<128xi32, #tpu.memory_space<vmem>>) semaphore(%arg8 : memref<!tpu.dma_semaphore, #tpu.memory_space<semaphore_mem>>) {add = true}
    %dma_start3A_63 = arith.constant 8 : i32
    %dma_start3A_64 = arith.constant 0 : i32
    %dma_start3A_65 = tpu.memref_slice %arg5[%dma_start3A_63, %dma_start3A_64] : memref<100x128xi32, #tpu.memory_space<vmem>> -> memref<1x128xi32, #tpu.memory_space<vmem>>
    %dma_start3A_66 = tpu.memref_squeeze %dma_start3A_65 : memref<1x128xi32, #tpu.memory_space<vmem>> -> memref<128xi32, #tpu.memory_space<vmem>>
    %dma_start3A_67 = arith.constant 0 : i32
    %dma_start3A_68 = arith.constant 0 : i32
    %dma_start3A_69 = tpu.memref_slice %arg3[%dma_start3A_67, %dma_start3A_68] : memref<2031616x16xf32, #tpu.memory_space<hbm>> -> memref<2031616x16xf32, #tpu.memory_space<hbm>>
    tpu.enqueue_indirect_dma source(%dma_start3A_69 : memref<2031616x16xf32, #tpu.memory_space<hbm>>) target(%arg6 : memref<128x16xf32, #tpu.memory_space<vmem>>) offsets(%dma_start3A_66 : memref<128xi32, #tpu.memory_space<vmem>>) semaphore(%arg8 : memref<!tpu.dma_semaphore, #tpu.memory_space<semaphore_mem>>) {add = true}
    %dma_start3A_70 = arith.constant 9 : i32
    %dma_start3A_71 = arith.constant 0 : i32
    %dma_start3A_72 = tpu.memref_slice %arg5[%dma_start3A_70, %dma_start3A_71] : memref<100x128xi32, #tpu.memory_space<vmem>> -> memref<1x128xi32, #tpu.memory_space<vmem>>
    %dma_start3A_73 = tpu.memref_squeeze %dma_start3A_72 : memref<1x128xi32, #tpu.memory_space<vmem>> -> memref<128xi32, #tpu.memory_space<vmem>>
    %dma_start3A_74 = arith.constant 0 : i32
    %dma_start3A_75 = arith.constant 0 : i32
    %dma_start3A_76 = tpu.memref_slice %arg3[%dma_start3A_74, %dma_start3A_75] : memref<2031616x16xf32, #tpu.memory_space<hbm>> -> memref<2031616x16xf32, #tpu.memory_space<hbm>>
    tpu.enqueue_indirect_dma source(%dma_start3A_76 : memref<2031616x16xf32, #tpu.memory_space<hbm>>) target(%arg6 : memref<128x16xf32, #tpu.memory_space<vmem>>) offsets(%dma_start3A_73 : memref<128xi32, #tpu.memory_space<vmem>>) semaphore(%arg8 : memref<!tpu.dma_semaphore, #tpu.memory_space<semaphore_mem>>) {add = true}
    %dma_start3A_77 = arith.constant 10 : i32
    %dma_start3A_78 = arith.constant 0 : i32
    %dma_start3A_79 = tpu.memref_slice %arg5[%dma_start3A_77, %dma_start3A_78] : memref<100x128xi32, #tpu.memory_space<vmem>> -> memref<1x128xi32, #tpu.memory_space<vmem>>
    %dma_start3A_80 = tpu.memref_squeeze %dma_start3A_79 : memref<1x128xi32, #tpu.memory_space<vmem>> -> memref<128xi32, #tpu.memory_space<vmem>>
    %dma_start3A_81 = arith.constant 0 : i32
    %dma_start3A_82 = arith.constant 0 : i32
    %dma_start3A_83 = tpu.memref_slice %arg3[%dma_start3A_81, %dma_start3A_82] : memref<2031616x16xf32, #tpu.memory_space<hbm>> -> memref<2031616x16xf32, #tpu.memory_space<hbm>>
    tpu.enqueue_indirect_dma source(%dma_start3A_83 : memref<2031616x16xf32, #tpu.memory_space<hbm>>) target(%arg6 : memref<128x16xf32, #tpu.memory_space<vmem>>) offsets(%dma_start3A_80 : memref<128xi32, #tpu.memory_space<vmem>>) semaphore(%arg8 : memref<!tpu.dma_semaphore, #tpu.memory_space<semaphore_mem>>) {add = true}
    %dma_start3A_84 = arith.constant 11 : i32
    %dma_start3A_85 = arith.constant 0 : i32
    %dma_start3A_86 = tpu.memref_slice %arg5[%dma_start3A_84, %dma_start3A_85] : memref<100x128xi32, #tpu.memory_space<vmem>> -> memref<1x128xi32, #tpu.memory_space<vmem>>
    %dma_start3A_87 = tpu.memref_squeeze %dma_start3A_86 : memref<1x128xi32, #tpu.memory_space<vmem>> -> memref<128xi32, #tpu.memory_space<vmem>>
    %dma_start3A_88 = arith.constant 0 : i32
    %dma_start3A_89 = arith.constant 0 : i32
    %dma_start3A_90 = tpu.memref_slice %arg3[%dma_start3A_88, %dma_start3A_89] : memref<2031616x16xf32, #tpu.memory_space<hbm>> -> memref<2031616x16xf32, #tpu.memory_space<hbm>>
    tpu.enqueue_indirect_dma source(%dma_start3A_90 : memref<2031616x16xf32, #tpu.memory_space<hbm>>) target(%arg6 : memref<128x16xf32, #tpu.memory_space<vmem>>) offsets(%dma_start3A_87 : memref<128xi32, #tpu.memory_space<vmem>>) semaphore(%arg8 : memref<!tpu.dma_semaphore, #tpu.memory_space<semaphore_mem>>) {add = true}
    %dma_start3A_91 = arith.constant 12 : i32
    %dma_start3A_92 = arith.constant 0 : i32
    %dma_start3A_93 = tpu.memref_slice %arg5[%dma_start3A_91, %dma_start3A_92] : memref<100x128xi32, #tpu.memory_space<vmem>> -> memref<1x128xi32, #tpu.memory_space<vmem>>
    %dma_start3A_94 = tpu.memref_squeeze %dma_start3A_93 : memref<1x128xi32, #tpu.memory_space<vmem>> -> memref<128xi32, #tpu.memory_space<vmem>>
    %dma_start3A_95 = arith.constant 0 : i32
    %dma_start3A_96 = arith.constant 0 : i32
    %dma_start3A_97 = tpu.memref_slice %arg3[%dma_start3A_95, %dma_start3A_96] : memref<2031616x16xf32, #tpu.memory_space<hbm>> -> memref<2031616x16xf32, #tpu.memory_space<hbm>>
    tpu.enqueue_indirect_dma source(%dma_start3A_97 : memref<2031616x16xf32, #tpu.memory_space<hbm>>) target(%arg6 : memref<128x16xf32, #tpu.memory_space<vmem>>) offsets(%dma_start3A_94 : memref<128xi32, #tpu.memory_space<vmem>>) semaphore(%arg8 : memref<!tpu.dma_semaphore, #tpu.memory_space<semaphore_mem>>) {add = true}
    %dma_start3A_98 = arith.constant 13 : i32
    %dma_start3A_99 = arith.constant 0 : i32
    %dma_start3A_100 = tpu.memref_slice %arg5[%dma_start3A_98, %dma_start3A_99] : memref<100x128xi32, #tpu.memory_space<vmem>> -> memref<1x128xi32, #tpu.memory_space<vmem>>
    %dma_start3A_101 = tpu.memref_squeeze %dma_start3A_100 : memref<1x128xi32, #tpu.memory_space<vmem>> -> memref<128xi32, #tpu.memory_space<vmem>>
    %dma_start3A_102 = arith.constant 0 : i32
    %dma_start3A_103 = arith.constant 0 : i32
    %dma_start3A_104 = tpu.memref_slice %arg3[%dma_start3A_102, %dma_start3A_103] : memref<2031616x16xf32, #tpu.memory_space<hbm>> -> memref<2031616x16xf32, #tpu.memory_space<hbm>>
    tpu.enqueue_indirect_dma source(%dma_start3A_104 : memref<2031616x16xf32, #tpu.memory_space<hbm>>) target(%arg6 : memref<128x16xf32, #tpu.memory_space<vmem>>) offsets(%dma_start3A_101 : memref<128xi32, #tpu.memory_space<vmem>>) semaphore(%arg8 : memref<!tpu.dma_semaphore, #tpu.memory_space<semaphore_mem>>) {add = true}
    %dma_start3A_105 = arith.constant 14 : i32
    %dma_start3A_106 = arith.constant 0 : i32
    %dma_start3A_107 = tpu.memref_slice %arg5[%dma_start3A_105, %dma_start3A_106] : memref<100x128xi32, #tpu.memory_space<vmem>> -> memref<1x128xi32, #tpu.memory_space<vmem>>
    %dma_start3A_108 = tpu.memref_squeeze %dma_start3A_107 : memref<1x128xi32, #tpu.memory_space<vmem>> -> memref<128xi32, #tpu.memory_space<vmem>>
    %dma_start3A_109 = arith.constant 0 : i32
    %dma_start3A_110 = arith.constant 0 : i32
    %dma_start3A_111 = tpu.memref_slice %arg3[%dma_start3A_109, %dma_start3A_110] : memref<2031616x16xf32, #tpu.memory_space<hbm>> -> memref<2031616x16xf32, #tpu.memory_space<hbm>>
    tpu.enqueue_indirect_dma source(%dma_start3A_111 : memref<2031616x16xf32, #tpu.memory_space<hbm>>) target(%arg6 : memref<128x16xf32, #tpu.memory_space<vmem>>) offsets(%dma_start3A_108 : memref<128xi32, #tpu.memory_space<vmem>>) semaphore(%arg8 : memref<!tpu.dma_semaphore, #tpu.memory_space<semaphore_mem>>) {add = true}
    %dma_start3A_112 = arith.constant 15 : i32
    %dma_start3A_113 = arith.constant 0 : i32
    %dma_start3A_114 = tpu.memref_slice %arg5[%dma_start3A_112, %dma_start3A_113] : memref<100x128xi32, #tpu.memory_space<vmem>> -> memref<1x128xi32, #tpu.memory_space<vmem>>
    %dma_start3A_115 = tpu.memref_squeeze %dma_start3A_114 : memref<1x128xi32, #tpu.memory_space<vmem>> -> memref<128xi32, #tpu.memory_space<vmem>>
    %dma_start3A_116 = arith.constant 0 : i32
    %dma_start3A_117 = arith.constant 0 : i32
    %dma_start3A_118 = tpu.memref_slice %arg3[%dma_start3A_116, %dma_start3A_117] : memref<2031616x16xf32, #tpu.memory_space<hbm>> -> memref<2031616x16xf32, #tpu.memory_space<hbm>>
    tpu.enqueue_indirect_dma source(%dma_start3A_118 : memref<2031616x16xf32, #tpu.memory_space<hbm>>) target(%arg6 : memref<128x16xf32, #tpu.memory_space<vmem>>) offsets(%dma_start3A_115 : memref<128xi32, #tpu.memory_space<vmem>>) semaphore(%arg8 : memref<!tpu.dma_semaphore, #tpu.memory_space<semaphore_mem>>) {add = true}
    %dma_start3A_119 = arith.constant 16 : i32
    %dma_start3A_120 = arith.constant 0 : i32
    %dma_start3A_121 = tpu.memref_slice %arg5[%dma_start3A_119, %dma_start3A_120] : memref<100x128xi32, #tpu.memory_space<vmem>> -> memref<1x128xi32, #tpu.memory_space<vmem>>
    %dma_start3A_122 = tpu.memref_squeeze %dma_start3A_121 : memref<1x128xi32, #tpu.memory_space<vmem>> -> memref<128xi32, #tpu.memory_space<vmem>>
    %dma_start3A_123 = arith.constant 0 : i32
    %dma_start3A_124 = arith.constant 0 : i32
    %dma_start3A_125 = tpu.memref_slice %arg3[%dma_start3A_123, %dma_start3A_124] : memref<2031616x16xf32, #tpu.memory_space<hbm>> -> memref<2031616x16xf32, #tpu.memory_space<hbm>>
    tpu.enqueue_indirect_dma source(%dma_start3A_125 : memref<2031616x16xf32, #tpu.memory_space<hbm>>) target(%arg6 : memref<128x16xf32, #tpu.memory_space<vmem>>) offsets(%dma_start3A_122 : memref<128xi32, #tpu.memory_space<vmem>>) semaphore(%arg8 : memref<!tpu.dma_semaphore, #tpu.memory_space<semaphore_mem>>) {add = true}
    %dma_start3A_126 = arith.constant 17 : i32
    %dma_start3A_127 = arith.constant 0 : i32
    %dma_start3A_128 = tpu.memref_slice %arg5[%dma_start3A_126, %dma_start3A_127] : memref<100x128xi32, #tpu.memory_space<vmem>> -> memref<1x128xi32, #tpu.memory_space<vmem>>
    %dma_start3A_129 = tpu.memref_squeeze %dma_start3A_128 : memref<1x128xi32, #tpu.memory_space<vmem>> -> memref<128xi32, #tpu.memory_space<vmem>>
    %dma_start3A_130 = arith.constant 0 : i32
    %dma_start3A_131 = arith.constant 0 : i32
    %dma_start3A_132 = tpu.memref_slice %arg3[%dma_start3A_130, %dma_start3A_131] : memref<2031616x16xf32, #tpu.memory_space<hbm>> -> memref<2031616x16xf32, #tpu.memory_space<hbm>>
    tpu.enqueue_indirect_dma source(%dma_start3A_132 : memref<2031616x16xf32, #tpu.memory_space<hbm>>) target(%arg6 : memref<128x16xf32, #tpu.memory_space<vmem>>) offsets(%dma_start3A_129 : memref<128xi32, #tpu.memory_space<vmem>>) semaphore(%arg8 : memref<!tpu.dma_semaphore, #tpu.memory_space<semaphore_mem>>) {add = true}
    %dma_start3A_133 = arith.constant 18 : i32
    %dma_start3A_134 = arith.constant 0 : i32
    %dma_start3A_135 = tpu.memref_slice %arg5[%dma_start3A_133, %dma_start3A_134] : memref<100x128xi32, #tpu.memory_space<vmem>> -> memref<1x128xi32, #tpu.memory_space<vmem>>
    %dma_start3A_136 = tpu.memref_squeeze %dma_start3A_135 : memref<1x128xi32, #tpu.memory_space<vmem>> -> memref<128xi32, #tpu.memory_space<vmem>>
    %dma_start3A_137 = arith.constant 0 : i32
    %dma_start3A_138 = arith.constant 0 : i32
    %dma_start3A_139 = tpu.memref_slice %arg3[%dma_start3A_137, %dma_start3A_138] : memref<2031616x16xf32, #tpu.memory_space<hbm>> -> memref<2031616x16xf32, #tpu.memory_space<hbm>>
    tpu.enqueue_indirect_dma source(%dma_start3A_139 : memref<2031616x16xf32, #tpu.memory_space<hbm>>) target(%arg6 : memref<128x16xf32, #tpu.memory_space<vmem>>) offsets(%dma_start3A_136 : memref<128xi32, #tpu.memory_space<vmem>>) semaphore(%arg8 : memref<!tpu.dma_semaphore, #tpu.memory_space<semaphore_mem>>) {add = true}
    %dma_start3A_140 = arith.constant 19 : i32
    %dma_start3A_141 = arith.constant 0 : i32
    %dma_start3A_142 = tpu.memref_slice %arg5[%dma_start3A_140, %dma_start3A_141] : memref<100x128xi32, #tpu.memory_space<vmem>> -> memref<1x128xi32, #tpu.memory_space<vmem>>
    %dma_start3A_143 = tpu.memref_squeeze %dma_start3A_142 : memref<1x128xi32, #tpu.memory_space<vmem>> -> memref<128xi32, #tpu.memory_space<vmem>>
    %dma_start3A_144 = arith.constant 0 : i32
    %dma_start3A_145 = arith.constant 0 : i32
    %dma_start3A_146 = tpu.memref_slice %arg3[%dma_start3A_144, %dma_start3A_145] : memref<2031616x16xf32, #tpu.memory_space<hbm>> -> memref<2031616x16xf32, #tpu.memory_space<hbm>>
    tpu.enqueue_indirect_dma source(%dma_start3A_146 : memref<2031616x16xf32, #tpu.memory_space<hbm>>) target(%arg6 : memref<128x16xf32, #tpu.memory_space<vmem>>) offsets(%dma_start3A_143 : memref<128xi32, #tpu.memory_space<vmem>>) semaphore(%arg8 : memref<!tpu.dma_semaphore, #tpu.memory_space<semaphore_mem>>) {add = true}
    %dma_start3A_147 = arith.constant 20 : i32
    %dma_start3A_148 = arith.constant 0 : i32
    %dma_start3A_149 = tpu.memref_slice %arg5[%dma_start3A_147, %dma_start3A_148] : memref<100x128xi32, #tpu.memory_space<vmem>> -> memref<1x128xi32, #tpu.memory_space<vmem>>
    %dma_start3A_150 = tpu.memref_squeeze %dma_start3A_149 : memref<1x128xi32, #tpu.memory_space<vmem>> -> memref<128xi32, #tpu.memory_space<vmem>>
    %dma_start3A_151 = arith.constant 0 : i32
    %dma_start3A_152 = arith.constant 0 : i32
    %dma_start3A_153 = tpu.memref_slice %arg3[%dma_start3A_151, %dma_start3A_152] : memref<2031616x16xf32, #tpu.memory_space<hbm>> -> memref<2031616x16xf32, #tpu.memory_space<hbm>>
    tpu.enqueue_indirect_dma source(%dma_start3A_153 : memref<2031616x16xf32, #tpu.memory_space<hbm>>) target(%arg6 : memref<128x16xf32, #tpu.memory_space<vmem>>) offsets(%dma_start3A_150 : memref<128xi32, #tpu.memory_space<vmem>>) semaphore(%arg8 : memref<!tpu.dma_semaphore, #tpu.memory_space<semaphore_mem>>) {add = true}
    %dma_start3A_154 = arith.constant 21 : i32
    %dma_start3A_155 = arith.constant 0 : i32
    %dma_start3A_156 = tpu.memref_slice %arg5[%dma_start3A_154, %dma_start3A_155] : memref<100x128xi32, #tpu.memory_space<vmem>> -> memref<1x128xi32, #tpu.memory_space<vmem>>
    %dma_start3A_157 = tpu.memref_squeeze %dma_start3A_156 : memref<1x128xi32, #tpu.memory_space<vmem>> -> memref<128xi32, #tpu.memory_space<vmem>>
    %dma_start3A_158 = arith.constant 0 : i32
    %dma_start3A_159 = arith.constant 0 : i32
    %dma_start3A_160 = tpu.memref_slice %arg3[%dma_start3A_158, %dma_start3A_159] : memref<2031616x16xf32, #tpu.memory_space<hbm>> -> memref<2031616x16xf32, #tpu.memory_space<hbm>>
    tpu.enqueue_indirect_dma source(%dma_start3A_160 : memref<2031616x16xf32, #tpu.memory_space<hbm>>) target(%arg6 : memref<128x16xf32, #tpu.memory_space<vmem>>) offsets(%dma_start3A_157 : memref<128xi32, #tpu.memory_space<vmem>>) semaphore(%arg8 : memref<!tpu.dma_semaphore, #tpu.memory_space<semaphore_mem>>) {add = true}
    %dma_start3A_161 = arith.constant 22 : i32
    %dma_start3A_162 = arith.constant 0 : i32
    %dma_start3A_163 = tpu.memref_slice %arg5[%dma_start3A_161, %dma_start3A_162] : memref<100x128xi32, #tpu.memory_space<vmem>> -> memref<1x128xi32, #tpu.memory_space<vmem>>
    %dma_start3A_164 = tpu.memref_squeeze %dma_start3A_163 : memref<1x128xi32, #tpu.memory_space<vmem>> -> memref<128xi32, #tpu.memory_space<vmem>>
    %dma_start3A_165 = arith.constant 0 : i32
    %dma_start3A_166 = arith.constant 0 : i32
    %dma_start3A_167 = tpu.memref_slice %arg3[%dma_start3A_165, %dma_start3A_166] : memref<2031616x16xf32, #tpu.memory_space<hbm>> -> memref<2031616x16xf32, #tpu.memory_space<hbm>>
    tpu.enqueue_indirect_dma source(%dma_start3A_167 : memref<2031616x16xf32, #tpu.memory_space<hbm>>) target(%arg6 : memref<128x16xf32, #tpu.memory_space<vmem>>) offsets(%dma_start3A_164 : memref<128xi32, #tpu.memory_space<vmem>>) semaphore(%arg8 : memref<!tpu.dma_semaphore, #tpu.memory_space<semaphore_mem>>) {add = true}
    %dma_start3A_168 = arith.constant 23 : i32
    %dma_start3A_169 = arith.constant 0 : i32
    %dma_start3A_170 = tpu.memref_slice %arg5[%dma_start3A_168, %dma_start3A_169] : memref<100x128xi32, #tpu.memory_space<vmem>> -> memref<1x128xi32, #tpu.memory_space<vmem>>
    %dma_start3A_171 = tpu.memref_squeeze %dma_start3A_170 : memref<1x128xi32, #tpu.memory_space<vmem>> -> memref<128xi32, #tpu.memory_space<vmem>>
    %dma_start3A_172 = arith.constant 0 : i32
    %dma_start3A_173 = arith.constant 0 : i32
    %dma_start3A_174 = tpu.memref_slice %arg3[%dma_start3A_172, %dma_start3A_173] : memref<2031616x16xf32, #tpu.memory_space<hbm>> -> memref<2031616x16xf32, #tpu.memory_space<hbm>>
    tpu.enqueue_indirect_dma source(%dma_start3A_174 : memref<2031616x16xf32, #tpu.memory_space<hbm>>) target(%arg6 : memref<128x16xf32, #tpu.memory_space<vmem>>) offsets(%dma_start3A_171 : memref<128xi32, #tpu.memory_space<vmem>>) semaphore(%arg8 : memref<!tpu.dma_semaphore, #tpu.memory_space<semaphore_mem>>) {add = true}
    %dma_start3A_175 = arith.constant 24 : i32
    %dma_start3A_176 = arith.constant 0 : i32
    %dma_start3A_177 = tpu.memref_slice %arg5[%dma_start3A_175, %dma_start3A_176] : memref<100x128xi32, #tpu.memory_space<vmem>> -> memref<1x128xi32, #tpu.memory_space<vmem>>
    %dma_start3A_178 = tpu.memref_squeeze %dma_start3A_177 : memref<1x128xi32, #tpu.memory_space<vmem>> -> memref<128xi32, #tpu.memory_space<vmem>>
    %dma_start3A_179 = arith.constant 0 : i32
    %dma_start3A_180 = arith.constant 0 : i32
    %dma_start3A_181 = tpu.memref_slice %arg3[%dma_start3A_179, %dma_start3A_180] : memref<2031616x16xf32, #tpu.memory_space<hbm>> -> memref<2031616x16xf32, #tpu.memory_space<hbm>>
    tpu.enqueue_indirect_dma source(%dma_start3A_181 : memref<2031616x16xf32, #tpu.memory_space<hbm>>) target(%arg6 : memref<128x16xf32, #tpu.memory_space<vmem>>) offsets(%dma_start3A_178 : memref<128xi32, #tpu.memory_space<vmem>>) semaphore(%arg8 : memref<!tpu.dma_semaphore, #tpu.memory_space<semaphore_mem>>) {add = true}
    %dma_start3A_182 = arith.constant 25 : i32
    %dma_start3A_183 = arith.constant 0 : i32
    %dma_start3A_184 = tpu.memref_slice %arg5[%dma_start3A_182, %dma_start3A_183] : memref<100x128xi32, #tpu.memory_space<vmem>> -> memref<1x128xi32, #tpu.memory_space<vmem>>
    %dma_start3A_185 = tpu.memref_squeeze %dma_start3A_184 : memref<1x128xi32, #tpu.memory_space<vmem>> -> memref<128xi32, #tpu.memory_space<vmem>>
    %dma_start3A_186 = arith.constant 0 : i32
    %dma_start3A_187 = arith.constant 0 : i32
    %dma_start3A_188 = tpu.memref_slice %arg3[%dma_start3A_186, %dma_start3A_187] : memref<2031616x16xf32, #tpu.memory_space<hbm>> -> memref<2031616x16xf32, #tpu.memory_space<hbm>>
    tpu.enqueue_indirect_dma source(%dma_start3A_188 : memref<2031616x16xf32, #tpu.memory_space<hbm>>) target(%arg6 : memref<128x16xf32, #tpu.memory_space<vmem>>) offsets(%dma_start3A_185 : memref<128xi32, #tpu.memory_space<vmem>>) semaphore(%arg8 : memref<!tpu.dma_semaphore, #tpu.memory_space<semaphore_mem>>) {add = true}
    %dma_start3A_189 = arith.constant 26 : i32
    %dma_start3A_190 = arith.constant 0 : i32
    %dma_start3A_191 = tpu.memref_slice %arg5[%dma_start3A_189, %dma_start3A_190] : memref<100x128xi32, #tpu.memory_space<vmem>> -> memref<1x128xi32, #tpu.memory_space<vmem>>
    %dma_start3A_192 = tpu.memref_squeeze %dma_start3A_191 : memref<1x128xi32, #tpu.memory_space<vmem>> -> memref<128xi32, #tpu.memory_space<vmem>>
    %dma_start3A_193 = arith.constant 0 : i32
    %dma_start3A_194 = arith.constant 0 : i32
    %dma_start3A_195 = tpu.memref_slice %arg3[%dma_start3A_193, %dma_start3A_194] : memref<2031616x16xf32, #tpu.memory_space<hbm>> -> memref<2031616x16xf32, #tpu.memory_space<hbm>>
    tpu.enqueue_indirect_dma source(%dma_start3A_195 : memref<2031616x16xf32, #tpu.memory_space<hbm>>) target(%arg6 : memref<128x16xf32, #tpu.memory_space<vmem>>) offsets(%dma_start3A_192 : memref<128xi32, #tpu.memory_space<vmem>>) semaphore(%arg8 : memref<!tpu.dma_semaphore, #tpu.memory_space<semaphore_mem>>) {add = true}
    %dma_start3A_196 = arith.constant 27 : i32
    %dma_start3A_197 = arith.constant 0 : i32
    %dma_start3A_198 = tpu.memref_slice %arg5[%dma_start3A_196, %dma_start3A_197] : memref<100x128xi32, #tpu.memory_space<vmem>> -> memref<1x128xi32, #tpu.memory_space<vmem>>
    %dma_start3A_199 = tpu.memref_squeeze %dma_start3A_198 : memref<1x128xi32, #tpu.memory_space<vmem>> -> memref<128xi32, #tpu.memory_space<vmem>>
    %dma_start3A_200 = arith.constant 0 : i32
    %dma_start3A_201 = arith.constant 0 : i32
    %dma_start3A_202 = tpu.memref_slice %arg3[%dma_start3A_200, %dma_start3A_201] : memref<2031616x16xf32, #tpu.memory_space<hbm>> -> memref<2031616x16xf32, #tpu.memory_space<hbm>>
    tpu.enqueue_indirect_dma source(%dma_start3A_202 : memref<2031616x16xf32, #tpu.memory_space<hbm>>) target(%arg6 : memref<128x16xf32, #tpu.memory_space<vmem>>) offsets(%dma_start3A_199 : memref<128xi32, #tpu.memory_space<vmem>>) semaphore(%arg8 : memref<!tpu.dma_semaphore, #tpu.memory_space<semaphore_mem>>) {add = true}
    %dma_start3A_203 = arith.constant 28 : i32
    %dma_start3A_204 = arith.constant 0 : i32
    %dma_start3A_205 = tpu.memref_slice %arg5[%dma_start3A_203, %dma_start3A_204] : memref<100x128xi32, #tpu.memory_space<vmem>> -> memref<1x128xi32, #tpu.memory_space<vmem>>
    %dma_start3A_206 = tpu.memref_squeeze %dma_start3A_205 : memref<1x128xi32, #tpu.memory_space<vmem>> -> memref<128xi32, #tpu.memory_space<vmem>>
    %dma_start3A_207 = arith.constant 0 : i32
    %dma_start3A_208 = arith.constant 0 : i32
    %dma_start3A_209 = tpu.memref_slice %arg3[%dma_start3A_207, %dma_start3A_208] : memref<2031616x16xf32, #tpu.memory_space<hbm>> -> memref<2031616x16xf32, #tpu.memory_space<hbm>>
    tpu.enqueue_indirect_dma source(%dma_start3A_209 : memref<2031616x16xf32, #tpu.memory_space<hbm>>) target(%arg6 : memref<128x16xf32, #tpu.memory_space<vmem>>) offsets(%dma_start3A_206 : memref<128xi32, #tpu.memory_space<vmem>>) semaphore(%arg8 : memref<!tpu.dma_semaphore, #tpu.memory_space<semaphore_mem>>) {add = true}
    %dma_start3A_210 = arith.constant 29 : i32
    %dma_start3A_211 = arith.constant 0 : i32
    %dma_start3A_212 = tpu.memref_slice %arg5[%dma_start3A_210, %dma_start3A_211] : memref<100x128xi32, #tpu.memory_space<vmem>> -> memref<1x128xi32, #tpu.memory_space<vmem>>
    %dma_start3A_213 = tpu.memref_squeeze %dma_start3A_212 : memref<1x128xi32, #tpu.memory_space<vmem>> -> memref<128xi32, #tpu.memory_space<vmem>>
    %dma_start3A_214 = arith.constant 0 : i32
    %dma_start3A_215 = arith.constant 0 : i32
    %dma_start3A_216 = tpu.memref_slice %arg3[%dma_start3A_214, %dma_start3A_215] : memref<2031616x16xf32, #tpu.memory_space<hbm>> -> memref<2031616x16xf32, #tpu.memory_space<hbm>>
    tpu.enqueue_indirect_dma source(%dma_start3A_216 : memref<2031616x16xf32, #tpu.memory_space<hbm>>) target(%arg6 : memref<128x16xf32, #tpu.memory_space<vmem>>) offsets(%dma_start3A_213 : memref<128xi32, #tpu.memory_space<vmem>>) semaphore(%arg8 : memref<!tpu.dma_semaphore, #tpu.memory_space<semaphore_mem>>) {add = true}
    %dma_start3A_217 = arith.constant 30 : i32
    %dma_start3A_218 = arith.constant 0 : i32
    %dma_start3A_219 = tpu.memref_slice %arg5[%dma_start3A_217, %dma_start3A_218] : memref<100x128xi32, #tpu.memory_space<vmem>> -> memref<1x128xi32, #tpu.memory_space<vmem>>
    %dma_start3A_220 = tpu.memref_squeeze %dma_start3A_219 : memref<1x128xi32, #tpu.memory_space<vmem>> -> memref<128xi32, #tpu.memory_space<vmem>>
    %dma_start3A_221 = arith.constant 0 : i32
    %dma_start3A_222 = arith.constant 0 : i32
    %dma_start3A_223 = tpu.memref_slice %arg3[%dma_start3A_221, %dma_start3A_222] : memref<2031616x16xf32, #tpu.memory_space<hbm>> -> memref<2031616x16xf32, #tpu.memory_space<hbm>>
    tpu.enqueue_indirect_dma source(%dma_start3A_223 : memref<2031616x16xf32, #tpu.memory_space<hbm>>) target(%arg6 : memref<128x16xf32, #tpu.memory_space<vmem>>) offsets(%dma_start3A_220 : memref<128xi32, #tpu.memory_space<vmem>>) semaphore(%arg8 : memref<!tpu.dma_semaphore, #tpu.memory_space<semaphore_mem>>) {add = true}
    %dma_start3A_224 = arith.constant 31 : i32
    %dma_start3A_225 = arith.constant 0 : i32
    %dma_start3A_226 = tpu.memref_slice %arg5[%dma_start3A_224, %dma_start3A_225] : memref<100x128xi32, #tpu.memory_space<vmem>> -> memref<1x128xi32, #tpu.memory_space<vmem>>
    %dma_start3A_227 = tpu.memref_squeeze %dma_start3A_226 : memref<1x128xi32, #tpu.memory_space<vmem>> -> memref<128xi32, #tpu.memory_space<vmem>>
    %dma_start3A_228 = arith.constant 0 : i32
    %dma_start3A_229 = arith.constant 0 : i32
    %dma_start3A_230 = tpu.memref_slice %arg3[%dma_start3A_228, %dma_start3A_229] : memref<2031616x16xf32, #tpu.memory_space<hbm>> -> memref<2031616x16xf32, #tpu.memory_space<hbm>>
    tpu.enqueue_indirect_dma source(%dma_start3A_230 : memref<2031616x16xf32, #tpu.memory_space<hbm>>) target(%arg6 : memref<128x16xf32, #tpu.memory_space<vmem>>) offsets(%dma_start3A_227 : memref<128xi32, #tpu.memory_space<vmem>>) semaphore(%arg8 : memref<!tpu.dma_semaphore, #tpu.memory_space<semaphore_mem>>) {add = true}
    %dma_start3A_231 = arith.constant 32 : i32
    %dma_start3A_232 = arith.constant 0 : i32
    %dma_start3A_233 = tpu.memref_slice %arg5[%dma_start3A_231, %dma_start3A_232] : memref<100x128xi32, #tpu.memory_space<vmem>> -> memref<1x128xi32, #tpu.memory_space<vmem>>
    %dma_start3A_234 = tpu.memref_squeeze %dma_start3A_233 : memref<1x128xi32, #tpu.memory_space<vmem>> -> memref<128xi32, #tpu.memory_space<vmem>>
    %dma_start3A_235 = arith.constant 0 : i32
    %dma_start3A_236 = arith.constant 0 : i32
    %dma_start3A_237 = tpu.memref_slice %arg3[%dma_start3A_235, %dma_start3A_236] : memref<2031616x16xf32, #tpu.memory_space<hbm>> -> memref<2031616x16xf32, #tpu.memory_space<hbm>>
    tpu.enqueue_indirect_dma source(%dma_start3A_237 : memref<2031616x16xf32, #tpu.memory_space<hbm>>) target(%arg6 : memref<128x16xf32, #tpu.memory_space<vmem>>) offsets(%dma_start3A_234 : memref<128xi32, #tpu.memory_space<vmem>>) semaphore(%arg8 : memref<!tpu.dma_semaphore, #tpu.memory_space<semaphore_mem>>) {add = true}
    %dma_start3A_238 = arith.constant 33 : i32
    %dma_start3A_239 = arith.constant 0 : i32
    %dma_start3A_240 = tpu.memref_slice %arg5[%dma_start3A_238, %dma_start3A_239] : memref<100x128xi32, #tpu.memory_space<vmem>> -> memref<1x128xi32, #tpu.memory_space<vmem>>
    %dma_start3A_241 = tpu.memref_squeeze %dma_start3A_240 : memref<1x128xi32, #tpu.memory_space<vmem>> -> memref<128xi32, #tpu.memory_space<vmem>>
    %dma_start3A_242 = arith.constant 0 : i32
    %dma_start3A_243 = arith.constant 0 : i32
    %dma_start3A_244 = tpu.memref_slice %arg3[%dma_start3A_242, %dma_start3A_243] : memref<2031616x16xf32, #tpu.memory_space<hbm>> -> memref<2031616x16xf32, #tpu.memory_space<hbm>>
    tpu.enqueue_indirect_dma source(%dma_start3A_244 : memref<2031616x16xf32, #tpu.memory_space<hbm>>) target(%arg6 : memref<128x16xf32, #tpu.memory_space<vmem>>) offsets(%dma_start3A_241 : memref<128xi32, #tpu.memory_space<vmem>>) semaphore(%arg8 : memref<!tpu.dma_semaphore, #tpu.memory_space<semaphore_mem>>) {add = true}
    %dma_start3A_245 = arith.constant 34 : i32
    %dma_start3A_246 = arith.constant 0 : i32
    %dma_start3A_247 = tpu.memref_slice %arg5[%dma_start3A_245, %dma_start3A_246] : memref<100x128xi32, #tpu.memory_space<vmem>> -> memref<1x128xi32, #tpu.memory_space<vmem>>
    %dma_start3A_248 = tpu.memref_squeeze %dma_start3A_247 : memref<1x128xi32, #tpu.memory_space<vmem>> -> memref<128xi32, #tpu.memory_space<vmem>>
    %dma_start3A_249 = arith.constant 0 : i32
    %dma_start3A_250 = arith.constant 0 : i32
    %dma_start3A_251 = tpu.memref_slice %arg3[%dma_start3A_249, %dma_start3A_250] : memref<2031616x16xf32, #tpu.memory_space<hbm>> -> memref<2031616x16xf32, #tpu.memory_space<hbm>>
    tpu.enqueue_indirect_dma source(%dma_start3A_251 : memref<2031616x16xf32, #tpu.memory_space<hbm>>) target(%arg6 : memref<128x16xf32, #tpu.memory_space<vmem>>) offsets(%dma_start3A_248 : memref<128xi32, #tpu.memory_space<vmem>>) semaphore(%arg8 : memref<!tpu.dma_semaphore, #tpu.memory_space<semaphore_mem>>) {add = true}
    %dma_start3A_252 = arith.constant 35 : i32
    %dma_start3A_253 = arith.constant 0 : i32
    %dma_start3A_254 = tpu.memref_slice %arg5[%dma_start3A_252, %dma_start3A_253] : memref<100x128xi32, #tpu.memory_space<vmem>> -> memref<1x128xi32, #tpu.memory_space<vmem>>
    %dma_start3A_255 = tpu.memref_squeeze %dma_start3A_254 : memref<1x128xi32, #tpu.memory_space<vmem>> -> memref<128xi32, #tpu.memory_space<vmem>>
    %dma_start3A_256 = arith.constant 0 : i32
    %dma_start3A_257 = arith.constant 0 : i32
    %dma_start3A_258 = tpu.memref_slice %arg3[%dma_start3A_256, %dma_start3A_257] : memref<2031616x16xf32, #tpu.memory_space<hbm>> -> memref<2031616x16xf32, #tpu.memory_space<hbm>>
    tpu.enqueue_indirect_dma source(%dma_start3A_258 : memref<2031616x16xf32, #tpu.memory_space<hbm>>) target(%arg6 : memref<128x16xf32, #tpu.memory_space<vmem>>) offsets(%dma_start3A_255 : memref<128xi32, #tpu.memory_space<vmem>>) semaphore(%arg8 : memref<!tpu.dma_semaphore, #tpu.memory_space<semaphore_mem>>) {add = true}
    %dma_start3A_259 = arith.constant 36 : i32
    %dma_start3A_260 = arith.constant 0 : i32
    %dma_start3A_261 = tpu.memref_slice %arg5[%dma_start3A_259, %dma_start3A_260] : memref<100x128xi32, #tpu.memory_space<vmem>> -> memref<1x128xi32, #tpu.memory_space<vmem>>
    %dma_start3A_262 = tpu.memref_squeeze %dma_start3A_261 : memref<1x128xi32, #tpu.memory_space<vmem>> -> memref<128xi32, #tpu.memory_space<vmem>>
    %dma_start3A_263 = arith.constant 0 : i32
    %dma_start3A_264 = arith.constant 0 : i32
    %dma_start3A_265 = tpu.memref_slice %arg3[%dma_start3A_263, %dma_start3A_264] : memref<2031616x16xf32, #tpu.memory_space<hbm>> -> memref<2031616x16xf32, #tpu.memory_space<hbm>>
    tpu.enqueue_indirect_dma source(%dma_start3A_265 : memref<2031616x16xf32, #tpu.memory_space<hbm>>) target(%arg6 : memref<128x16xf32, #tpu.memory_space<vmem>>) offsets(%dma_start3A_262 : memref<128xi32, #tpu.memory_space<vmem>>) semaphore(%arg8 : memref<!tpu.dma_semaphore, #tpu.memory_space<semaphore_mem>>) {add = true}
    %dma_start3A_266 = arith.constant 37 : i32
    %dma_start3A_267 = arith.constant 0 : i32
    %dma_start3A_268 = tpu.memref_slice %arg5[%dma_start3A_266, %dma_start3A_267] : memref<100x128xi32, #tpu.memory_space<vmem>> -> memref<1x128xi32, #tpu.memory_space<vmem>>
    %dma_start3A_269 = tpu.memref_squeeze %dma_start3A_268 : memref<1x128xi32, #tpu.memory_space<vmem>> -> memref<128xi32, #tpu.memory_space<vmem>>
    %dma_start3A_270 = arith.constant 0 : i32
    %dma_start3A_271 = arith.constant 0 : i32
    %dma_start3A_272 = tpu.memref_slice %arg3[%dma_start3A_270, %dma_start3A_271] : memref<2031616x16xf32, #tpu.memory_space<hbm>> -> memref<2031616x16xf32, #tpu.memory_space<hbm>>
    tpu.enqueue_indirect_dma source(%dma_start3A_272 : memref<2031616x16xf32, #tpu.memory_space<hbm>>) target(%arg6 : memref<128x16xf32, #tpu.memory_space<vmem>>) offsets(%dma_start3A_269 : memref<128xi32, #tpu.memory_space<vmem>>) semaphore(%arg8 : memref<!tpu.dma_semaphore, #tpu.memory_space<semaphore_mem>>) {add = true}
    %dma_start3A_273 = arith.constant 38 : i32
    %dma_start3A_274 = arith.constant 0 : i32
    %dma_start3A_275 = tpu.memref_slice %arg5[%dma_start3A_273, %dma_start3A_274] : memref<100x128xi32, #tpu.memory_space<vmem>> -> memref<1x128xi32, #tpu.memory_space<vmem>>
    %dma_start3A_276 = tpu.memref_squeeze %dma_start3A_275 : memref<1x128xi32, #tpu.memory_space<vmem>> -> memref<128xi32, #tpu.memory_space<vmem>>
    %dma_start3A_277 = arith.constant 0 : i32
    %dma_start3A_278 = arith.constant 0 : i32
    %dma_start3A_279 = tpu.memref_slice %arg3[%dma_start3A_277, %dma_start3A_278] : memref<2031616x16xf32, #tpu.memory_space<hbm>> -> memref<2031616x16xf32, #tpu.memory_space<hbm>>
    tpu.enqueue_indirect_dma source(%dma_start3A_279 : memref<2031616x16xf32, #tpu.memory_space<hbm>>) target(%arg6 : memref<128x16xf32, #tpu.memory_space<vmem>>) offsets(%dma_start3A_276 : memref<128xi32, #tpu.memory_space<vmem>>) semaphore(%arg8 : memref<!tpu.dma_semaphore, #tpu.memory_space<semaphore_mem>>) {add = true}
    %dma_start3A_280 = arith.constant 39 : i32
    %dma_start3A_281 = arith.constant 0 : i32
    %dma_start3A_282 = tpu.memref_slice %arg5[%dma_start3A_280, %dma_start3A_281] : memref<100x128xi32, #tpu.memory_space<vmem>> -> memref<1x128xi32, #tpu.memory_space<vmem>>
    %dma_start3A_283 = tpu.memref_squeeze %dma_start3A_282 : memref<1x128xi32, #tpu.memory_space<vmem>> -> memref<128xi32, #tpu.memory_space<vmem>>
    %dma_start3A_284 = arith.constant 0 : i32
    %dma_start3A_285 = arith.constant 0 : i32
    %dma_start3A_286 = tpu.memref_slice %arg3[%dma_start3A_284, %dma_start3A_285] : memref<2031616x16xf32, #tpu.memory_space<hbm>> -> memref<2031616x16xf32, #tpu.memory_space<hbm>>
    tpu.enqueue_indirect_dma source(%dma_start3A_286 : memref<2031616x16xf32, #tpu.memory_space<hbm>>) target(%arg6 : memref<128x16xf32, #tpu.memory_space<vmem>>) offsets(%dma_start3A_283 : memref<128xi32, #tpu.memory_space<vmem>>) semaphore(%arg8 : memref<!tpu.dma_semaphore, #tpu.memory_space<semaphore_mem>>) {add = true}
    %dma_start3A_287 = arith.constant 40 : i32
    %dma_start3A_288 = arith.constant 0 : i32
    %dma_start3A_289 = tpu.memref_slice %arg5[%dma_start3A_287, %dma_start3A_288] : memref<100x128xi32, #tpu.memory_space<vmem>> -> memref<1x128xi32, #tpu.memory_space<vmem>>
    %dma_start3A_290 = tpu.memref_squeeze %dma_start3A_289 : memref<1x128xi32, #tpu.memory_space<vmem>> -> memref<128xi32, #tpu.memory_space<vmem>>
    %dma_start3A_291 = arith.constant 0 : i32
    %dma_start3A_292 = arith.constant 0 : i32
    %dma_start3A_293 = tpu.memref_slice %arg3[%dma_start3A_291, %dma_start3A_292] : memref<2031616x16xf32, #tpu.memory_space<hbm>> -> memref<2031616x16xf32, #tpu.memory_space<hbm>>
    tpu.enqueue_indirect_dma source(%dma_start3A_293 : memref<2031616x16xf32, #tpu.memory_space<hbm>>) target(%arg6 : memref<128x16xf32, #tpu.memory_space<vmem>>) offsets(%dma_start3A_290 : memref<128xi32, #tpu.memory_space<vmem>>) semaphore(%arg8 : memref<!tpu.dma_semaphore, #tpu.memory_space<semaphore_mem>>) {add = true}
    %dma_start3A_294 = arith.constant 41 : i32
    %dma_start3A_295 = arith.constant 0 : i32
    %dma_start3A_296 = tpu.memref_slice %arg5[%dma_start3A_294, %dma_start3A_295] : memref<100x128xi32, #tpu.memory_space<vmem>> -> memref<1x128xi32, #tpu.memory_space<vmem>>
    %dma_start3A_297 = tpu.memref_squeeze %dma_start3A_296 : memref<1x128xi32, #tpu.memory_space<vmem>> -> memref<128xi32, #tpu.memory_space<vmem>>
    %dma_start3A_298 = arith.constant 0 : i32
    %dma_start3A_299 = arith.constant 0 : i32
    %dma_start3A_300 = tpu.memref_slice %arg3[%dma_start3A_298, %dma_start3A_299] : memref<2031616x16xf32, #tpu.memory_space<hbm>> -> memref<2031616x16xf32, #tpu.memory_space<hbm>>
    tpu.enqueue_indirect_dma source(%dma_start3A_300 : memref<2031616x16xf32, #tpu.memory_space<hbm>>) target(%arg6 : memref<128x16xf32, #tpu.memory_space<vmem>>) offsets(%dma_start3A_297 : memref<128xi32, #tpu.memory_space<vmem>>) semaphore(%arg8 : memref<!tpu.dma_semaphore, #tpu.memory_space<semaphore_mem>>) {add = true}
    %dma_start3A_301 = arith.constant 42 : i32
    %dma_start3A_302 = arith.constant 0 : i32
    %dma_start3A_303 = tpu.memref_slice %arg5[%dma_start3A_301, %dma_start3A_302] : memref<100x128xi32, #tpu.memory_space<vmem>> -> memref<1x128xi32, #tpu.memory_space<vmem>>
    %dma_start3A_304 = tpu.memref_squeeze %dma_start3A_303 : memref<1x128xi32, #tpu.memory_space<vmem>> -> memref<128xi32, #tpu.memory_space<vmem>>
    %dma_start3A_305 = arith.constant 0 : i32
    %dma_start3A_306 = arith.constant 0 : i32
    %dma_start3A_307 = tpu.memref_slice %arg3[%dma_start3A_305, %dma_start3A_306] : memref<2031616x16xf32, #tpu.memory_space<hbm>> -> memref<2031616x16xf32, #tpu.memory_space<hbm>>
    tpu.enqueue_indirect_dma source(%dma_start3A_307 : memref<2031616x16xf32, #tpu.memory_space<hbm>>) target(%arg6 : memref<128x16xf32, #tpu.memory_space<vmem>>) offsets(%dma_start3A_304 : memref<128xi32, #tpu.memory_space<vmem>>) semaphore(%arg8 : memref<!tpu.dma_semaphore, #tpu.memory_space<semaphore_mem>>) {add = true}
    %dma_start3A_308 = arith.constant 43 : i32
    %dma_start3A_309 = arith.constant 0 : i32
    %dma_start3A_310 = tpu.memref_slice %arg5[%dma_start3A_308, %dma_start3A_309] : memref<100x128xi32, #tpu.memory_space<vmem>> -> memref<1x128xi32, #tpu.memory_space<vmem>>
    %dma_start3A_311 = tpu.memref_squeeze %dma_start3A_310 : memref<1x128xi32, #tpu.memory_space<vmem>> -> memref<128xi32, #tpu.memory_space<vmem>>
    %dma_start3A_312 = arith.constant 0 : i32
    %dma_start3A_313 = arith.constant 0 : i32
    %dma_start3A_314 = tpu.memref_slice %arg3[%dma_start3A_312, %dma_start3A_313] : memref<2031616x16xf32, #tpu.memory_space<hbm>> -> memref<2031616x16xf32, #tpu.memory_space<hbm>>
    tpu.enqueue_indirect_dma source(%dma_start3A_314 : memref<2031616x16xf32, #tpu.memory_space<hbm>>) target(%arg6 : memref<128x16xf32, #tpu.memory_space<vmem>>) offsets(%dma_start3A_311 : memref<128xi32, #tpu.memory_space<vmem>>) semaphore(%arg8 : memref<!tpu.dma_semaphore, #tpu.memory_space<semaphore_mem>>) {add = true}
    %dma_start3A_315 = arith.constant 44 : i32
    %dma_start3A_316 = arith.constant 0 : i32
    %dma_start3A_317 = tpu.memref_slice %arg5[%dma_start3A_315, %dma_start3A_316] : memref<100x128xi32, #tpu.memory_space<vmem>> -> memref<1x128xi32, #tpu.memory_space<vmem>>
    %dma_start3A_318 = tpu.memref_squeeze %dma_start3A_317 : memref<1x128xi32, #tpu.memory_space<vmem>> -> memref<128xi32, #tpu.memory_space<vmem>>
    %dma_start3A_319 = arith.constant 0 : i32
    %dma_start3A_320 = arith.constant 0 : i32
    %dma_start3A_321 = tpu.memref_slice %arg3[%dma_start3A_319, %dma_start3A_320] : memref<2031616x16xf32, #tpu.memory_space<hbm>> -> memref<2031616x16xf32, #tpu.memory_space<hbm>>
    tpu.enqueue_indirect_dma source(%dma_start3A_321 : memref<2031616x16xf32, #tpu.memory_space<hbm>>) target(%arg6 : memref<128x16xf32, #tpu.memory_space<vmem>>) offsets(%dma_start3A_318 : memref<128xi32, #tpu.memory_space<vmem>>) semaphore(%arg8 : memref<!tpu.dma_semaphore, #tpu.memory_space<semaphore_mem>>) {add = true}
    %dma_start3A_322 = arith.constant 45 : i32
    %dma_start3A_323 = arith.constant 0 : i32
    %dma_start3A_324 = tpu.memref_slice %arg5[%dma_start3A_322, %dma_start3A_323] : memref<100x128xi32, #tpu.memory_space<vmem>> -> memref<1x128xi32, #tpu.memory_space<vmem>>
    %dma_start3A_325 = tpu.memref_squeeze %dma_start3A_324 : memref<1x128xi32, #tpu.memory_space<vmem>> -> memref<128xi32, #tpu.memory_space<vmem>>
    %dma_start3A_326 = arith.constant 0 : i32
    %dma_start3A_327 = arith.constant 0 : i32
    %dma_start3A_328 = tpu.memref_slice %arg3[%dma_start3A_326, %dma_start3A_327] : memref<2031616x16xf32, #tpu.memory_space<hbm>> -> memref<2031616x16xf32, #tpu.memory_space<hbm>>
    tpu.enqueue_indirect_dma source(%dma_start3A_328 : memref<2031616x16xf32, #tpu.memory_space<hbm>>) target(%arg6 : memref<128x16xf32, #tpu.memory_space<vmem>>) offsets(%dma_start3A_325 : memref<128xi32, #tpu.memory_space<vmem>>) semaphore(%arg8 : memref<!tpu.dma_semaphore, #tpu.memory_space<semaphore_mem>>) {add = true}
    %dma_start3A_329 = arith.constant 46 : i32
    %dma_start3A_330 = arith.constant 0 : i32
    %dma_start3A_331 = tpu.memref_slice %arg5[%dma_start3A_329, %dma_start3A_330] : memref<100x128xi32, #tpu.memory_space<vmem>> -> memref<1x128xi32, #tpu.memory_space<vmem>>
    %dma_start3A_332 = tpu.memref_squeeze %dma_start3A_331 : memref<1x128xi32, #tpu.memory_space<vmem>> -> memref<128xi32, #tpu.memory_space<vmem>>
    %dma_start3A_333 = arith.constant 0 : i32
    %dma_start3A_334 = arith.constant 0 : i32
    %dma_start3A_335 = tpu.memref_slice %arg3[%dma_start3A_333, %dma_start3A_334] : memref<2031616x16xf32, #tpu.memory_space<hbm>> -> memref<2031616x16xf32, #tpu.memory_space<hbm>>
    tpu.enqueue_indirect_dma source(%dma_start3A_335 : memref<2031616x16xf32, #tpu.memory_space<hbm>>) target(%arg6 : memref<128x16xf32, #tpu.memory_space<vmem>>) offsets(%dma_start3A_332 : memref<128xi32, #tpu.memory_space<vmem>>) semaphore(%arg8 : memref<!tpu.dma_semaphore, #tpu.memory_space<semaphore_mem>>) {add = true}
    %dma_start3A_336 = arith.constant 47 : i32
    %dma_start3A_337 = arith.constant 0 : i32
    %dma_start3A_338 = tpu.memref_slice %arg5[%dma_start3A_336, %dma_start3A_337] : memref<100x128xi32, #tpu.memory_space<vmem>> -> memref<1x128xi32, #tpu.memory_space<vmem>>
    %dma_start3A_339 = tpu.memref_squeeze %dma_start3A_338 : memref<1x128xi32, #tpu.memory_space<vmem>> -> memref<128xi32, #tpu.memory_space<vmem>>
    %dma_start3A_340 = arith.constant 0 : i32
    %dma_start3A_341 = arith.constant 0 : i32
    %dma_start3A_342 = tpu.memref_slice %arg3[%dma_start3A_340, %dma_start3A_341] : memref<2031616x16xf32, #tpu.memory_space<hbm>> -> memref<2031616x16xf32, #tpu.memory_space<hbm>>
    tpu.enqueue_indirect_dma source(%dma_start3A_342 : memref<2031616x16xf32, #tpu.memory_space<hbm>>) target(%arg6 : memref<128x16xf32, #tpu.memory_space<vmem>>) offsets(%dma_start3A_339 : memref<128xi32, #tpu.memory_space<vmem>>) semaphore(%arg8 : memref<!tpu.dma_semaphore, #tpu.memory_space<semaphore_mem>>) {add = true}
    %dma_start3A_343 = arith.constant 48 : i32
    %dma_start3A_344 = arith.constant 0 : i32
    %dma_start3A_345 = tpu.memref_slice %arg5[%dma_start3A_343, %dma_start3A_344] : memref<100x128xi32, #tpu.memory_space<vmem>> -> memref<1x128xi32, #tpu.memory_space<vmem>>
    %dma_start3A_346 = tpu.memref_squeeze %dma_start3A_345 : memref<1x128xi32, #tpu.memory_space<vmem>> -> memref<128xi32, #tpu.memory_space<vmem>>
    %dma_start3A_347 = arith.constant 0 : i32
    %dma_start3A_348 = arith.constant 0 : i32
    %dma_start3A_349 = tpu.memref_slice %arg3[%dma_start3A_347, %dma_start3A_348] : memref<2031616x16xf32, #tpu.memory_space<hbm>> -> memref<2031616x16xf32, #tpu.memory_space<hbm>>
    tpu.enqueue_indirect_dma source(%dma_start3A_349 : memref<2031616x16xf32, #tpu.memory_space<hbm>>) target(%arg6 : memref<128x16xf32, #tpu.memory_space<vmem>>) offsets(%dma_start3A_346 : memref<128xi32, #tpu.memory_space<vmem>>) semaphore(%arg8 : memref<!tpu.dma_semaphore, #tpu.memory_space<semaphore_mem>>) {add = true}
    %dma_start3A_350 = arith.constant 49 : i32
    %dma_start3A_351 = arith.constant 0 : i32
    %dma_start3A_352 = tpu.memref_slice %arg5[%dma_start3A_350, %dma_start3A_351] : memref<100x128xi32, #tpu.memory_space<vmem>> -> memref<1x128xi32, #tpu.memory_space<vmem>>
    %dma_start3A_353 = tpu.memref_squeeze %dma_start3A_352 : memref<1x128xi32, #tpu.memory_space<vmem>> -> memref<128xi32, #tpu.memory_space<vmem>>
    %dma_start3A_354 = arith.constant 0 : i32
    %dma_start3A_355 = arith.constant 0 : i32
    %dma_start3A_356 = tpu.memref_slice %arg3[%dma_start3A_354, %dma_start3A_355] : memref<2031616x16xf32, #tpu.memory_space<hbm>> -> memref<2031616x16xf32, #tpu.memory_space<hbm>>
    tpu.enqueue_indirect_dma source(%dma_start3A_356 : memref<2031616x16xf32, #tpu.memory_space<hbm>>) target(%arg6 : memref<128x16xf32, #tpu.memory_space<vmem>>) offsets(%dma_start3A_353 : memref<128xi32, #tpu.memory_space<vmem>>) semaphore(%arg8 : memref<!tpu.dma_semaphore, #tpu.memory_space<semaphore_mem>>) {add = true}
    %dma_start3A_357 = arith.constant 50 : i32
    %dma_start3A_358 = arith.constant 0 : i32
    %dma_start3A_359 = tpu.memref_slice %arg5[%dma_start3A_357, %dma_start3A_358] : memref<100x128xi32, #tpu.memory_space<vmem>> -> memref<1x128xi32, #tpu.memory_space<vmem>>
    %dma_start3A_360 = tpu.memref_squeeze %dma_start3A_359 : memref<1x128xi32, #tpu.memory_space<vmem>> -> memref<128xi32, #tpu.memory_space<vmem>>
    %dma_start3A_361 = arith.constant 0 : i32
    %dma_start3A_362 = arith.constant 0 : i32
    %dma_start3A_363 = tpu.memref_slice %arg3[%dma_start3A_361, %dma_start3A_362] : memref<2031616x16xf32, #tpu.memory_space<hbm>> -> memref<2031616x16xf32, #tpu.memory_space<hbm>>
    tpu.enqueue_indirect_dma source(%dma_start3A_363 : memref<2031616x16xf32, #tpu.memory_space<hbm>>) target(%arg7 : memref<128x16xf32, #tpu.memory_space<vmem>>) offsets(%dma_start3A_360 : memref<128xi32, #tpu.memory_space<vmem>>) semaphore(%arg8 : memref<!tpu.dma_semaphore, #tpu.memory_space<semaphore_mem>>) {add = true}
    %dma_start3A_364 = arith.constant 51 : i32
    %dma_start3A_365 = arith.constant 0 : i32
    %dma_start3A_366 = tpu.memref_slice %arg5[%dma_start3A_364, %dma_start3A_365] : memref<100x128xi32, #tpu.memory_space<vmem>> -> memref<1x128xi32, #tpu.memory_space<vmem>>
    %dma_start3A_367 = tpu.memref_squeeze %dma_start3A_366 : memref<1x128xi32, #tpu.memory_space<vmem>> -> memref<128xi32, #tpu.memory_space<vmem>>
    %dma_start3A_368 = arith.constant 0 : i32
    %dma_start3A_369 = arith.constant 0 : i32
    %dma_start3A_370 = tpu.memref_slice %arg3[%dma_start3A_368, %dma_start3A_369] : memref<2031616x16xf32, #tpu.memory_space<hbm>> -> memref<2031616x16xf32, #tpu.memory_space<hbm>>
    tpu.enqueue_indirect_dma source(%dma_start3A_370 : memref<2031616x16xf32, #tpu.memory_space<hbm>>) target(%arg7 : memref<128x16xf32, #tpu.memory_space<vmem>>) offsets(%dma_start3A_367 : memref<128xi32, #tpu.memory_space<vmem>>) semaphore(%arg8 : memref<!tpu.dma_semaphore, #tpu.memory_space<semaphore_mem>>) {add = true}
    %dma_start3A_371 = arith.constant 52 : i32
    %dma_start3A_372 = arith.constant 0 : i32
    %dma_start3A_373 = tpu.memref_slice %arg5[%dma_start3A_371, %dma_start3A_372] : memref<100x128xi32, #tpu.memory_space<vmem>> -> memref<1x128xi32, #tpu.memory_space<vmem>>
    %dma_start3A_374 = tpu.memref_squeeze %dma_start3A_373 : memref<1x128xi32, #tpu.memory_space<vmem>> -> memref<128xi32, #tpu.memory_space<vmem>>
    %dma_start3A_375 = arith.constant 0 : i32
    %dma_start3A_376 = arith.constant 0 : i32
    %dma_start3A_377 = tpu.memref_slice %arg3[%dma_start3A_375, %dma_start3A_376] : memref<2031616x16xf32, #tpu.memory_space<hbm>> -> memref<2031616x16xf32, #tpu.memory_space<hbm>>
    tpu.enqueue_indirect_dma source(%dma_start3A_377 : memref<2031616x16xf32, #tpu.memory_space<hbm>>) target(%arg7 : memref<128x16xf32, #tpu.memory_space<vmem>>) offsets(%dma_start3A_374 : memref<128xi32, #tpu.memory_space<vmem>>) semaphore(%arg8 : memref<!tpu.dma_semaphore, #tpu.memory_space<semaphore_mem>>) {add = true}
    %dma_start3A_378 = arith.constant 53 : i32
    %dma_start3A_379 = arith.constant 0 : i32
    %dma_start3A_380 = tpu.memref_slice %arg5[%dma_start3A_378, %dma_start3A_379] : memref<100x128xi32, #tpu.memory_space<vmem>> -> memref<1x128xi32, #tpu.memory_space<vmem>>
    %dma_start3A_381 = tpu.memref_squeeze %dma_start3A_380 : memref<1x128xi32, #tpu.memory_space<vmem>> -> memref<128xi32, #tpu.memory_space<vmem>>
    %dma_start3A_382 = arith.constant 0 : i32
    %dma_start3A_383 = arith.constant 0 : i32
    %dma_start3A_384 = tpu.memref_slice %arg3[%dma_start3A_382, %dma_start3A_383] : memref<2031616x16xf32, #tpu.memory_space<hbm>> -> memref<2031616x16xf32, #tpu.memory_space<hbm>>
    tpu.enqueue_indirect_dma source(%dma_start3A_384 : memref<2031616x16xf32, #tpu.memory_space<hbm>>) target(%arg7 : memref<128x16xf32, #tpu.memory_space<vmem>>) offsets(%dma_start3A_381 : memref<128xi32, #tpu.memory_space<vmem>>) semaphore(%arg8 : memref<!tpu.dma_semaphore, #tpu.memory_space<semaphore_mem>>) {add = true}
    %dma_start3A_385 = arith.constant 54 : i32
    %dma_start3A_386 = arith.constant 0 : i32
    %dma_start3A_387 = tpu.memref_slice %arg5[%dma_start3A_385, %dma_start3A_386] : memref<100x128xi32, #tpu.memory_space<vmem>> -> memref<1x128xi32, #tpu.memory_space<vmem>>
    %dma_start3A_388 = tpu.memref_squeeze %dma_start3A_387 : memref<1x128xi32, #tpu.memory_space<vmem>> -> memref<128xi32, #tpu.memory_space<vmem>>
    %dma_start3A_389 = arith.constant 0 : i32
    %dma_start3A_390 = arith.constant 0 : i32
    %dma_start3A_391 = tpu.memref_slice %arg3[%dma_start3A_389, %dma_start3A_390] : memref<2031616x16xf32, #tpu.memory_space<hbm>> -> memref<2031616x16xf32, #tpu.memory_space<hbm>>
    tpu.enqueue_indirect_dma source(%dma_start3A_391 : memref<2031616x16xf32, #tpu.memory_space<hbm>>) target(%arg7 : memref<128x16xf32, #tpu.memory_space<vmem>>) offsets(%dma_start3A_388 : memref<128xi32, #tpu.memory_space<vmem>>) semaphore(%arg8 : memref<!tpu.dma_semaphore, #tpu.memory_space<semaphore_mem>>) {add = true}
    %dma_start3A_392 = arith.constant 55 : i32
    %dma_start3A_393 = arith.constant 0 : i32
    %dma_start3A_394 = tpu.memref_slice %arg5[%dma_start3A_392, %dma_start3A_393] : memref<100x128xi32, #tpu.memory_space<vmem>> -> memref<1x128xi32, #tpu.memory_space<vmem>>
    %dma_start3A_395 = tpu.memref_squeeze %dma_start3A_394 : memref<1x128xi32, #tpu.memory_space<vmem>> -> memref<128xi32, #tpu.memory_space<vmem>>
    %dma_start3A_396 = arith.constant 0 : i32
    %dma_start3A_397 = arith.constant 0 : i32
    %dma_start3A_398 = tpu.memref_slice %arg3[%dma_start3A_396, %dma_start3A_397] : memref<2031616x16xf32, #tpu.memory_space<hbm>> -> memref<2031616x16xf32, #tpu.memory_space<hbm>>
    tpu.enqueue_indirect_dma source(%dma_start3A_398 : memref<2031616x16xf32, #tpu.memory_space<hbm>>) target(%arg7 : memref<128x16xf32, #tpu.memory_space<vmem>>) offsets(%dma_start3A_395 : memref<128xi32, #tpu.memory_space<vmem>>) semaphore(%arg8 : memref<!tpu.dma_semaphore, #tpu.memory_space<semaphore_mem>>) {add = true}
    %dma_start3A_399 = arith.constant 56 : i32
    %dma_start3A_400 = arith.constant 0 : i32
    %dma_start3A_401 = tpu.memref_slice %arg5[%dma_start3A_399, %dma_start3A_400] : memref<100x128xi32, #tpu.memory_space<vmem>> -> memref<1x128xi32, #tpu.memory_space<vmem>>
    %dma_start3A_402 = tpu.memref_squeeze %dma_start3A_401 : memref<1x128xi32, #tpu.memory_space<vmem>> -> memref<128xi32, #tpu.memory_space<vmem>>
    %dma_start3A_403 = arith.constant 0 : i32
    %dma_start3A_404 = arith.constant 0 : i32
    %dma_start3A_405 = tpu.memref_slice %arg3[%dma_start3A_403, %dma_start3A_404] : memref<2031616x16xf32, #tpu.memory_space<hbm>> -> memref<2031616x16xf32, #tpu.memory_space<hbm>>
    tpu.enqueue_indirect_dma source(%dma_start3A_405 : memref<2031616x16xf32, #tpu.memory_space<hbm>>) target(%arg7 : memref<128x16xf32, #tpu.memory_space<vmem>>) offsets(%dma_start3A_402 : memref<128xi32, #tpu.memory_space<vmem>>) semaphore(%arg8 : memref<!tpu.dma_semaphore, #tpu.memory_space<semaphore_mem>>) {add = true}
    %dma_start3A_406 = arith.constant 57 : i32
    %dma_start3A_407 = arith.constant 0 : i32
    %dma_start3A_408 = tpu.memref_slice %arg5[%dma_start3A_406, %dma_start3A_407] : memref<100x128xi32, #tpu.memory_space<vmem>> -> memref<1x128xi32, #tpu.memory_space<vmem>>
    %dma_start3A_409 = tpu.memref_squeeze %dma_start3A_408 : memref<1x128xi32, #tpu.memory_space<vmem>> -> memref<128xi32, #tpu.memory_space<vmem>>
    %dma_start3A_410 = arith.constant 0 : i32
    %dma_start3A_411 = arith.constant 0 : i32
    %dma_start3A_412 = tpu.memref_slice %arg3[%dma_start3A_410, %dma_start3A_411] : memref<2031616x16xf32, #tpu.memory_space<hbm>> -> memref<2031616x16xf32, #tpu.memory_space<hbm>>
    tpu.enqueue_indirect_dma source(%dma_start3A_412 : memref<2031616x16xf32, #tpu.memory_space<hbm>>) target(%arg7 : memref<128x16xf32, #tpu.memory_space<vmem>>) offsets(%dma_start3A_409 : memref<128xi32, #tpu.memory_space<vmem>>) semaphore(%arg8 : memref<!tpu.dma_semaphore, #tpu.memory_space<semaphore_mem>>) {add = true}
    %dma_start3A_413 = arith.constant 58 : i32
    %dma_start3A_414 = arith.constant 0 : i32
    %dma_start3A_415 = tpu.memref_slice %arg5[%dma_start3A_413, %dma_start3A_414] : memref<100x128xi32, #tpu.memory_space<vmem>> -> memref<1x128xi32, #tpu.memory_space<vmem>>
    %dma_start3A_416 = tpu.memref_squeeze %dma_start3A_415 : memref<1x128xi32, #tpu.memory_space<vmem>> -> memref<128xi32, #tpu.memory_space<vmem>>
    %dma_start3A_417 = arith.constant 0 : i32
    %dma_start3A_418 = arith.constant 0 : i32
    %dma_start3A_419 = tpu.memref_slice %arg3[%dma_start3A_417, %dma_start3A_418] : memref<2031616x16xf32, #tpu.memory_space<hbm>> -> memref<2031616x16xf32, #tpu.memory_space<hbm>>
    tpu.enqueue_indirect_dma source(%dma_start3A_419 : memref<2031616x16xf32, #tpu.memory_space<hbm>>) target(%arg7 : memref<128x16xf32, #tpu.memory_space<vmem>>) offsets(%dma_start3A_416 : memref<128xi32, #tpu.memory_space<vmem>>) semaphore(%arg8 : memref<!tpu.dma_semaphore, #tpu.memory_space<semaphore_mem>>) {add = true}
    %dma_start3A_420 = arith.constant 59 : i32
    %dma_start3A_421 = arith.constant 0 : i32
    %dma_start3A_422 = tpu.memref_slice %arg5[%dma_start3A_420, %dma_start3A_421] : memref<100x128xi32, #tpu.memory_space<vmem>> -> memref<1x128xi32, #tpu.memory_space<vmem>>
    %dma_start3A_423 = tpu.memref_squeeze %dma_start3A_422 : memref<1x128xi32, #tpu.memory_space<vmem>> -> memref<128xi32, #tpu.memory_space<vmem>>
    %dma_start3A_424 = arith.constant 0 : i32
    %dma_start3A_425 = arith.constant 0 : i32
    %dma_start3A_426 = tpu.memref_slice %arg3[%dma_start3A_424, %dma_start3A_425] : memref<2031616x16xf32, #tpu.memory_space<hbm>> -> memref<2031616x16xf32, #tpu.memory_space<hbm>>
    tpu.enqueue_indirect_dma source(%dma_start3A_426 : memref<2031616x16xf32, #tpu.memory_space<hbm>>) target(%arg7 : memref<128x16xf32, #tpu.memory_space<vmem>>) offsets(%dma_start3A_423 : memref<128xi32, #tpu.memory_space<vmem>>) semaphore(%arg8 : memref<!tpu.dma_semaphore, #tpu.memory_space<semaphore_mem>>) {add = true}
    %dma_start3A_427 = arith.constant 60 : i32
    %dma_start3A_428 = arith.constant 0 : i32
    %dma_start3A_429 = tpu.memref_slice %arg5[%dma_start3A_427, %dma_start3A_428] : memref<100x128xi32, #tpu.memory_space<vmem>> -> memref<1x128xi32, #tpu.memory_space<vmem>>
    %dma_start3A_430 = tpu.memref_squeeze %dma_start3A_429 : memref<1x128xi32, #tpu.memory_space<vmem>> -> memref<128xi32, #tpu.memory_space<vmem>>
    %dma_start3A_431 = arith.constant 0 : i32
    %dma_start3A_432 = arith.constant 0 : i32
    %dma_start3A_433 = tpu.memref_slice %arg3[%dma_start3A_431, %dma_start3A_432] : memref<2031616x16xf32, #tpu.memory_space<hbm>> -> memref<2031616x16xf32, #tpu.memory_space<hbm>>
    tpu.enqueue_indirect_dma source(%dma_start3A_433 : memref<2031616x16xf32, #tpu.memory_space<hbm>>) target(%arg7 : memref<128x16xf32, #tpu.memory_space<vmem>>) offsets(%dma_start3A_430 : memref<128xi32, #tpu.memory_space<vmem>>) semaphore(%arg8 : memref<!tpu.dma_semaphore, #tpu.memory_space<semaphore_mem>>) {add = true}
    %dma_start3A_434 = arith.constant 61 : i32
    %dma_start3A_435 = arith.constant 0 : i32
    %dma_start3A_436 = tpu.memref_slice %arg5[%dma_start3A_434, %dma_start3A_435] : memref<100x128xi32, #tpu.memory_space<vmem>> -> memref<1x128xi32, #tpu.memory_space<vmem>>
    %dma_start3A_437 = tpu.memref_squeeze %dma_start3A_436 : memref<1x128xi32, #tpu.memory_space<vmem>> -> memref<128xi32, #tpu.memory_space<vmem>>
    %dma_start3A_438 = arith.constant 0 : i32
    %dma_start3A_439 = arith.constant 0 : i32
    %dma_start3A_440 = tpu.memref_slice %arg3[%dma_start3A_438, %dma_start3A_439] : memref<2031616x16xf32, #tpu.memory_space<hbm>> -> memref<2031616x16xf32, #tpu.memory_space<hbm>>
    tpu.enqueue_indirect_dma source(%dma_start3A_440 : memref<2031616x16xf32, #tpu.memory_space<hbm>>) target(%arg7 : memref<128x16xf32, #tpu.memory_space<vmem>>) offsets(%dma_start3A_437 : memref<128xi32, #tpu.memory_space<vmem>>) semaphore(%arg8 : memref<!tpu.dma_semaphore, #tpu.memory_space<semaphore_mem>>) {add = true}
    %dma_start3A_441 = arith.constant 62 : i32
    %dma_start3A_442 = arith.constant 0 : i32
    %dma_start3A_443 = tpu.memref_slice %arg5[%dma_start3A_441, %dma_start3A_442] : memref<100x128xi32, #tpu.memory_space<vmem>> -> memref<1x128xi32, #tpu.memory_space<vmem>>
    %dma_start3A_444 = tpu.memref_squeeze %dma_start3A_443 : memref<1x128xi32, #tpu.memory_space<vmem>> -> memref<128xi32, #tpu.memory_space<vmem>>
    %dma_start3A_445 = arith.constant 0 : i32
    %dma_start3A_446 = arith.constant 0 : i32
    %dma_start3A_447 = tpu.memref_slice %arg3[%dma_start3A_445, %dma_start3A_446] : memref<2031616x16xf32, #tpu.memory_space<hbm>> -> memref<2031616x16xf32, #tpu.memory_space<hbm>>
    tpu.enqueue_indirect_dma source(%dma_start3A_447 : memref<2031616x16xf32, #tpu.memory_space<hbm>>) target(%arg7 : memref<128x16xf32, #tpu.memory_space<vmem>>) offsets(%dma_start3A_444 : memref<128xi32, #tpu.memory_space<vmem>>) semaphore(%arg8 : memref<!tpu.dma_semaphore, #tpu.memory_space<semaphore_mem>>) {add = true}
    %dma_start3A_448 = arith.constant 63 : i32
    %dma_start3A_449 = arith.constant 0 : i32
    %dma_start3A_450 = tpu.memref_slice %arg5[%dma_start3A_448, %dma_start3A_449] : memref<100x128xi32, #tpu.memory_space<vmem>> -> memref<1x128xi32, #tpu.memory_space<vmem>>
    %dma_start3A_451 = tpu.memref_squeeze %dma_start3A_450 : memref<1x128xi32, #tpu.memory_space<vmem>> -> memref<128xi32, #tpu.memory_space<vmem>>
    %dma_start3A_452 = arith.constant 0 : i32
    %dma_start3A_453 = arith.constant 0 : i32
    %dma_start3A_454 = tpu.memref_slice %arg3[%dma_start3A_452, %dma_start3A_453] : memref<2031616x16xf32, #tpu.memory_space<hbm>> -> memref<2031616x16xf32, #tpu.memory_space<hbm>>
    tpu.enqueue_indirect_dma source(%dma_start3A_454 : memref<2031616x16xf32, #tpu.memory_space<hbm>>) target(%arg7 : memref<128x16xf32, #tpu.memory_space<vmem>>) offsets(%dma_start3A_451 : memref<128xi32, #tpu.memory_space<vmem>>) semaphore(%arg8 : memref<!tpu.dma_semaphore, #tpu.memory_space<semaphore_mem>>) {add = true}
    %dma_start3A_455 = arith.constant 64 : i32
    %dma_start3A_456 = arith.constant 0 : i32
    %dma_start3A_457 = tpu.memref_slice %arg5[%dma_start3A_455, %dma_start3A_456] : memref<100x128xi32, #tpu.memory_space<vmem>> -> memref<1x128xi32, #tpu.memory_space<vmem>>
    %dma_start3A_458 = tpu.memref_squeeze %dma_start3A_457 : memref<1x128xi32, #tpu.memory_space<vmem>> -> memref<128xi32, #tpu.memory_space<vmem>>
    %dma_start3A_459 = arith.constant 0 : i32
    %dma_start3A_460 = arith.constant 0 : i32
    %dma_start3A_461 = tpu.memref_slice %arg3[%dma_start3A_459, %dma_start3A_460] : memref<2031616x16xf32, #tpu.memory_space<hbm>> -> memref<2031616x16xf32, #tpu.memory_space<hbm>>
    tpu.enqueue_indirect_dma source(%dma_start3A_461 : memref<2031616x16xf32, #tpu.memory_space<hbm>>) target(%arg7 : memref<128x16xf32, #tpu.memory_space<vmem>>) offsets(%dma_start3A_458 : memref<128xi32, #tpu.memory_space<vmem>>) semaphore(%arg8 : memref<!tpu.dma_semaphore, #tpu.memory_space<semaphore_mem>>) {add = true}
    %dma_start3A_462 = arith.constant 65 : i32
    %dma_start3A_463 = arith.constant 0 : i32
    %dma_start3A_464 = tpu.memref_slice %arg5[%dma_start3A_462, %dma_start3A_463] : memref<100x128xi32, #tpu.memory_space<vmem>> -> memref<1x128xi32, #tpu.memory_space<vmem>>
    %dma_start3A_465 = tpu.memref_squeeze %dma_start3A_464 : memref<1x128xi32, #tpu.memory_space<vmem>> -> memref<128xi32, #tpu.memory_space<vmem>>
    %dma_start3A_466 = arith.constant 0 : i32
    %dma_start3A_467 = arith.constant 0 : i32
    %dma_start3A_468 = tpu.memref_slice %arg3[%dma_start3A_466, %dma_start3A_467] : memref<2031616x16xf32, #tpu.memory_space<hbm>> -> memref<2031616x16xf32, #tpu.memory_space<hbm>>
    tpu.enqueue_indirect_dma source(%dma_start3A_468 : memref<2031616x16xf32, #tpu.memory_space<hbm>>) target(%arg7 : memref<128x16xf32, #tpu.memory_space<vmem>>) offsets(%dma_start3A_465 : memref<128xi32, #tpu.memory_space<vmem>>) semaphore(%arg8 : memref<!tpu.dma_semaphore, #tpu.memory_space<semaphore_mem>>) {add = true}
    %dma_start3A_469 = arith.constant 66 : i32
    %dma_start3A_470 = arith.constant 0 : i32
    %dma_start3A_471 = tpu.memref_slice %arg5[%dma_start3A_469, %dma_start3A_470] : memref<100x128xi32, #tpu.memory_space<vmem>> -> memref<1x128xi32, #tpu.memory_space<vmem>>
    %dma_start3A_472 = tpu.memref_squeeze %dma_start3A_471 : memref<1x128xi32, #tpu.memory_space<vmem>> -> memref<128xi32, #tpu.memory_space<vmem>>
    %dma_start3A_473 = arith.constant 0 : i32
    %dma_start3A_474 = arith.constant 0 : i32
    %dma_start3A_475 = tpu.memref_slice %arg3[%dma_start3A_473, %dma_start3A_474] : memref<2031616x16xf32, #tpu.memory_space<hbm>> -> memref<2031616x16xf32, #tpu.memory_space<hbm>>
    tpu.enqueue_indirect_dma source(%dma_start3A_475 : memref<2031616x16xf32, #tpu.memory_space<hbm>>) target(%arg7 : memref<128x16xf32, #tpu.memory_space<vmem>>) offsets(%dma_start3A_472 : memref<128xi32, #tpu.memory_space<vmem>>) semaphore(%arg8 : memref<!tpu.dma_semaphore, #tpu.memory_space<semaphore_mem>>) {add = true}
    %dma_start3A_476 = arith.constant 67 : i32
    %dma_start3A_477 = arith.constant 0 : i32
    %dma_start3A_478 = tpu.memref_slice %arg5[%dma_start3A_476, %dma_start3A_477] : memref<100x128xi32, #tpu.memory_space<vmem>> -> memref<1x128xi32, #tpu.memory_space<vmem>>
    %dma_start3A_479 = tpu.memref_squeeze %dma_start3A_478 : memref<1x128xi32, #tpu.memory_space<vmem>> -> memref<128xi32, #tpu.memory_space<vmem>>
    %dma_start3A_480 = arith.constant 0 : i32
    %dma_start3A_481 = arith.constant 0 : i32
    %dma_start3A_482 = tpu.memref_slice %arg3[%dma_start3A_480, %dma_start3A_481] : memref<2031616x16xf32, #tpu.memory_space<hbm>> -> memref<2031616x16xf32, #tpu.memory_space<hbm>>
    tpu.enqueue_indirect_dma source(%dma_start3A_482 : memref<2031616x16xf32, #tpu.memory_space<hbm>>) target(%arg7 : memref<128x16xf32, #tpu.memory_space<vmem>>) offsets(%dma_start3A_479 : memref<128xi32, #tpu.memory_space<vmem>>) semaphore(%arg8 : memref<!tpu.dma_semaphore, #tpu.memory_space<semaphore_mem>>) {add = true}
    %dma_start3A_483 = arith.constant 68 : i32
    %dma_start3A_484 = arith.constant 0 : i32
    %dma_start3A_485 = tpu.memref_slice %arg5[%dma_start3A_483, %dma_start3A_484] : memref<100x128xi32, #tpu.memory_space<vmem>> -> memref<1x128xi32, #tpu.memory_space<vmem>>
    %dma_start3A_486 = tpu.memref_squeeze %dma_start3A_485 : memref<1x128xi32, #tpu.memory_space<vmem>> -> memref<128xi32, #tpu.memory_space<vmem>>
    %dma_start3A_487 = arith.constant 0 : i32
    %dma_start3A_488 = arith.constant 0 : i32
    %dma_start3A_489 = tpu.memref_slice %arg3[%dma_start3A_487, %dma_start3A_488] : memref<2031616x16xf32, #tpu.memory_space<hbm>> -> memref<2031616x16xf32, #tpu.memory_space<hbm>>
    tpu.enqueue_indirect_dma source(%dma_start3A_489 : memref<2031616x16xf32, #tpu.memory_space<hbm>>) target(%arg7 : memref<128x16xf32, #tpu.memory_space<vmem>>) offsets(%dma_start3A_486 : memref<128xi32, #tpu.memory_space<vmem>>) semaphore(%arg8 : memref<!tpu.dma_semaphore, #tpu.memory_space<semaphore_mem>>) {add = true}
    %dma_start3A_490 = arith.constant 69 : i32
    %dma_start3A_491 = arith.constant 0 : i32
    %dma_start3A_492 = tpu.memref_slice %arg5[%dma_start3A_490, %dma_start3A_491] : memref<100x128xi32, #tpu.memory_space<vmem>> -> memref<1x128xi32, #tpu.memory_space<vmem>>
    %dma_start3A_493 = tpu.memref_squeeze %dma_start3A_492 : memref<1x128xi32, #tpu.memory_space<vmem>> -> memref<128xi32, #tpu.memory_space<vmem>>
    %dma_start3A_494 = arith.constant 0 : i32
    %dma_start3A_495 = arith.constant 0 : i32
    %dma_start3A_496 = tpu.memref_slice %arg3[%dma_start3A_494, %dma_start3A_495] : memref<2031616x16xf32, #tpu.memory_space<hbm>> -> memref<2031616x16xf32, #tpu.memory_space<hbm>>
    tpu.enqueue_indirect_dma source(%dma_start3A_496 : memref<2031616x16xf32, #tpu.memory_space<hbm>>) target(%arg7 : memref<128x16xf32, #tpu.memory_space<vmem>>) offsets(%dma_start3A_493 : memref<128xi32, #tpu.memory_space<vmem>>) semaphore(%arg8 : memref<!tpu.dma_semaphore, #tpu.memory_space<semaphore_mem>>) {add = true}
    %dma_start3A_497 = arith.constant 70 : i32
    %dma_start3A_498 = arith.constant 0 : i32
    %dma_start3A_499 = tpu.memref_slice %arg5[%dma_start3A_497, %dma_start3A_498] : memref<100x128xi32, #tpu.memory_space<vmem>> -> memref<1x128xi32, #tpu.memory_space<vmem>>
    %dma_start3A_500 = tpu.memref_squeeze %dma_start3A_499 : memref<1x128xi32, #tpu.memory_space<vmem>> -> memref<128xi32, #tpu.memory_space<vmem>>
    %dma_start3A_501 = arith.constant 0 : i32
    %dma_start3A_502 = arith.constant 0 : i32
    %dma_start3A_503 = tpu.memref_slice %arg3[%dma_start3A_501, %dma_start3A_502] : memref<2031616x16xf32, #tpu.memory_space<hbm>> -> memref<2031616x16xf32, #tpu.memory_space<hbm>>
    tpu.enqueue_indirect_dma source(%dma_start3A_503 : memref<2031616x16xf32, #tpu.memory_space<hbm>>) target(%arg7 : memref<128x16xf32, #tpu.memory_space<vmem>>) offsets(%dma_start3A_500 : memref<128xi32, #tpu.memory_space<vmem>>) semaphore(%arg8 : memref<!tpu.dma_semaphore, #tpu.memory_space<semaphore_mem>>) {add = true}
    %dma_start3A_504 = arith.constant 71 : i32
    %dma_start3A_505 = arith.constant 0 : i32
    %dma_start3A_506 = tpu.memref_slice %arg5[%dma_start3A_504, %dma_start3A_505] : memref<100x128xi32, #tpu.memory_space<vmem>> -> memref<1x128xi32, #tpu.memory_space<vmem>>
    %dma_start3A_507 = tpu.memref_squeeze %dma_start3A_506 : memref<1x128xi32, #tpu.memory_space<vmem>> -> memref<128xi32, #tpu.memory_space<vmem>>
    %dma_start3A_508 = arith.constant 0 : i32
    %dma_start3A_509 = arith.constant 0 : i32
    %dma_start3A_510 = tpu.memref_slice %arg3[%dma_start3A_508, %dma_start3A_509] : memref<2031616x16xf32, #tpu.memory_space<hbm>> -> memref<2031616x16xf32, #tpu.memory_space<hbm>>
    tpu.enqueue_indirect_dma source(%dma_start3A_510 : memref<2031616x16xf32, #tpu.memory_space<hbm>>) target(%arg7 : memref<128x16xf32, #tpu.memory_space<vmem>>) offsets(%dma_start3A_507 : memref<128xi32, #tpu.memory_space<vmem>>) semaphore(%arg8 : memref<!tpu.dma_semaphore, #tpu.memory_space<semaphore_mem>>) {add = true}
    %dma_start3A_511 = arith.constant 72 : i32
    %dma_start3A_512 = arith.constant 0 : i32
    %dma_start3A_513 = tpu.memref_slice %arg5[%dma_start3A_511, %dma_start3A_512] : memref<100x128xi32, #tpu.memory_space<vmem>> -> memref<1x128xi32, #tpu.memory_space<vmem>>
    %dma_start3A_514 = tpu.memref_squeeze %dma_start3A_513 : memref<1x128xi32, #tpu.memory_space<vmem>> -> memref<128xi32, #tpu.memory_space<vmem>>
    %dma_start3A_515 = arith.constant 0 : i32
    %dma_start3A_516 = arith.constant 0 : i32
    %dma_start3A_517 = tpu.memref_slice %arg3[%dma_start3A_515, %dma_start3A_516] : memref<2031616x16xf32, #tpu.memory_space<hbm>> -> memref<2031616x16xf32, #tpu.memory_space<hbm>>
    tpu.enqueue_indirect_dma source(%dma_start3A_517 : memref<2031616x16xf32, #tpu.memory_space<hbm>>) target(%arg7 : memref<128x16xf32, #tpu.memory_space<vmem>>) offsets(%dma_start3A_514 : memref<128xi32, #tpu.memory_space<vmem>>) semaphore(%arg8 : memref<!tpu.dma_semaphore, #tpu.memory_space<semaphore_mem>>) {add = true}
    %dma_start3A_518 = arith.constant 73 : i32
    %dma_start3A_519 = arith.constant 0 : i32
    %dma_start3A_520 = tpu.memref_slice %arg5[%dma_start3A_518, %dma_start3A_519] : memref<100x128xi32, #tpu.memory_space<vmem>> -> memref<1x128xi32, #tpu.memory_space<vmem>>
    %dma_start3A_521 = tpu.memref_squeeze %dma_start3A_520 : memref<1x128xi32, #tpu.memory_space<vmem>> -> memref<128xi32, #tpu.memory_space<vmem>>
    %dma_start3A_522 = arith.constant 0 : i32
    %dma_start3A_523 = arith.constant 0 : i32
    %dma_start3A_524 = tpu.memref_slice %arg3[%dma_start3A_522, %dma_start3A_523] : memref<2031616x16xf32, #tpu.memory_space<hbm>> -> memref<2031616x16xf32, #tpu.memory_space<hbm>>
    tpu.enqueue_indirect_dma source(%dma_start3A_524 : memref<2031616x16xf32, #tpu.memory_space<hbm>>) target(%arg7 : memref<128x16xf32, #tpu.memory_space<vmem>>) offsets(%dma_start3A_521 : memref<128xi32, #tpu.memory_space<vmem>>) semaphore(%arg8 : memref<!tpu.dma_semaphore, #tpu.memory_space<semaphore_mem>>) {add = true}
    %dma_start3A_525 = arith.constant 74 : i32
    %dma_start3A_526 = arith.constant 0 : i32
    %dma_start3A_527 = tpu.memref_slice %arg5[%dma_start3A_525, %dma_start3A_526] : memref<100x128xi32, #tpu.memory_space<vmem>> -> memref<1x128xi32, #tpu.memory_space<vmem>>
    %dma_start3A_528 = tpu.memref_squeeze %dma_start3A_527 : memref<1x128xi32, #tpu.memory_space<vmem>> -> memref<128xi32, #tpu.memory_space<vmem>>
    %dma_start3A_529 = arith.constant 0 : i32
    %dma_start3A_530 = arith.constant 0 : i32
    %dma_start3A_531 = tpu.memref_slice %arg3[%dma_start3A_529, %dma_start3A_530] : memref<2031616x16xf32, #tpu.memory_space<hbm>> -> memref<2031616x16xf32, #tpu.memory_space<hbm>>
    tpu.enqueue_indirect_dma source(%dma_start3A_531 : memref<2031616x16xf32, #tpu.memory_space<hbm>>) target(%arg7 : memref<128x16xf32, #tpu.memory_space<vmem>>) offsets(%dma_start3A_528 : memref<128xi32, #tpu.memory_space<vmem>>) semaphore(%arg8 : memref<!tpu.dma_semaphore, #tpu.memory_space<semaphore_mem>>) {add = true}
    %dma_start3A_532 = arith.constant 75 : i32
    %dma_start3A_533 = arith.constant 0 : i32
    %dma_start3A_534 = tpu.memref_slice %arg5[%dma_start3A_532, %dma_start3A_533] : memref<100x128xi32, #tpu.memory_space<vmem>> -> memref<1x128xi32, #tpu.memory_space<vmem>>
    %dma_start3A_535 = tpu.memref_squeeze %dma_start3A_534 : memref<1x128xi32, #tpu.memory_space<vmem>> -> memref<128xi32, #tpu.memory_space<vmem>>
    %dma_start3A_536 = arith.constant 0 : i32
    %dma_start3A_537 = arith.constant 0 : i32
    %dma_start3A_538 = tpu.memref_slice %arg3[%dma_start3A_536, %dma_start3A_537] : memref<2031616x16xf32, #tpu.memory_space<hbm>> -> memref<2031616x16xf32, #tpu.memory_space<hbm>>
    tpu.enqueue_indirect_dma source(%dma_start3A_538 : memref<2031616x16xf32, #tpu.memory_space<hbm>>) target(%arg7 : memref<128x16xf32, #tpu.memory_space<vmem>>) offsets(%dma_start3A_535 : memref<128xi32, #tpu.memory_space<vmem>>) semaphore(%arg8 : memref<!tpu.dma_semaphore, #tpu.memory_space<semaphore_mem>>) {add = true}
    %dma_start3A_539 = arith.constant 76 : i32
    %dma_start3A_540 = arith.constant 0 : i32
    %dma_start3A_541 = tpu.memref_slice %arg5[%dma_start3A_539, %dma_start3A_540] : memref<100x128xi32, #tpu.memory_space<vmem>> -> memref<1x128xi32, #tpu.memory_space<vmem>>
    %dma_start3A_542 = tpu.memref_squeeze %dma_start3A_541 : memref<1x128xi32, #tpu.memory_space<vmem>> -> memref<128xi32, #tpu.memory_space<vmem>>
    %dma_start3A_543 = arith.constant 0 : i32
    %dma_start3A_544 = arith.constant 0 : i32
    %dma_start3A_545 = tpu.memref_slice %arg3[%dma_start3A_543, %dma_start3A_544] : memref<2031616x16xf32, #tpu.memory_space<hbm>> -> memref<2031616x16xf32, #tpu.memory_space<hbm>>
    tpu.enqueue_indirect_dma source(%dma_start3A_545 : memref<2031616x16xf32, #tpu.memory_space<hbm>>) target(%arg7 : memref<128x16xf32, #tpu.memory_space<vmem>>) offsets(%dma_start3A_542 : memref<128xi32, #tpu.memory_space<vmem>>) semaphore(%arg8 : memref<!tpu.dma_semaphore, #tpu.memory_space<semaphore_mem>>) {add = true}
    %dma_start3A_546 = arith.constant 77 : i32
    %dma_start3A_547 = arith.constant 0 : i32
    %dma_start3A_548 = tpu.memref_slice %arg5[%dma_start3A_546, %dma_start3A_547] : memref<100x128xi32, #tpu.memory_space<vmem>> -> memref<1x128xi32, #tpu.memory_space<vmem>>
    %dma_start3A_549 = tpu.memref_squeeze %dma_start3A_548 : memref<1x128xi32, #tpu.memory_space<vmem>> -> memref<128xi32, #tpu.memory_space<vmem>>
    %dma_start3A_550 = arith.constant 0 : i32
    %dma_start3A_551 = arith.constant 0 : i32
    %dma_start3A_552 = tpu.memref_slice %arg3[%dma_start3A_550, %dma_start3A_551] : memref<2031616x16xf32, #tpu.memory_space<hbm>> -> memref<2031616x16xf32, #tpu.memory_space<hbm>>
    tpu.enqueue_indirect_dma source(%dma_start3A_552 : memref<2031616x16xf32, #tpu.memory_space<hbm>>) target(%arg7 : memref<128x16xf32, #tpu.memory_space<vmem>>) offsets(%dma_start3A_549 : memref<128xi32, #tpu.memory_space<vmem>>) semaphore(%arg8 : memref<!tpu.dma_semaphore, #tpu.memory_space<semaphore_mem>>) {add = true}
    %dma_start3A_553 = arith.constant 78 : i32
    %dma_start3A_554 = arith.constant 0 : i32
    %dma_start3A_555 = tpu.memref_slice %arg5[%dma_start3A_553, %dma_start3A_554] : memref<100x128xi32, #tpu.memory_space<vmem>> -> memref<1x128xi32, #tpu.memory_space<vmem>>
    %dma_start3A_556 = tpu.memref_squeeze %dma_start3A_555 : memref<1x128xi32, #tpu.memory_space<vmem>> -> memref<128xi32, #tpu.memory_space<vmem>>
    %dma_start3A_557 = arith.constant 0 : i32
    %dma_start3A_558 = arith.constant 0 : i32
    %dma_start3A_559 = tpu.memref_slice %arg3[%dma_start3A_557, %dma_start3A_558] : memref<2031616x16xf32, #tpu.memory_space<hbm>> -> memref<2031616x16xf32, #tpu.memory_space<hbm>>
    tpu.enqueue_indirect_dma source(%dma_start3A_559 : memref<2031616x16xf32, #tpu.memory_space<hbm>>) target(%arg7 : memref<128x16xf32, #tpu.memory_space<vmem>>) offsets(%dma_start3A_556 : memref<128xi32, #tpu.memory_space<vmem>>) semaphore(%arg8 : memref<!tpu.dma_semaphore, #tpu.memory_space<semaphore_mem>>) {add = true}
    %dma_start3A_560 = arith.constant 79 : i32
    %dma_start3A_561 = arith.constant 0 : i32
    %dma_start3A_562 = tpu.memref_slice %arg5[%dma_start3A_560, %dma_start3A_561] : memref<100x128xi32, #tpu.memory_space<vmem>> -> memref<1x128xi32, #tpu.memory_space<vmem>>
    %dma_start3A_563 = tpu.memref_squeeze %dma_start3A_562 : memref<1x128xi32, #tpu.memory_space<vmem>> -> memref<128xi32, #tpu.memory_space<vmem>>
    %dma_start3A_564 = arith.constant 0 : i32
    %dma_start3A_565 = arith.constant 0 : i32
    %dma_start3A_566 = tpu.memref_slice %arg3[%dma_start3A_564, %dma_start3A_565] : memref<2031616x16xf32, #tpu.memory_space<hbm>> -> memref<2031616x16xf32, #tpu.memory_space<hbm>>
    tpu.enqueue_indirect_dma source(%dma_start3A_566 : memref<2031616x16xf32, #tpu.memory_space<hbm>>) target(%arg7 : memref<128x16xf32, #tpu.memory_space<vmem>>) offsets(%dma_start3A_563 : memref<128xi32, #tpu.memory_space<vmem>>) semaphore(%arg8 : memref<!tpu.dma_semaphore, #tpu.memory_space<semaphore_mem>>) {add = true}
    %dma_start3A_567 = arith.constant 80 : i32
    %dma_start3A_568 = arith.constant 0 : i32
    %dma_start3A_569 = tpu.memref_slice %arg5[%dma_start3A_567, %dma_start3A_568] : memref<100x128xi32, #tpu.memory_space<vmem>> -> memref<1x128xi32, #tpu.memory_space<vmem>>
    %dma_start3A_570 = tpu.memref_squeeze %dma_start3A_569 : memref<1x128xi32, #tpu.memory_space<vmem>> -> memref<128xi32, #tpu.memory_space<vmem>>
    %dma_start3A_571 = arith.constant 0 : i32
    %dma_start3A_572 = arith.constant 0 : i32
    %dma_start3A_573 = tpu.memref_slice %arg3[%dma_start3A_571, %dma_start3A_572] : memref<2031616x16xf32, #tpu.memory_space<hbm>> -> memref<2031616x16xf32, #tpu.memory_space<hbm>>
    tpu.enqueue_indirect_dma source(%dma_start3A_573 : memref<2031616x16xf32, #tpu.memory_space<hbm>>) target(%arg7 : memref<128x16xf32, #tpu.memory_space<vmem>>) offsets(%dma_start3A_570 : memref<128xi32, #tpu.memory_space<vmem>>) semaphore(%arg8 : memref<!tpu.dma_semaphore, #tpu.memory_space<semaphore_mem>>) {add = true}
    %dma_start3A_574 = arith.constant 81 : i32
    %dma_start3A_575 = arith.constant 0 : i32
    %dma_start3A_576 = tpu.memref_slice %arg5[%dma_start3A_574, %dma_start3A_575] : memref<100x128xi32, #tpu.memory_space<vmem>> -> memref<1x128xi32, #tpu.memory_space<vmem>>
    %dma_start3A_577 = tpu.memref_squeeze %dma_start3A_576 : memref<1x128xi32, #tpu.memory_space<vmem>> -> memref<128xi32, #tpu.memory_space<vmem>>
    %dma_start3A_578 = arith.constant 0 : i32
    %dma_start3A_579 = arith.constant 0 : i32
    %dma_start3A_580 = tpu.memref_slice %arg3[%dma_start3A_578, %dma_start3A_579] : memref<2031616x16xf32, #tpu.memory_space<hbm>> -> memref<2031616x16xf32, #tpu.memory_space<hbm>>
    tpu.enqueue_indirect_dma source(%dma_start3A_580 : memref<2031616x16xf32, #tpu.memory_space<hbm>>) target(%arg7 : memref<128x16xf32, #tpu.memory_space<vmem>>) offsets(%dma_start3A_577 : memref<128xi32, #tpu.memory_space<vmem>>) semaphore(%arg8 : memref<!tpu.dma_semaphore, #tpu.memory_space<semaphore_mem>>) {add = true}
    %dma_start3A_581 = arith.constant 82 : i32
    %dma_start3A_582 = arith.constant 0 : i32
    %dma_start3A_583 = tpu.memref_slice %arg5[%dma_start3A_581, %dma_start3A_582] : memref<100x128xi32, #tpu.memory_space<vmem>> -> memref<1x128xi32, #tpu.memory_space<vmem>>
    %dma_start3A_584 = tpu.memref_squeeze %dma_start3A_583 : memref<1x128xi32, #tpu.memory_space<vmem>> -> memref<128xi32, #tpu.memory_space<vmem>>
    %dma_start3A_585 = arith.constant 0 : i32
    %dma_start3A_586 = arith.constant 0 : i32
    %dma_start3A_587 = tpu.memref_slice %arg3[%dma_start3A_585, %dma_start3A_586] : memref<2031616x16xf32, #tpu.memory_space<hbm>> -> memref<2031616x16xf32, #tpu.memory_space<hbm>>
    tpu.enqueue_indirect_dma source(%dma_start3A_587 : memref<2031616x16xf32, #tpu.memory_space<hbm>>) target(%arg7 : memref<128x16xf32, #tpu.memory_space<vmem>>) offsets(%dma_start3A_584 : memref<128xi32, #tpu.memory_space<vmem>>) semaphore(%arg8 : memref<!tpu.dma_semaphore, #tpu.memory_space<semaphore_mem>>) {add = true}
    %dma_start3A_588 = arith.constant 83 : i32
    %dma_start3A_589 = arith.constant 0 : i32
    %dma_start3A_590 = tpu.memref_slice %arg5[%dma_start3A_588, %dma_start3A_589] : memref<100x128xi32, #tpu.memory_space<vmem>> -> memref<1x128xi32, #tpu.memory_space<vmem>>
    %dma_start3A_591 = tpu.memref_squeeze %dma_start3A_590 : memref<1x128xi32, #tpu.memory_space<vmem>> -> memref<128xi32, #tpu.memory_space<vmem>>
    %dma_start3A_592 = arith.constant 0 : i32
    %dma_start3A_593 = arith.constant 0 : i32
    %dma_start3A_594 = tpu.memref_slice %arg3[%dma_start3A_592, %dma_start3A_593] : memref<2031616x16xf32, #tpu.memory_space<hbm>> -> memref<2031616x16xf32, #tpu.memory_space<hbm>>
    tpu.enqueue_indirect_dma source(%dma_start3A_594 : memref<2031616x16xf32, #tpu.memory_space<hbm>>) target(%arg7 : memref<128x16xf32, #tpu.memory_space<vmem>>) offsets(%dma_start3A_591 : memref<128xi32, #tpu.memory_space<vmem>>) semaphore(%arg8 : memref<!tpu.dma_semaphore, #tpu.memory_space<semaphore_mem>>) {add = true}
    %dma_start3A_595 = arith.constant 84 : i32
    %dma_start3A_596 = arith.constant 0 : i32
    %dma_start3A_597 = tpu.memref_slice %arg5[%dma_start3A_595, %dma_start3A_596] : memref<100x128xi32, #tpu.memory_space<vmem>> -> memref<1x128xi32, #tpu.memory_space<vmem>>
    %dma_start3A_598 = tpu.memref_squeeze %dma_start3A_597 : memref<1x128xi32, #tpu.memory_space<vmem>> -> memref<128xi32, #tpu.memory_space<vmem>>
    %dma_start3A_599 = arith.constant 0 : i32
    %dma_start3A_600 = arith.constant 0 : i32
    %dma_start3A_601 = tpu.memref_slice %arg3[%dma_start3A_599, %dma_start3A_600] : memref<2031616x16xf32, #tpu.memory_space<hbm>> -> memref<2031616x16xf32, #tpu.memory_space<hbm>>
    tpu.enqueue_indirect_dma source(%dma_start3A_601 : memref<2031616x16xf32, #tpu.memory_space<hbm>>) target(%arg7 : memref<128x16xf32, #tpu.memory_space<vmem>>) offsets(%dma_start3A_598 : memref<128xi32, #tpu.memory_space<vmem>>) semaphore(%arg8 : memref<!tpu.dma_semaphore, #tpu.memory_space<semaphore_mem>>) {add = true}
    %dma_start3A_602 = arith.constant 85 : i32
    %dma_start3A_603 = arith.constant 0 : i32
    %dma_start3A_604 = tpu.memref_slice %arg5[%dma_start3A_602, %dma_start3A_603] : memref<100x128xi32, #tpu.memory_space<vmem>> -> memref<1x128xi32, #tpu.memory_space<vmem>>
    %dma_start3A_605 = tpu.memref_squeeze %dma_start3A_604 : memref<1x128xi32, #tpu.memory_space<vmem>> -> memref<128xi32, #tpu.memory_space<vmem>>
    %dma_start3A_606 = arith.constant 0 : i32
    %dma_start3A_607 = arith.constant 0 : i32
    %dma_start3A_608 = tpu.memref_slice %arg3[%dma_start3A_606, %dma_start3A_607] : memref<2031616x16xf32, #tpu.memory_space<hbm>> -> memref<2031616x16xf32, #tpu.memory_space<hbm>>
    tpu.enqueue_indirect_dma source(%dma_start3A_608 : memref<2031616x16xf32, #tpu.memory_space<hbm>>) target(%arg7 : memref<128x16xf32, #tpu.memory_space<vmem>>) offsets(%dma_start3A_605 : memref<128xi32, #tpu.memory_space<vmem>>) semaphore(%arg8 : memref<!tpu.dma_semaphore, #tpu.memory_space<semaphore_mem>>) {add = true}
    %dma_start3A_609 = arith.constant 86 : i32
    %dma_start3A_610 = arith.constant 0 : i32
    %dma_start3A_611 = tpu.memref_slice %arg5[%dma_start3A_609, %dma_start3A_610] : memref<100x128xi32, #tpu.memory_space<vmem>> -> memref<1x128xi32, #tpu.memory_space<vmem>>
    %dma_start3A_612 = tpu.memref_squeeze %dma_start3A_611 : memref<1x128xi32, #tpu.memory_space<vmem>> -> memref<128xi32, #tpu.memory_space<vmem>>
    %dma_start3A_613 = arith.constant 0 : i32
    %dma_start3A_614 = arith.constant 0 : i32
    %dma_start3A_615 = tpu.memref_slice %arg3[%dma_start3A_613, %dma_start3A_614] : memref<2031616x16xf32, #tpu.memory_space<hbm>> -> memref<2031616x16xf32, #tpu.memory_space<hbm>>
    tpu.enqueue_indirect_dma source(%dma_start3A_615 : memref<2031616x16xf32, #tpu.memory_space<hbm>>) target(%arg7 : memref<128x16xf32, #tpu.memory_space<vmem>>) offsets(%dma_start3A_612 : memref<128xi32, #tpu.memory_space<vmem>>) semaphore(%arg8 : memref<!tpu.dma_semaphore, #tpu.memory_space<semaphore_mem>>) {add = true}
    %dma_start3A_616 = arith.constant 87 : i32
    %dma_start3A_617 = arith.constant 0 : i32
    %dma_start3A_618 = tpu.memref_slice %arg5[%dma_start3A_616, %dma_start3A_617] : memref<100x128xi32, #tpu.memory_space<vmem>> -> memref<1x128xi32, #tpu.memory_space<vmem>>
    %dma_start3A_619 = tpu.memref_squeeze %dma_start3A_618 : memref<1x128xi32, #tpu.memory_space<vmem>> -> memref<128xi32, #tpu.memory_space<vmem>>
    %dma_start3A_620 = arith.constant 0 : i32
    %dma_start3A_621 = arith.constant 0 : i32
    %dma_start3A_622 = tpu.memref_slice %arg3[%dma_start3A_620, %dma_start3A_621] : memref<2031616x16xf32, #tpu.memory_space<hbm>> -> memref<2031616x16xf32, #tpu.memory_space<hbm>>
    tpu.enqueue_indirect_dma source(%dma_start3A_622 : memref<2031616x16xf32, #tpu.memory_space<hbm>>) target(%arg7 : memref<128x16xf32, #tpu.memory_space<vmem>>) offsets(%dma_start3A_619 : memref<128xi32, #tpu.memory_space<vmem>>) semaphore(%arg8 : memref<!tpu.dma_semaphore, #tpu.memory_space<semaphore_mem>>) {add = true}
    %dma_start3A_623 = arith.constant 88 : i32
    %dma_start3A_624 = arith.constant 0 : i32
    %dma_start3A_625 = tpu.memref_slice %arg5[%dma_start3A_623, %dma_start3A_624] : memref<100x128xi32, #tpu.memory_space<vmem>> -> memref<1x128xi32, #tpu.memory_space<vmem>>
    %dma_start3A_626 = tpu.memref_squeeze %dma_start3A_625 : memref<1x128xi32, #tpu.memory_space<vmem>> -> memref<128xi32, #tpu.memory_space<vmem>>
    %dma_start3A_627 = arith.constant 0 : i32
    %dma_start3A_628 = arith.constant 0 : i32
    %dma_start3A_629 = tpu.memref_slice %arg3[%dma_start3A_627, %dma_start3A_628] : memref<2031616x16xf32, #tpu.memory_space<hbm>> -> memref<2031616x16xf32, #tpu.memory_space<hbm>>
    tpu.enqueue_indirect_dma source(%dma_start3A_629 : memref<2031616x16xf32, #tpu.memory_space<hbm>>) target(%arg7 : memref<128x16xf32, #tpu.memory_space<vmem>>) offsets(%dma_start3A_626 : memref<128xi32, #tpu.memory_space<vmem>>) semaphore(%arg8 : memref<!tpu.dma_semaphore, #tpu.memory_space<semaphore_mem>>) {add = true}
    %dma_start3A_630 = arith.constant 89 : i32
    %dma_start3A_631 = arith.constant 0 : i32
    %dma_start3A_632 = tpu.memref_slice %arg5[%dma_start3A_630, %dma_start3A_631] : memref<100x128xi32, #tpu.memory_space<vmem>> -> memref<1x128xi32, #tpu.memory_space<vmem>>
    %dma_start3A_633 = tpu.memref_squeeze %dma_start3A_632 : memref<1x128xi32, #tpu.memory_space<vmem>> -> memref<128xi32, #tpu.memory_space<vmem>>
    %dma_start3A_634 = arith.constant 0 : i32
    %dma_start3A_635 = arith.constant 0 : i32
    %dma_start3A_636 = tpu.memref_slice %arg3[%dma_start3A_634, %dma_start3A_635] : memref<2031616x16xf32, #tpu.memory_space<hbm>> -> memref<2031616x16xf32, #tpu.memory_space<hbm>>
    tpu.enqueue_indirect_dma source(%dma_start3A_636 : memref<2031616x16xf32, #tpu.memory_space<hbm>>) target(%arg7 : memref<128x16xf32, #tpu.memory_space<vmem>>) offsets(%dma_start3A_633 : memref<128xi32, #tpu.memory_space<vmem>>) semaphore(%arg8 : memref<!tpu.dma_semaphore, #tpu.memory_space<semaphore_mem>>) {add = true}
    %dma_start3A_637 = arith.constant 90 : i32
    %dma_start3A_638 = arith.constant 0 : i32
    %dma_start3A_639 = tpu.memref_slice %arg5[%dma_start3A_637, %dma_start3A_638] : memref<100x128xi32, #tpu.memory_space<vmem>> -> memref<1x128xi32, #tpu.memory_space<vmem>>
    %dma_start3A_640 = tpu.memref_squeeze %dma_start3A_639 : memref<1x128xi32, #tpu.memory_space<vmem>> -> memref<128xi32, #tpu.memory_space<vmem>>
    %dma_start3A_641 = arith.constant 0 : i32
    %dma_start3A_642 = arith.constant 0 : i32
    %dma_start3A_643 = tpu.memref_slice %arg3[%dma_start3A_641, %dma_start3A_642] : memref<2031616x16xf32, #tpu.memory_space<hbm>> -> memref<2031616x16xf32, #tpu.memory_space<hbm>>
    tpu.enqueue_indirect_dma source(%dma_start3A_643 : memref<2031616x16xf32, #tpu.memory_space<hbm>>) target(%arg7 : memref<128x16xf32, #tpu.memory_space<vmem>>) offsets(%dma_start3A_640 : memref<128xi32, #tpu.memory_space<vmem>>) semaphore(%arg8 : memref<!tpu.dma_semaphore, #tpu.memory_space<semaphore_mem>>) {add = true}
    %dma_start3A_644 = arith.constant 91 : i32
    %dma_start3A_645 = arith.constant 0 : i32
    %dma_start3A_646 = tpu.memref_slice %arg5[%dma_start3A_644, %dma_start3A_645] : memref<100x128xi32, #tpu.memory_space<vmem>> -> memref<1x128xi32, #tpu.memory_space<vmem>>
    %dma_start3A_647 = tpu.memref_squeeze %dma_start3A_646 : memref<1x128xi32, #tpu.memory_space<vmem>> -> memref<128xi32, #tpu.memory_space<vmem>>
    %dma_start3A_648 = arith.constant 0 : i32
    %dma_start3A_649 = arith.constant 0 : i32
    %dma_start3A_650 = tpu.memref_slice %arg3[%dma_start3A_648, %dma_start3A_649] : memref<2031616x16xf32, #tpu.memory_space<hbm>> -> memref<2031616x16xf32, #tpu.memory_space<hbm>>
    tpu.enqueue_indirect_dma source(%dma_start3A_650 : memref<2031616x16xf32, #tpu.memory_space<hbm>>) target(%arg7 : memref<128x16xf32, #tpu.memory_space<vmem>>) offsets(%dma_start3A_647 : memref<128xi32, #tpu.memory_space<vmem>>) semaphore(%arg8 : memref<!tpu.dma_semaphore, #tpu.memory_space<semaphore_mem>>) {add = true}
    %dma_start3A_651 = arith.constant 92 : i32
    %dma_start3A_652 = arith.constant 0 : i32
    %dma_start3A_653 = tpu.memref_slice %arg5[%dma_start3A_651, %dma_start3A_652] : memref<100x128xi32, #tpu.memory_space<vmem>> -> memref<1x128xi32, #tpu.memory_space<vmem>>
    %dma_start3A_654 = tpu.memref_squeeze %dma_start3A_653 : memref<1x128xi32, #tpu.memory_space<vmem>> -> memref<128xi32, #tpu.memory_space<vmem>>
    %dma_start3A_655 = arith.constant 0 : i32
    %dma_start3A_656 = arith.constant 0 : i32
    %dma_start3A_657 = tpu.memref_slice %arg3[%dma_start3A_655, %dma_start3A_656] : memref<2031616x16xf32, #tpu.memory_space<hbm>> -> memref<2031616x16xf32, #tpu.memory_space<hbm>>
    tpu.enqueue_indirect_dma source(%dma_start3A_657 : memref<2031616x16xf32, #tpu.memory_space<hbm>>) target(%arg7 : memref<128x16xf32, #tpu.memory_space<vmem>>) offsets(%dma_start3A_654 : memref<128xi32, #tpu.memory_space<vmem>>) semaphore(%arg8 : memref<!tpu.dma_semaphore, #tpu.memory_space<semaphore_mem>>) {add = true}
    %dma_start3A_658 = arith.constant 93 : i32
    %dma_start3A_659 = arith.constant 0 : i32
    %dma_start3A_660 = tpu.memref_slice %arg5[%dma_start3A_658, %dma_start3A_659] : memref<100x128xi32, #tpu.memory_space<vmem>> -> memref<1x128xi32, #tpu.memory_space<vmem>>
    %dma_start3A_661 = tpu.memref_squeeze %dma_start3A_660 : memref<1x128xi32, #tpu.memory_space<vmem>> -> memref<128xi32, #tpu.memory_space<vmem>>
    %dma_start3A_662 = arith.constant 0 : i32
    %dma_start3A_663 = arith.constant 0 : i32
    %dma_start3A_664 = tpu.memref_slice %arg3[%dma_start3A_662, %dma_start3A_663] : memref<2031616x16xf32, #tpu.memory_space<hbm>> -> memref<2031616x16xf32, #tpu.memory_space<hbm>>
    tpu.enqueue_indirect_dma source(%dma_start3A_664 : memref<2031616x16xf32, #tpu.memory_space<hbm>>) target(%arg7 : memref<128x16xf32, #tpu.memory_space<vmem>>) offsets(%dma_start3A_661 : memref<128xi32, #tpu.memory_space<vmem>>) semaphore(%arg8 : memref<!tpu.dma_semaphore, #tpu.memory_space<semaphore_mem>>) {add = true}
    %dma_start3A_665 = arith.constant 94 : i32
    %dma_start3A_666 = arith.constant 0 : i32
    %dma_start3A_667 = tpu.memref_slice %arg5[%dma_start3A_665, %dma_start3A_666] : memref<100x128xi32, #tpu.memory_space<vmem>> -> memref<1x128xi32, #tpu.memory_space<vmem>>
    %dma_start3A_668 = tpu.memref_squeeze %dma_start3A_667 : memref<1x128xi32, #tpu.memory_space<vmem>> -> memref<128xi32, #tpu.memory_space<vmem>>
    %dma_start3A_669 = arith.constant 0 : i32
    %dma_start3A_670 = arith.constant 0 : i32
    %dma_start3A_671 = tpu.memref_slice %arg3[%dma_start3A_669, %dma_start3A_670] : memref<2031616x16xf32, #tpu.memory_space<hbm>> -> memref<2031616x16xf32, #tpu.memory_space<hbm>>
    tpu.enqueue_indirect_dma source(%dma_start3A_671 : memref<2031616x16xf32, #tpu.memory_space<hbm>>) target(%arg7 : memref<128x16xf32, #tpu.memory_space<vmem>>) offsets(%dma_start3A_668 : memref<128xi32, #tpu.memory_space<vmem>>) semaphore(%arg8 : memref<!tpu.dma_semaphore, #tpu.memory_space<semaphore_mem>>) {add = true}
    %dma_start3A_672 = arith.constant 95 : i32
    %dma_start3A_673 = arith.constant 0 : i32
    %dma_start3A_674 = tpu.memref_slice %arg5[%dma_start3A_672, %dma_start3A_673] : memref<100x128xi32, #tpu.memory_space<vmem>> -> memref<1x128xi32, #tpu.memory_space<vmem>>
    %dma_start3A_675 = tpu.memref_squeeze %dma_start3A_674 : memref<1x128xi32, #tpu.memory_space<vmem>> -> memref<128xi32, #tpu.memory_space<vmem>>
    %dma_start3A_676 = arith.constant 0 : i32
    %dma_start3A_677 = arith.constant 0 : i32
    %dma_start3A_678 = tpu.memref_slice %arg3[%dma_start3A_676, %dma_start3A_677] : memref<2031616x16xf32, #tpu.memory_space<hbm>> -> memref<2031616x16xf32, #tpu.memory_space<hbm>>
    tpu.enqueue_indirect_dma source(%dma_start3A_678 : memref<2031616x16xf32, #tpu.memory_space<hbm>>) target(%arg7 : memref<128x16xf32, #tpu.memory_space<vmem>>) offsets(%dma_start3A_675 : memref<128xi32, #tpu.memory_space<vmem>>) semaphore(%arg8 : memref<!tpu.dma_semaphore, #tpu.memory_space<semaphore_mem>>) {add = true}
    %dma_start3A_679 = arith.constant 96 : i32
    %dma_start3A_680 = arith.constant 0 : i32
    %dma_start3A_681 = tpu.memref_slice %arg5[%dma_start3A_679, %dma_start3A_680] : memref<100x128xi32, #tpu.memory_space<vmem>> -> memref<1x128xi32, #tpu.memory_space<vmem>>
    %dma_start3A_682 = tpu.memref_squeeze %dma_start3A_681 : memref<1x128xi32, #tpu.memory_space<vmem>> -> memref<128xi32, #tpu.memory_space<vmem>>
    %dma_start3A_683 = arith.constant 0 : i32
    %dma_start3A_684 = arith.constant 0 : i32
    %dma_start3A_685 = tpu.memref_slice %arg3[%dma_start3A_683, %dma_start3A_684] : memref<2031616x16xf32, #tpu.memory_space<hbm>> -> memref<2031616x16xf32, #tpu.memory_space<hbm>>
    tpu.enqueue_indirect_dma source(%dma_start3A_685 : memref<2031616x16xf32, #tpu.memory_space<hbm>>) target(%arg7 : memref<128x16xf32, #tpu.memory_space<vmem>>) offsets(%dma_start3A_682 : memref<128xi32, #tpu.memory_space<vmem>>) semaphore(%arg8 : memref<!tpu.dma_semaphore, #tpu.memory_space<semaphore_mem>>) {add = true}
    %dma_start3A_686 = arith.constant 97 : i32
    %dma_start3A_687 = arith.constant 0 : i32
    %dma_start3A_688 = tpu.memref_slice %arg5[%dma_start3A_686, %dma_start3A_687] : memref<100x128xi32, #tpu.memory_space<vmem>> -> memref<1x128xi32, #tpu.memory_space<vmem>>
    %dma_start3A_689 = tpu.memref_squeeze %dma_start3A_688 : memref<1x128xi32, #tpu.memory_space<vmem>> -> memref<128xi32, #tpu.memory_space<vmem>>
    %dma_start3A_690 = arith.constant 0 : i32
    %dma_start3A_691 = arith.constant 0 : i32
    %dma_start3A_692 = tpu.memref_slice %arg3[%dma_start3A_690, %dma_start3A_691] : memref<2031616x16xf32, #tpu.memory_space<hbm>> -> memref<2031616x16xf32, #tpu.memory_space<hbm>>
    tpu.enqueue_indirect_dma source(%dma_start3A_692 : memref<2031616x16xf32, #tpu.memory_space<hbm>>) target(%arg7 : memref<128x16xf32, #tpu.memory_space<vmem>>) offsets(%dma_start3A_689 : memref<128xi32, #tpu.memory_space<vmem>>) semaphore(%arg8 : memref<!tpu.dma_semaphore, #tpu.memory_space<semaphore_mem>>) {add = true}
    %dma_start3A_693 = arith.constant 98 : i32
    %dma_start3A_694 = arith.constant 0 : i32
    %dma_start3A_695 = tpu.memref_slice %arg5[%dma_start3A_693, %dma_start3A_694] : memref<100x128xi32, #tpu.memory_space<vmem>> -> memref<1x128xi32, #tpu.memory_space<vmem>>
    %dma_start3A_696 = tpu.memref_squeeze %dma_start3A_695 : memref<1x128xi32, #tpu.memory_space<vmem>> -> memref<128xi32, #tpu.memory_space<vmem>>
    %dma_start3A_697 = arith.constant 0 : i32
    %dma_start3A_698 = arith.constant 0 : i32
    %dma_start3A_699 = tpu.memref_slice %arg3[%dma_start3A_697, %dma_start3A_698] : memref<2031616x16xf32, #tpu.memory_space<hbm>> -> memref<2031616x16xf32, #tpu.memory_space<hbm>>
    tpu.enqueue_indirect_dma source(%dma_start3A_699 : memref<2031616x16xf32, #tpu.memory_space<hbm>>) target(%arg7 : memref<128x16xf32, #tpu.memory_space<vmem>>) offsets(%dma_start3A_696 : memref<128xi32, #tpu.memory_space<vmem>>) semaphore(%arg8 : memref<!tpu.dma_semaphore, #tpu.memory_space<semaphore_mem>>) {add = true}
    %dma_start3A_700 = arith.constant 99 : i32
    %dma_start3A_701 = arith.constant 0 : i32
    %dma_start3A_702 = tpu.memref_slice %arg5[%dma_start3A_700, %dma_start3A_701] : memref<100x128xi32, #tpu.memory_space<vmem>> -> memref<1x128xi32, #tpu.memory_space<vmem>>
    %dma_start3A_703 = tpu.memref_squeeze %dma_start3A_702 : memref<1x128xi32, #tpu.memory_space<vmem>> -> memref<128xi32, #tpu.memory_space<vmem>>
    %dma_start3A_704 = arith.constant 0 : i32
    %dma_start3A_705 = arith.constant 0 : i32
    %dma_start3A_706 = tpu.memref_slice %arg3[%dma_start3A_704, %dma_start3A_705] : memref<2031616x16xf32, #tpu.memory_space<hbm>> -> memref<2031616x16xf32, #tpu.memory_space<hbm>>
    tpu.enqueue_indirect_dma source(%dma_start3A_706 : memref<2031616x16xf32, #tpu.memory_space<hbm>>) target(%arg7 : memref<128x16xf32, #tpu.memory_space<vmem>>) offsets(%dma_start3A_703 : memref<128xi32, #tpu.memory_space<vmem>>) semaphore(%arg8 : memref<!tpu.dma_semaphore, #tpu.memory_space<semaphore_mem>>) {add = true}
    %dma_wait3A = arith.constant 0 : i32
    %dma_wait3A_707 = arith.constant 0 : i32
    %dma_wait3A_708 = tpu.memref_slice %arg5[%dma_wait3A, %dma_wait3A_707] : memref<100x128xi32, #tpu.memory_space<vmem>> -> memref<1x128xi32, #tpu.memory_space<vmem>>
    %dma_wait3A_709 = tpu.memref_squeeze %dma_wait3A_708 : memref<1x128xi32, #tpu.memory_space<vmem>> -> memref<128xi32, #tpu.memory_space<vmem>>
    %dma_wait3A_710 = arith.constant 0 : i32
    %dma_wait3A_711 = arith.constant 0 : i32
    %dma_wait3A_712 = tpu.memref_slice %arg3[%dma_wait3A_710, %dma_wait3A_711] : memref<2031616x16xf32, #tpu.memory_space<hbm>> -> memref<2031616x16xf32, #tpu.memory_space<hbm>>
    tpu.wait_indirect_dma semaphore(%arg8 : memref<!tpu.dma_semaphore, #tpu.memory_space<semaphore_mem>>) src(%dma_wait3A_712 : memref<2031616x16xf32, #tpu.memory_space<hbm>>) dst(%arg6 : memref<128x16xf32, #tpu.memory_space<vmem>>)
    %dma_wait3A_713 = arith.constant 1 : i32
    %dma_wait3A_714 = arith.constant 0 : i32
    %dma_wait3A_715 = tpu.memref_slice %arg5[%dma_wait3A_713, %dma_wait3A_714] : memref<100x128xi32, #tpu.memory_space<vmem>> -> memref<1x128xi32, #tpu.memory_space<vmem>>
    %dma_wait3A_716 = tpu.memref_squeeze %dma_wait3A_715 : memref<1x128xi32, #tpu.memory_space<vmem>> -> memref<128xi32, #tpu.memory_space<vmem>>
    %dma_wait3A_717 = arith.constant 0 : i32
    %dma_wait3A_718 = arith.constant 0 : i32
    %dma_wait3A_719 = tpu.memref_slice %arg3[%dma_wait3A_717, %dma_wait3A_718] : memref<2031616x16xf32, #tpu.memory_space<hbm>> -> memref<2031616x16xf32, #tpu.memory_space<hbm>>
    tpu.wait_indirect_dma semaphore(%arg8 : memref<!tpu.dma_semaphore, #tpu.memory_space<semaphore_mem>>) src(%dma_wait3A_719 : memref<2031616x16xf32, #tpu.memory_space<hbm>>) dst(%arg6 : memref<128x16xf32, #tpu.memory_space<vmem>>)
    %dma_wait3A_720 = arith.constant 2 : i32
    %dma_wait3A_721 = arith.constant 0 : i32
    %dma_wait3A_722 = tpu.memref_slice %arg5[%dma_wait3A_720, %dma_wait3A_721] : memref<100x128xi32, #tpu.memory_space<vmem>> -> memref<1x128xi32, #tpu.memory_space<vmem>>
    %dma_wait3A_723 = tpu.memref_squeeze %dma_wait3A_722 : memref<1x128xi32, #tpu.memory_space<vmem>> -> memref<128xi32, #tpu.memory_space<vmem>>
    %dma_wait3A_724 = arith.constant 0 : i32
    %dma_wait3A_725 = arith.constant 0 : i32
    %dma_wait3A_726 = tpu.memref_slice %arg3[%dma_wait3A_724, %dma_wait3A_725] : memref<2031616x16xf32, #tpu.memory_space<hbm>> -> memref<2031616x16xf32, #tpu.memory_space<hbm>>
    tpu.wait_indirect_dma semaphore(%arg8 : memref<!tpu.dma_semaphore, #tpu.memory_space<semaphore_mem>>) src(%dma_wait3A_726 : memref<2031616x16xf32, #tpu.memory_space<hbm>>) dst(%arg6 : memref<128x16xf32, #tpu.memory_space<vmem>>)
    %dma_wait3A_727 = arith.constant 3 : i32
    %dma_wait3A_728 = arith.constant 0 : i32
    %dma_wait3A_729 = tpu.memref_slice %arg5[%dma_wait3A_727, %dma_wait3A_728] : memref<100x128xi32, #tpu.memory_space<vmem>> -> memref<1x128xi32, #tpu.memory_space<vmem>>
    %dma_wait3A_730 = tpu.memref_squeeze %dma_wait3A_729 : memref<1x128xi32, #tpu.memory_space<vmem>> -> memref<128xi32, #tpu.memory_space<vmem>>
    %dma_wait3A_731 = arith.constant 0 : i32
    %dma_wait3A_732 = arith.constant 0 : i32
    %dma_wait3A_733 = tpu.memref_slice %arg3[%dma_wait3A_731, %dma_wait3A_732] : memref<2031616x16xf32, #tpu.memory_space<hbm>> -> memref<2031616x16xf32, #tpu.memory_space<hbm>>
    tpu.wait_indirect_dma semaphore(%arg8 : memref<!tpu.dma_semaphore, #tpu.memory_space<semaphore_mem>>) src(%dma_wait3A_733 : memref<2031616x16xf32, #tpu.memory_space<hbm>>) dst(%arg6 : memref<128x16xf32, #tpu.memory_space<vmem>>)
    %dma_wait3A_734 = arith.constant 4 : i32
    %dma_wait3A_735 = arith.constant 0 : i32
    %dma_wait3A_736 = tpu.memref_slice %arg5[%dma_wait3A_734, %dma_wait3A_735] : memref<100x128xi32, #tpu.memory_space<vmem>> -> memref<1x128xi32, #tpu.memory_space<vmem>>
    %dma_wait3A_737 = tpu.memref_squeeze %dma_wait3A_736 : memref<1x128xi32, #tpu.memory_space<vmem>> -> memref<128xi32, #tpu.memory_space<vmem>>
    %dma_wait3A_738 = arith.constant 0 : i32
    %dma_wait3A_739 = arith.constant 0 : i32
    %dma_wait3A_740 = tpu.memref_slice %arg3[%dma_wait3A_738, %dma_wait3A_739] : memref<2031616x16xf32, #tpu.memory_space<hbm>> -> memref<2031616x16xf32, #tpu.memory_space<hbm>>
    tpu.wait_indirect_dma semaphore(%arg8 : memref<!tpu.dma_semaphore, #tpu.memory_space<semaphore_mem>>) src(%dma_wait3A_740 : memref<2031616x16xf32, #tpu.memory_space<hbm>>) dst(%arg6 : memref<128x16xf32, #tpu.memory_space<vmem>>)
    %dma_wait3A_741 = arith.constant 5 : i32
    %dma_wait3A_742 = arith.constant 0 : i32
    %dma_wait3A_743 = tpu.memref_slice %arg5[%dma_wait3A_741, %dma_wait3A_742] : memref<100x128xi32, #tpu.memory_space<vmem>> -> memref<1x128xi32, #tpu.memory_space<vmem>>
    %dma_wait3A_744 = tpu.memref_squeeze %dma_wait3A_743 : memref<1x128xi32, #tpu.memory_space<vmem>> -> memref<128xi32, #tpu.memory_space<vmem>>
    %dma_wait3A_745 = arith.constant 0 : i32
    %dma_wait3A_746 = arith.constant 0 : i32
    %dma_wait3A_747 = tpu.memref_slice %arg3[%dma_wait3A_745, %dma_wait3A_746] : memref<2031616x16xf32, #tpu.memory_space<hbm>> -> memref<2031616x16xf32, #tpu.memory_space<hbm>>
    tpu.wait_indirect_dma semaphore(%arg8 : memref<!tpu.dma_semaphore, #tpu.memory_space<semaphore_mem>>) src(%dma_wait3A_747 : memref<2031616x16xf32, #tpu.memory_space<hbm>>) dst(%arg6 : memref<128x16xf32, #tpu.memory_space<vmem>>)
    %dma_wait3A_748 = arith.constant 6 : i32
    %dma_wait3A_749 = arith.constant 0 : i32
    %dma_wait3A_750 = tpu.memref_slice %arg5[%dma_wait3A_748, %dma_wait3A_749] : memref<100x128xi32, #tpu.memory_space<vmem>> -> memref<1x128xi32, #tpu.memory_space<vmem>>
    %dma_wait3A_751 = tpu.memref_squeeze %dma_wait3A_750 : memref<1x128xi32, #tpu.memory_space<vmem>> -> memref<128xi32, #tpu.memory_space<vmem>>
    %dma_wait3A_752 = arith.constant 0 : i32
    %dma_wait3A_753 = arith.constant 0 : i32
    %dma_wait3A_754 = tpu.memref_slice %arg3[%dma_wait3A_752, %dma_wait3A_753] : memref<2031616x16xf32, #tpu.memory_space<hbm>> -> memref<2031616x16xf32, #tpu.memory_space<hbm>>
    tpu.wait_indirect_dma semaphore(%arg8 : memref<!tpu.dma_semaphore, #tpu.memory_space<semaphore_mem>>) src(%dma_wait3A_754 : memref<2031616x16xf32, #tpu.memory_space<hbm>>) dst(%arg6 : memref<128x16xf32, #tpu.memory_space<vmem>>)
    %dma_wait3A_755 = arith.constant 7 : i32
    %dma_wait3A_756 = arith.constant 0 : i32
    %dma_wait3A_757 = tpu.memref_slice %arg5[%dma_wait3A_755, %dma_wait3A_756] : memref<100x128xi32, #tpu.memory_space<vmem>> -> memref<1x128xi32, #tpu.memory_space<vmem>>
    %dma_wait3A_758 = tpu.memref_squeeze %dma_wait3A_757 : memref<1x128xi32, #tpu.memory_space<vmem>> -> memref<128xi32, #tpu.memory_space<vmem>>
    %dma_wait3A_759 = arith.constant 0 : i32
    %dma_wait3A_760 = arith.constant 0 : i32
    %dma_wait3A_761 = tpu.memref_slice %arg3[%dma_wait3A_759, %dma_wait3A_760] : memref<2031616x16xf32, #tpu.memory_space<hbm>> -> memref<2031616x16xf32, #tpu.memory_space<hbm>>
    tpu.wait_indirect_dma semaphore(%arg8 : memref<!tpu.dma_semaphore, #tpu.memory_space<semaphore_mem>>) src(%dma_wait3A_761 : memref<2031616x16xf32, #tpu.memory_space<hbm>>) dst(%arg6 : memref<128x16xf32, #tpu.memory_space<vmem>>)
    %dma_wait3A_762 = arith.constant 8 : i32
    %dma_wait3A_763 = arith.constant 0 : i32
    %dma_wait3A_764 = tpu.memref_slice %arg5[%dma_wait3A_762, %dma_wait3A_763] : memref<100x128xi32, #tpu.memory_space<vmem>> -> memref<1x128xi32, #tpu.memory_space<vmem>>
    %dma_wait3A_765 = tpu.memref_squeeze %dma_wait3A_764 : memref<1x128xi32, #tpu.memory_space<vmem>> -> memref<128xi32, #tpu.memory_space<vmem>>
    %dma_wait3A_766 = arith.constant 0 : i32
    %dma_wait3A_767 = arith.constant 0 : i32
    %dma_wait3A_768 = tpu.memref_slice %arg3[%dma_wait3A_766, %dma_wait3A_767] : memref<2031616x16xf32, #tpu.memory_space<hbm>> -> memref<2031616x16xf32, #tpu.memory_space<hbm>>
    tpu.wait_indirect_dma semaphore(%arg8 : memref<!tpu.dma_semaphore, #tpu.memory_space<semaphore_mem>>) src(%dma_wait3A_768 : memref<2031616x16xf32, #tpu.memory_space<hbm>>) dst(%arg6 : memref<128x16xf32, #tpu.memory_space<vmem>>)
    %dma_wait3A_769 = arith.constant 9 : i32
    %dma_wait3A_770 = arith.constant 0 : i32
    %dma_wait3A_771 = tpu.memref_slice %arg5[%dma_wait3A_769, %dma_wait3A_770] : memref<100x128xi32, #tpu.memory_space<vmem>> -> memref<1x128xi32, #tpu.memory_space<vmem>>
    %dma_wait3A_772 = tpu.memref_squeeze %dma_wait3A_771 : memref<1x128xi32, #tpu.memory_space<vmem>> -> memref<128xi32, #tpu.memory_space<vmem>>
    %dma_wait3A_773 = arith.constant 0 : i32
    %dma_wait3A_774 = arith.constant 0 : i32
    %dma_wait3A_775 = tpu.memref_slice %arg3[%dma_wait3A_773, %dma_wait3A_774] : memref<2031616x16xf32, #tpu.memory_space<hbm>> -> memref<2031616x16xf32, #tpu.memory_space<hbm>>
    tpu.wait_indirect_dma semaphore(%arg8 : memref<!tpu.dma_semaphore, #tpu.memory_space<semaphore_mem>>) src(%dma_wait3A_775 : memref<2031616x16xf32, #tpu.memory_space<hbm>>) dst(%arg6 : memref<128x16xf32, #tpu.memory_space<vmem>>)
    %dma_wait3A_776 = arith.constant 10 : i32
    %dma_wait3A_777 = arith.constant 0 : i32
    %dma_wait3A_778 = tpu.memref_slice %arg5[%dma_wait3A_776, %dma_wait3A_777] : memref<100x128xi32, #tpu.memory_space<vmem>> -> memref<1x128xi32, #tpu.memory_space<vmem>>
    %dma_wait3A_779 = tpu.memref_squeeze %dma_wait3A_778 : memref<1x128xi32, #tpu.memory_space<vmem>> -> memref<128xi32, #tpu.memory_space<vmem>>
    %dma_wait3A_780 = arith.constant 0 : i32
    %dma_wait3A_781 = arith.constant 0 : i32
    %dma_wait3A_782 = tpu.memref_slice %arg3[%dma_wait3A_780, %dma_wait3A_781] : memref<2031616x16xf32, #tpu.memory_space<hbm>> -> memref<2031616x16xf32, #tpu.memory_space<hbm>>
    tpu.wait_indirect_dma semaphore(%arg8 : memref<!tpu.dma_semaphore, #tpu.memory_space<semaphore_mem>>) src(%dma_wait3A_782 : memref<2031616x16xf32, #tpu.memory_space<hbm>>) dst(%arg6 : memref<128x16xf32, #tpu.memory_space<vmem>>)
    %dma_wait3A_783 = arith.constant 11 : i32
    %dma_wait3A_784 = arith.constant 0 : i32
    %dma_wait3A_785 = tpu.memref_slice %arg5[%dma_wait3A_783, %dma_wait3A_784] : memref<100x128xi32, #tpu.memory_space<vmem>> -> memref<1x128xi32, #tpu.memory_space<vmem>>
    %dma_wait3A_786 = tpu.memref_squeeze %dma_wait3A_785 : memref<1x128xi32, #tpu.memory_space<vmem>> -> memref<128xi32, #tpu.memory_space<vmem>>
    %dma_wait3A_787 = arith.constant 0 : i32
    %dma_wait3A_788 = arith.constant 0 : i32
    %dma_wait3A_789 = tpu.memref_slice %arg3[%dma_wait3A_787, %dma_wait3A_788] : memref<2031616x16xf32, #tpu.memory_space<hbm>> -> memref<2031616x16xf32, #tpu.memory_space<hbm>>
    tpu.wait_indirect_dma semaphore(%arg8 : memref<!tpu.dma_semaphore, #tpu.memory_space<semaphore_mem>>) src(%dma_wait3A_789 : memref<2031616x16xf32, #tpu.memory_space<hbm>>) dst(%arg6 : memref<128x16xf32, #tpu.memory_space<vmem>>)
    %dma_wait3A_790 = arith.constant 12 : i32
    %dma_wait3A_791 = arith.constant 0 : i32
    %dma_wait3A_792 = tpu.memref_slice %arg5[%dma_wait3A_790, %dma_wait3A_791] : memref<100x128xi32, #tpu.memory_space<vmem>> -> memref<1x128xi32, #tpu.memory_space<vmem>>
    %dma_wait3A_793 = tpu.memref_squeeze %dma_wait3A_792 : memref<1x128xi32, #tpu.memory_space<vmem>> -> memref<128xi32, #tpu.memory_space<vmem>>
    %dma_wait3A_794 = arith.constant 0 : i32
    %dma_wait3A_795 = arith.constant 0 : i32
    %dma_wait3A_796 = tpu.memref_slice %arg3[%dma_wait3A_794, %dma_wait3A_795] : memref<2031616x16xf32, #tpu.memory_space<hbm>> -> memref<2031616x16xf32, #tpu.memory_space<hbm>>
    tpu.wait_indirect_dma semaphore(%arg8 : memref<!tpu.dma_semaphore, #tpu.memory_space<semaphore_mem>>) src(%dma_wait3A_796 : memref<2031616x16xf32, #tpu.memory_space<hbm>>) dst(%arg6 : memref<128x16xf32, #tpu.memory_space<vmem>>)
    %dma_wait3A_797 = arith.constant 13 : i32
    %dma_wait3A_798 = arith.constant 0 : i32
    %dma_wait3A_799 = tpu.memref_slice %arg5[%dma_wait3A_797, %dma_wait3A_798] : memref<100x128xi32, #tpu.memory_space<vmem>> -> memref<1x128xi32, #tpu.memory_space<vmem>>
    %dma_wait3A_800 = tpu.memref_squeeze %dma_wait3A_799 : memref<1x128xi32, #tpu.memory_space<vmem>> -> memref<128xi32, #tpu.memory_space<vmem>>
    %dma_wait3A_801 = arith.constant 0 : i32
    %dma_wait3A_802 = arith.constant 0 : i32
    %dma_wait3A_803 = tpu.memref_slice %arg3[%dma_wait3A_801, %dma_wait3A_802] : memref<2031616x16xf32, #tpu.memory_space<hbm>> -> memref<2031616x16xf32, #tpu.memory_space<hbm>>
    tpu.wait_indirect_dma semaphore(%arg8 : memref<!tpu.dma_semaphore, #tpu.memory_space<semaphore_mem>>) src(%dma_wait3A_803 : memref<2031616x16xf32, #tpu.memory_space<hbm>>) dst(%arg6 : memref<128x16xf32, #tpu.memory_space<vmem>>)
    %dma_wait3A_804 = arith.constant 14 : i32
    %dma_wait3A_805 = arith.constant 0 : i32
    %dma_wait3A_806 = tpu.memref_slice %arg5[%dma_wait3A_804, %dma_wait3A_805] : memref<100x128xi32, #tpu.memory_space<vmem>> -> memref<1x128xi32, #tpu.memory_space<vmem>>
    %dma_wait3A_807 = tpu.memref_squeeze %dma_wait3A_806 : memref<1x128xi32, #tpu.memory_space<vmem>> -> memref<128xi32, #tpu.memory_space<vmem>>
    %dma_wait3A_808 = arith.constant 0 : i32
    %dma_wait3A_809 = arith.constant 0 : i32
    %dma_wait3A_810 = tpu.memref_slice %arg3[%dma_wait3A_808, %dma_wait3A_809] : memref<2031616x16xf32, #tpu.memory_space<hbm>> -> memref<2031616x16xf32, #tpu.memory_space<hbm>>
    tpu.wait_indirect_dma semaphore(%arg8 : memref<!tpu.dma_semaphore, #tpu.memory_space<semaphore_mem>>) src(%dma_wait3A_810 : memref<2031616x16xf32, #tpu.memory_space<hbm>>) dst(%arg6 : memref<128x16xf32, #tpu.memory_space<vmem>>)
    %dma_wait3A_811 = arith.constant 15 : i32
    %dma_wait3A_812 = arith.constant 0 : i32
    %dma_wait3A_813 = tpu.memref_slice %arg5[%dma_wait3A_811, %dma_wait3A_812] : memref<100x128xi32, #tpu.memory_space<vmem>> -> memref<1x128xi32, #tpu.memory_space<vmem>>
    %dma_wait3A_814 = tpu.memref_squeeze %dma_wait3A_813 : memref<1x128xi32, #tpu.memory_space<vmem>> -> memref<128xi32, #tpu.memory_space<vmem>>
    %dma_wait3A_815 = arith.constant 0 : i32
    %dma_wait3A_816 = arith.constant 0 : i32
    %dma_wait3A_817 = tpu.memref_slice %arg3[%dma_wait3A_815, %dma_wait3A_816] : memref<2031616x16xf32, #tpu.memory_space<hbm>> -> memref<2031616x16xf32, #tpu.memory_space<hbm>>
    tpu.wait_indirect_dma semaphore(%arg8 : memref<!tpu.dma_semaphore, #tpu.memory_space<semaphore_mem>>) src(%dma_wait3A_817 : memref<2031616x16xf32, #tpu.memory_space<hbm>>) dst(%arg6 : memref<128x16xf32, #tpu.memory_space<vmem>>)
    %dma_wait3A_818 = arith.constant 16 : i32
    %dma_wait3A_819 = arith.constant 0 : i32
    %dma_wait3A_820 = tpu.memref_slice %arg5[%dma_wait3A_818, %dma_wait3A_819] : memref<100x128xi32, #tpu.memory_space<vmem>> -> memref<1x128xi32, #tpu.memory_space<vmem>>
    %dma_wait3A_821 = tpu.memref_squeeze %dma_wait3A_820 : memref<1x128xi32, #tpu.memory_space<vmem>> -> memref<128xi32, #tpu.memory_space<vmem>>
    %dma_wait3A_822 = arith.constant 0 : i32
    %dma_wait3A_823 = arith.constant 0 : i32
    %dma_wait3A_824 = tpu.memref_slice %arg3[%dma_wait3A_822, %dma_wait3A_823] : memref<2031616x16xf32, #tpu.memory_space<hbm>> -> memref<2031616x16xf32, #tpu.memory_space<hbm>>
    tpu.wait_indirect_dma semaphore(%arg8 : memref<!tpu.dma_semaphore, #tpu.memory_space<semaphore_mem>>) src(%dma_wait3A_824 : memref<2031616x16xf32, #tpu.memory_space<hbm>>) dst(%arg6 : memref<128x16xf32, #tpu.memory_space<vmem>>)
    %dma_wait3A_825 = arith.constant 17 : i32
    %dma_wait3A_826 = arith.constant 0 : i32
    %dma_wait3A_827 = tpu.memref_slice %arg5[%dma_wait3A_825, %dma_wait3A_826] : memref<100x128xi32, #tpu.memory_space<vmem>> -> memref<1x128xi32, #tpu.memory_space<vmem>>
    %dma_wait3A_828 = tpu.memref_squeeze %dma_wait3A_827 : memref<1x128xi32, #tpu.memory_space<vmem>> -> memref<128xi32, #tpu.memory_space<vmem>>
    %dma_wait3A_829 = arith.constant 0 : i32
    %dma_wait3A_830 = arith.constant 0 : i32
    %dma_wait3A_831 = tpu.memref_slice %arg3[%dma_wait3A_829, %dma_wait3A_830] : memref<2031616x16xf32, #tpu.memory_space<hbm>> -> memref<2031616x16xf32, #tpu.memory_space<hbm>>
    tpu.wait_indirect_dma semaphore(%arg8 : memref<!tpu.dma_semaphore, #tpu.memory_space<semaphore_mem>>) src(%dma_wait3A_831 : memref<2031616x16xf32, #tpu.memory_space<hbm>>) dst(%arg6 : memref<128x16xf32, #tpu.memory_space<vmem>>)
    %dma_wait3A_832 = arith.constant 18 : i32
    %dma_wait3A_833 = arith.constant 0 : i32
    %dma_wait3A_834 = tpu.memref_slice %arg5[%dma_wait3A_832, %dma_wait3A_833] : memref<100x128xi32, #tpu.memory_space<vmem>> -> memref<1x128xi32, #tpu.memory_space<vmem>>
    %dma_wait3A_835 = tpu.memref_squeeze %dma_wait3A_834 : memref<1x128xi32, #tpu.memory_space<vmem>> -> memref<128xi32, #tpu.memory_space<vmem>>
    %dma_wait3A_836 = arith.constant 0 : i32
    %dma_wait3A_837 = arith.constant 0 : i32
    %dma_wait3A_838 = tpu.memref_slice %arg3[%dma_wait3A_836, %dma_wait3A_837] : memref<2031616x16xf32, #tpu.memory_space<hbm>> -> memref<2031616x16xf32, #tpu.memory_space<hbm>>
    tpu.wait_indirect_dma semaphore(%arg8 : memref<!tpu.dma_semaphore, #tpu.memory_space<semaphore_mem>>) src(%dma_wait3A_838 : memref<2031616x16xf32, #tpu.memory_space<hbm>>) dst(%arg6 : memref<128x16xf32, #tpu.memory_space<vmem>>)
    %dma_wait3A_839 = arith.constant 19 : i32
    %dma_wait3A_840 = arith.constant 0 : i32
    %dma_wait3A_841 = tpu.memref_slice %arg5[%dma_wait3A_839, %dma_wait3A_840] : memref<100x128xi32, #tpu.memory_space<vmem>> -> memref<1x128xi32, #tpu.memory_space<vmem>>
    %dma_wait3A_842 = tpu.memref_squeeze %dma_wait3A_841 : memref<1x128xi32, #tpu.memory_space<vmem>> -> memref<128xi32, #tpu.memory_space<vmem>>
    %dma_wait3A_843 = arith.constant 0 : i32
    %dma_wait3A_844 = arith.constant 0 : i32
    %dma_wait3A_845 = tpu.memref_slice %arg3[%dma_wait3A_843, %dma_wait3A_844] : memref<2031616x16xf32, #tpu.memory_space<hbm>> -> memref<2031616x16xf32, #tpu.memory_space<hbm>>
    tpu.wait_indirect_dma semaphore(%arg8 : memref<!tpu.dma_semaphore, #tpu.memory_space<semaphore_mem>>) src(%dma_wait3A_845 : memref<2031616x16xf32, #tpu.memory_space<hbm>>) dst(%arg6 : memref<128x16xf32, #tpu.memory_space<vmem>>)
    %dma_wait3A_846 = arith.constant 20 : i32
    %dma_wait3A_847 = arith.constant 0 : i32
    %dma_wait3A_848 = tpu.memref_slice %arg5[%dma_wait3A_846, %dma_wait3A_847] : memref<100x128xi32, #tpu.memory_space<vmem>> -> memref<1x128xi32, #tpu.memory_space<vmem>>
    %dma_wait3A_849 = tpu.memref_squeeze %dma_wait3A_848 : memref<1x128xi32, #tpu.memory_space<vmem>> -> memref<128xi32, #tpu.memory_space<vmem>>
    %dma_wait3A_850 = arith.constant 0 : i32
    %dma_wait3A_851 = arith.constant 0 : i32
    %dma_wait3A_852 = tpu.memref_slice %arg3[%dma_wait3A_850, %dma_wait3A_851] : memref<2031616x16xf32, #tpu.memory_space<hbm>> -> memref<2031616x16xf32, #tpu.memory_space<hbm>>
    tpu.wait_indirect_dma semaphore(%arg8 : memref<!tpu.dma_semaphore, #tpu.memory_space<semaphore_mem>>) src(%dma_wait3A_852 : memref<2031616x16xf32, #tpu.memory_space<hbm>>) dst(%arg6 : memref<128x16xf32, #tpu.memory_space<vmem>>)
    %dma_wait3A_853 = arith.constant 21 : i32
    %dma_wait3A_854 = arith.constant 0 : i32
    %dma_wait3A_855 = tpu.memref_slice %arg5[%dma_wait3A_853, %dma_wait3A_854] : memref<100x128xi32, #tpu.memory_space<vmem>> -> memref<1x128xi32, #tpu.memory_space<vmem>>
    %dma_wait3A_856 = tpu.memref_squeeze %dma_wait3A_855 : memref<1x128xi32, #tpu.memory_space<vmem>> -> memref<128xi32, #tpu.memory_space<vmem>>
    %dma_wait3A_857 = arith.constant 0 : i32
    %dma_wait3A_858 = arith.constant 0 : i32
    %dma_wait3A_859 = tpu.memref_slice %arg3[%dma_wait3A_857, %dma_wait3A_858] : memref<2031616x16xf32, #tpu.memory_space<hbm>> -> memref<2031616x16xf32, #tpu.memory_space<hbm>>
    tpu.wait_indirect_dma semaphore(%arg8 : memref<!tpu.dma_semaphore, #tpu.memory_space<semaphore_mem>>) src(%dma_wait3A_859 : memref<2031616x16xf32, #tpu.memory_space<hbm>>) dst(%arg6 : memref<128x16xf32, #tpu.memory_space<vmem>>)
    %dma_wait3A_860 = arith.constant 22 : i32
    %dma_wait3A_861 = arith.constant 0 : i32
    %dma_wait3A_862 = tpu.memref_slice %arg5[%dma_wait3A_860, %dma_wait3A_861] : memref<100x128xi32, #tpu.memory_space<vmem>> -> memref<1x128xi32, #tpu.memory_space<vmem>>
    %dma_wait3A_863 = tpu.memref_squeeze %dma_wait3A_862 : memref<1x128xi32, #tpu.memory_space<vmem>> -> memref<128xi32, #tpu.memory_space<vmem>>
    %dma_wait3A_864 = arith.constant 0 : i32
    %dma_wait3A_865 = arith.constant 0 : i32
    %dma_wait3A_866 = tpu.memref_slice %arg3[%dma_wait3A_864, %dma_wait3A_865] : memref<2031616x16xf32, #tpu.memory_space<hbm>> -> memref<2031616x16xf32, #tpu.memory_space<hbm>>
    tpu.wait_indirect_dma semaphore(%arg8 : memref<!tpu.dma_semaphore, #tpu.memory_space<semaphore_mem>>) src(%dma_wait3A_866 : memref<2031616x16xf32, #tpu.memory_space<hbm>>) dst(%arg6 : memref<128x16xf32, #tpu.memory_space<vmem>>)
    %dma_wait3A_867 = arith.constant 23 : i32
    %dma_wait3A_868 = arith.constant 0 : i32
    %dma_wait3A_869 = tpu.memref_slice %arg5[%dma_wait3A_867, %dma_wait3A_868] : memref<100x128xi32, #tpu.memory_space<vmem>> -> memref<1x128xi32, #tpu.memory_space<vmem>>
    %dma_wait3A_870 = tpu.memref_squeeze %dma_wait3A_869 : memref<1x128xi32, #tpu.memory_space<vmem>> -> memref<128xi32, #tpu.memory_space<vmem>>
    %dma_wait3A_871 = arith.constant 0 : i32
    %dma_wait3A_872 = arith.constant 0 : i32
    %dma_wait3A_873 = tpu.memref_slice %arg3[%dma_wait3A_871, %dma_wait3A_872] : memref<2031616x16xf32, #tpu.memory_space<hbm>> -> memref<2031616x16xf32, #tpu.memory_space<hbm>>
    tpu.wait_indirect_dma semaphore(%arg8 : memref<!tpu.dma_semaphore, #tpu.memory_space<semaphore_mem>>) src(%dma_wait3A_873 : memref<2031616x16xf32, #tpu.memory_space<hbm>>) dst(%arg6 : memref<128x16xf32, #tpu.memory_space<vmem>>)
    %dma_wait3A_874 = arith.constant 24 : i32
    %dma_wait3A_875 = arith.constant 0 : i32
    %dma_wait3A_876 = tpu.memref_slice %arg5[%dma_wait3A_874, %dma_wait3A_875] : memref<100x128xi32, #tpu.memory_space<vmem>> -> memref<1x128xi32, #tpu.memory_space<vmem>>
    %dma_wait3A_877 = tpu.memref_squeeze %dma_wait3A_876 : memref<1x128xi32, #tpu.memory_space<vmem>> -> memref<128xi32, #tpu.memory_space<vmem>>
    %dma_wait3A_878 = arith.constant 0 : i32
    %dma_wait3A_879 = arith.constant 0 : i32
    %dma_wait3A_880 = tpu.memref_slice %arg3[%dma_wait3A_878, %dma_wait3A_879] : memref<2031616x16xf32, #tpu.memory_space<hbm>> -> memref<2031616x16xf32, #tpu.memory_space<hbm>>
    tpu.wait_indirect_dma semaphore(%arg8 : memref<!tpu.dma_semaphore, #tpu.memory_space<semaphore_mem>>) src(%dma_wait3A_880 : memref<2031616x16xf32, #tpu.memory_space<hbm>>) dst(%arg6 : memref<128x16xf32, #tpu.memory_space<vmem>>)
    %dma_wait3A_881 = arith.constant 25 : i32
    %dma_wait3A_882 = arith.constant 0 : i32
    %dma_wait3A_883 = tpu.memref_slice %arg5[%dma_wait3A_881, %dma_wait3A_882] : memref<100x128xi32, #tpu.memory_space<vmem>> -> memref<1x128xi32, #tpu.memory_space<vmem>>
    %dma_wait3A_884 = tpu.memref_squeeze %dma_wait3A_883 : memref<1x128xi32, #tpu.memory_space<vmem>> -> memref<128xi32, #tpu.memory_space<vmem>>
    %dma_wait3A_885 = arith.constant 0 : i32
    %dma_wait3A_886 = arith.constant 0 : i32
    %dma_wait3A_887 = tpu.memref_slice %arg3[%dma_wait3A_885, %dma_wait3A_886] : memref<2031616x16xf32, #tpu.memory_space<hbm>> -> memref<2031616x16xf32, #tpu.memory_space<hbm>>
    tpu.wait_indirect_dma semaphore(%arg8 : memref<!tpu.dma_semaphore, #tpu.memory_space<semaphore_mem>>) src(%dma_wait3A_887 : memref<2031616x16xf32, #tpu.memory_space<hbm>>) dst(%arg6 : memref<128x16xf32, #tpu.memory_space<vmem>>)
    %dma_wait3A_888 = arith.constant 26 : i32
    %dma_wait3A_889 = arith.constant 0 : i32
    %dma_wait3A_890 = tpu.memref_slice %arg5[%dma_wait3A_888, %dma_wait3A_889] : memref<100x128xi32, #tpu.memory_space<vmem>> -> memref<1x128xi32, #tpu.memory_space<vmem>>
    %dma_wait3A_891 = tpu.memref_squeeze %dma_wait3A_890 : memref<1x128xi32, #tpu.memory_space<vmem>> -> memref<128xi32, #tpu.memory_space<vmem>>
    %dma_wait3A_892 = arith.constant 0 : i32
    %dma_wait3A_893 = arith.constant 0 : i32
    %dma_wait3A_894 = tpu.memref_slice %arg3[%dma_wait3A_892, %dma_wait3A_893] : memref<2031616x16xf32, #tpu.memory_space<hbm>> -> memref<2031616x16xf32, #tpu.memory_space<hbm>>
    tpu.wait_indirect_dma semaphore(%arg8 : memref<!tpu.dma_semaphore, #tpu.memory_space<semaphore_mem>>) src(%dma_wait3A_894 : memref<2031616x16xf32, #tpu.memory_space<hbm>>) dst(%arg6 : memref<128x16xf32, #tpu.memory_space<vmem>>)
    %dma_wait3A_895 = arith.constant 27 : i32
    %dma_wait3A_896 = arith.constant 0 : i32
    %dma_wait3A_897 = tpu.memref_slice %arg5[%dma_wait3A_895, %dma_wait3A_896] : memref<100x128xi32, #tpu.memory_space<vmem>> -> memref<1x128xi32, #tpu.memory_space<vmem>>
    %dma_wait3A_898 = tpu.memref_squeeze %dma_wait3A_897 : memref<1x128xi32, #tpu.memory_space<vmem>> -> memref<128xi32, #tpu.memory_space<vmem>>
    %dma_wait3A_899 = arith.constant 0 : i32
    %dma_wait3A_900 = arith.constant 0 : i32
    %dma_wait3A_901 = tpu.memref_slice %arg3[%dma_wait3A_899, %dma_wait3A_900] : memref<2031616x16xf32, #tpu.memory_space<hbm>> -> memref<2031616x16xf32, #tpu.memory_space<hbm>>
    tpu.wait_indirect_dma semaphore(%arg8 : memref<!tpu.dma_semaphore, #tpu.memory_space<semaphore_mem>>) src(%dma_wait3A_901 : memref<2031616x16xf32, #tpu.memory_space<hbm>>) dst(%arg6 : memref<128x16xf32, #tpu.memory_space<vmem>>)
    %dma_wait3A_902 = arith.constant 28 : i32
    %dma_wait3A_903 = arith.constant 0 : i32
    %dma_wait3A_904 = tpu.memref_slice %arg5[%dma_wait3A_902, %dma_wait3A_903] : memref<100x128xi32, #tpu.memory_space<vmem>> -> memref<1x128xi32, #tpu.memory_space<vmem>>
    %dma_wait3A_905 = tpu.memref_squeeze %dma_wait3A_904 : memref<1x128xi32, #tpu.memory_space<vmem>> -> memref<128xi32, #tpu.memory_space<vmem>>
    %dma_wait3A_906 = arith.constant 0 : i32
    %dma_wait3A_907 = arith.constant 0 : i32
    %dma_wait3A_908 = tpu.memref_slice %arg3[%dma_wait3A_906, %dma_wait3A_907] : memref<2031616x16xf32, #tpu.memory_space<hbm>> -> memref<2031616x16xf32, #tpu.memory_space<hbm>>
    tpu.wait_indirect_dma semaphore(%arg8 : memref<!tpu.dma_semaphore, #tpu.memory_space<semaphore_mem>>) src(%dma_wait3A_908 : memref<2031616x16xf32, #tpu.memory_space<hbm>>) dst(%arg6 : memref<128x16xf32, #tpu.memory_space<vmem>>)
    %dma_wait3A_909 = arith.constant 29 : i32
    %dma_wait3A_910 = arith.constant 0 : i32
    %dma_wait3A_911 = tpu.memref_slice %arg5[%dma_wait3A_909, %dma_wait3A_910] : memref<100x128xi32, #tpu.memory_space<vmem>> -> memref<1x128xi32, #tpu.memory_space<vmem>>
    %dma_wait3A_912 = tpu.memref_squeeze %dma_wait3A_911 : memref<1x128xi32, #tpu.memory_space<vmem>> -> memref<128xi32, #tpu.memory_space<vmem>>
    %dma_wait3A_913 = arith.constant 0 : i32
    %dma_wait3A_914 = arith.constant 0 : i32
    %dma_wait3A_915 = tpu.memref_slice %arg3[%dma_wait3A_913, %dma_wait3A_914] : memref<2031616x16xf32, #tpu.memory_space<hbm>> -> memref<2031616x16xf32, #tpu.memory_space<hbm>>
    tpu.wait_indirect_dma semaphore(%arg8 : memref<!tpu.dma_semaphore, #tpu.memory_space<semaphore_mem>>) src(%dma_wait3A_915 : memref<2031616x16xf32, #tpu.memory_space<hbm>>) dst(%arg6 : memref<128x16xf32, #tpu.memory_space<vmem>>)
    %dma_wait3A_916 = arith.constant 30 : i32
    %dma_wait3A_917 = arith.constant 0 : i32
    %dma_wait3A_918 = tpu.memref_slice %arg5[%dma_wait3A_916, %dma_wait3A_917] : memref<100x128xi32, #tpu.memory_space<vmem>> -> memref<1x128xi32, #tpu.memory_space<vmem>>
    %dma_wait3A_919 = tpu.memref_squeeze %dma_wait3A_918 : memref<1x128xi32, #tpu.memory_space<vmem>> -> memref<128xi32, #tpu.memory_space<vmem>>
    %dma_wait3A_920 = arith.constant 0 : i32
    %dma_wait3A_921 = arith.constant 0 : i32
    %dma_wait3A_922 = tpu.memref_slice %arg3[%dma_wait3A_920, %dma_wait3A_921] : memref<2031616x16xf32, #tpu.memory_space<hbm>> -> memref<2031616x16xf32, #tpu.memory_space<hbm>>
    tpu.wait_indirect_dma semaphore(%arg8 : memref<!tpu.dma_semaphore, #tpu.memory_space<semaphore_mem>>) src(%dma_wait3A_922 : memref<2031616x16xf32, #tpu.memory_space<hbm>>) dst(%arg6 : memref<128x16xf32, #tpu.memory_space<vmem>>)
    %dma_wait3A_923 = arith.constant 31 : i32
    %dma_wait3A_924 = arith.constant 0 : i32
    %dma_wait3A_925 = tpu.memref_slice %arg5[%dma_wait3A_923, %dma_wait3A_924] : memref<100x128xi32, #tpu.memory_space<vmem>> -> memref<1x128xi32, #tpu.memory_space<vmem>>
    %dma_wait3A_926 = tpu.memref_squeeze %dma_wait3A_925 : memref<1x128xi32, #tpu.memory_space<vmem>> -> memref<128xi32, #tpu.memory_space<vmem>>
    %dma_wait3A_927 = arith.constant 0 : i32
    %dma_wait3A_928 = arith.constant 0 : i32
    %dma_wait3A_929 = tpu.memref_slice %arg3[%dma_wait3A_927, %dma_wait3A_928] : memref<2031616x16xf32, #tpu.memory_space<hbm>> -> memref<2031616x16xf32, #tpu.memory_space<hbm>>
    tpu.wait_indirect_dma semaphore(%arg8 : memref<!tpu.dma_semaphore, #tpu.memory_space<semaphore_mem>>) src(%dma_wait3A_929 : memref<2031616x16xf32, #tpu.memory_space<hbm>>) dst(%arg6 : memref<128x16xf32, #tpu.memory_space<vmem>>)
    %dma_wait3A_930 = arith.constant 32 : i32
    %dma_wait3A_931 = arith.constant 0 : i32
    %dma_wait3A_932 = tpu.memref_slice %arg5[%dma_wait3A_930, %dma_wait3A_931] : memref<100x128xi32, #tpu.memory_space<vmem>> -> memref<1x128xi32, #tpu.memory_space<vmem>>
    %dma_wait3A_933 = tpu.memref_squeeze %dma_wait3A_932 : memref<1x128xi32, #tpu.memory_space<vmem>> -> memref<128xi32, #tpu.memory_space<vmem>>
    %dma_wait3A_934 = arith.constant 0 : i32
    %dma_wait3A_935 = arith.constant 0 : i32
    %dma_wait3A_936 = tpu.memref_slice %arg3[%dma_wait3A_934, %dma_wait3A_935] : memref<2031616x16xf32, #tpu.memory_space<hbm>> -> memref<2031616x16xf32, #tpu.memory_space<hbm>>
    tpu.wait_indirect_dma semaphore(%arg8 : memref<!tpu.dma_semaphore, #tpu.memory_space<semaphore_mem>>) src(%dma_wait3A_936 : memref<2031616x16xf32, #tpu.memory_space<hbm>>) dst(%arg6 : memref<128x16xf32, #tpu.memory_space<vmem>>)
    %dma_wait3A_937 = arith.constant 33 : i32
    %dma_wait3A_938 = arith.constant 0 : i32
    %dma_wait3A_939 = tpu.memref_slice %arg5[%dma_wait3A_937, %dma_wait3A_938] : memref<100x128xi32, #tpu.memory_space<vmem>> -> memref<1x128xi32, #tpu.memory_space<vmem>>
    %dma_wait3A_940 = tpu.memref_squeeze %dma_wait3A_939 : memref<1x128xi32, #tpu.memory_space<vmem>> -> memref<128xi32, #tpu.memory_space<vmem>>
    %dma_wait3A_941 = arith.constant 0 : i32
    %dma_wait3A_942 = arith.constant 0 : i32
    %dma_wait3A_943 = tpu.memref_slice %arg3[%dma_wait3A_941, %dma_wait3A_942] : memref<2031616x16xf32, #tpu.memory_space<hbm>> -> memref<2031616x16xf32, #tpu.memory_space<hbm>>
    tpu.wait_indirect_dma semaphore(%arg8 : memref<!tpu.dma_semaphore, #tpu.memory_space<semaphore_mem>>) src(%dma_wait3A_943 : memref<2031616x16xf32, #tpu.memory_space<hbm>>) dst(%arg6 : memref<128x16xf32, #tpu.memory_space<vmem>>)
    %dma_wait3A_944 = arith.constant 34 : i32
    %dma_wait3A_945 = arith.constant 0 : i32
    %dma_wait3A_946 = tpu.memref_slice %arg5[%dma_wait3A_944, %dma_wait3A_945] : memref<100x128xi32, #tpu.memory_space<vmem>> -> memref<1x128xi32, #tpu.memory_space<vmem>>
    %dma_wait3A_947 = tpu.memref_squeeze %dma_wait3A_946 : memref<1x128xi32, #tpu.memory_space<vmem>> -> memref<128xi32, #tpu.memory_space<vmem>>
    %dma_wait3A_948 = arith.constant 0 : i32
    %dma_wait3A_949 = arith.constant 0 : i32
    %dma_wait3A_950 = tpu.memref_slice %arg3[%dma_wait3A_948, %dma_wait3A_949] : memref<2031616x16xf32, #tpu.memory_space<hbm>> -> memref<2031616x16xf32, #tpu.memory_space<hbm>>
    tpu.wait_indirect_dma semaphore(%arg8 : memref<!tpu.dma_semaphore, #tpu.memory_space<semaphore_mem>>) src(%dma_wait3A_950 : memref<2031616x16xf32, #tpu.memory_space<hbm>>) dst(%arg6 : memref<128x16xf32, #tpu.memory_space<vmem>>)
    %dma_wait3A_951 = arith.constant 35 : i32
    %dma_wait3A_952 = arith.constant 0 : i32
    %dma_wait3A_953 = tpu.memref_slice %arg5[%dma_wait3A_951, %dma_wait3A_952] : memref<100x128xi32, #tpu.memory_space<vmem>> -> memref<1x128xi32, #tpu.memory_space<vmem>>
    %dma_wait3A_954 = tpu.memref_squeeze %dma_wait3A_953 : memref<1x128xi32, #tpu.memory_space<vmem>> -> memref<128xi32, #tpu.memory_space<vmem>>
    %dma_wait3A_955 = arith.constant 0 : i32
    %dma_wait3A_956 = arith.constant 0 : i32
    %dma_wait3A_957 = tpu.memref_slice %arg3[%dma_wait3A_955, %dma_wait3A_956] : memref<2031616x16xf32, #tpu.memory_space<hbm>> -> memref<2031616x16xf32, #tpu.memory_space<hbm>>
    tpu.wait_indirect_dma semaphore(%arg8 : memref<!tpu.dma_semaphore, #tpu.memory_space<semaphore_mem>>) src(%dma_wait3A_957 : memref<2031616x16xf32, #tpu.memory_space<hbm>>) dst(%arg6 : memref<128x16xf32, #tpu.memory_space<vmem>>)
    %dma_wait3A_958 = arith.constant 36 : i32
    %dma_wait3A_959 = arith.constant 0 : i32
    %dma_wait3A_960 = tpu.memref_slice %arg5[%dma_wait3A_958, %dma_wait3A_959] : memref<100x128xi32, #tpu.memory_space<vmem>> -> memref<1x128xi32, #tpu.memory_space<vmem>>
    %dma_wait3A_961 = tpu.memref_squeeze %dma_wait3A_960 : memref<1x128xi32, #tpu.memory_space<vmem>> -> memref<128xi32, #tpu.memory_space<vmem>>
    %dma_wait3A_962 = arith.constant 0 : i32
    %dma_wait3A_963 = arith.constant 0 : i32
    %dma_wait3A_964 = tpu.memref_slice %arg3[%dma_wait3A_962, %dma_wait3A_963] : memref<2031616x16xf32, #tpu.memory_space<hbm>> -> memref<2031616x16xf32, #tpu.memory_space<hbm>>
    tpu.wait_indirect_dma semaphore(%arg8 : memref<!tpu.dma_semaphore, #tpu.memory_space<semaphore_mem>>) src(%dma_wait3A_964 : memref<2031616x16xf32, #tpu.memory_space<hbm>>) dst(%arg6 : memref<128x16xf32, #tpu.memory_space<vmem>>)
    %dma_wait3A_965 = arith.constant 37 : i32
    %dma_wait3A_966 = arith.constant 0 : i32
    %dma_wait3A_967 = tpu.memref_slice %arg5[%dma_wait3A_965, %dma_wait3A_966] : memref<100x128xi32, #tpu.memory_space<vmem>> -> memref<1x128xi32, #tpu.memory_space<vmem>>
    %dma_wait3A_968 = tpu.memref_squeeze %dma_wait3A_967 : memref<1x128xi32, #tpu.memory_space<vmem>> -> memref<128xi32, #tpu.memory_space<vmem>>
    %dma_wait3A_969 = arith.constant 0 : i32
    %dma_wait3A_970 = arith.constant 0 : i32
    %dma_wait3A_971 = tpu.memref_slice %arg3[%dma_wait3A_969, %dma_wait3A_970] : memref<2031616x16xf32, #tpu.memory_space<hbm>> -> memref<2031616x16xf32, #tpu.memory_space<hbm>>
    tpu.wait_indirect_dma semaphore(%arg8 : memref<!tpu.dma_semaphore, #tpu.memory_space<semaphore_mem>>) src(%dma_wait3A_971 : memref<2031616x16xf32, #tpu.memory_space<hbm>>) dst(%arg6 : memref<128x16xf32, #tpu.memory_space<vmem>>)
    %dma_wait3A_972 = arith.constant 38 : i32
    %dma_wait3A_973 = arith.constant 0 : i32
    %dma_wait3A_974 = tpu.memref_slice %arg5[%dma_wait3A_972, %dma_wait3A_973] : memref<100x128xi32, #tpu.memory_space<vmem>> -> memref<1x128xi32, #tpu.memory_space<vmem>>
    %dma_wait3A_975 = tpu.memref_squeeze %dma_wait3A_974 : memref<1x128xi32, #tpu.memory_space<vmem>> -> memref<128xi32, #tpu.memory_space<vmem>>
    %dma_wait3A_976 = arith.constant 0 : i32
    %dma_wait3A_977 = arith.constant 0 : i32
    %dma_wait3A_978 = tpu.memref_slice %arg3[%dma_wait3A_976, %dma_wait3A_977] : memref<2031616x16xf32, #tpu.memory_space<hbm>> -> memref<2031616x16xf32, #tpu.memory_space<hbm>>
    tpu.wait_indirect_dma semaphore(%arg8 : memref<!tpu.dma_semaphore, #tpu.memory_space<semaphore_mem>>) src(%dma_wait3A_978 : memref<2031616x16xf32, #tpu.memory_space<hbm>>) dst(%arg6 : memref<128x16xf32, #tpu.memory_space<vmem>>)
    %dma_wait3A_979 = arith.constant 39 : i32
    %dma_wait3A_980 = arith.constant 0 : i32
    %dma_wait3A_981 = tpu.memref_slice %arg5[%dma_wait3A_979, %dma_wait3A_980] : memref<100x128xi32, #tpu.memory_space<vmem>> -> memref<1x128xi32, #tpu.memory_space<vmem>>
    %dma_wait3A_982 = tpu.memref_squeeze %dma_wait3A_981 : memref<1x128xi32, #tpu.memory_space<vmem>> -> memref<128xi32, #tpu.memory_space<vmem>>
    %dma_wait3A_983 = arith.constant 0 : i32
    %dma_wait3A_984 = arith.constant 0 : i32
    %dma_wait3A_985 = tpu.memref_slice %arg3[%dma_wait3A_983, %dma_wait3A_984] : memref<2031616x16xf32, #tpu.memory_space<hbm>> -> memref<2031616x16xf32, #tpu.memory_space<hbm>>
    tpu.wait_indirect_dma semaphore(%arg8 : memref<!tpu.dma_semaphore, #tpu.memory_space<semaphore_mem>>) src(%dma_wait3A_985 : memref<2031616x16xf32, #tpu.memory_space<hbm>>) dst(%arg6 : memref<128x16xf32, #tpu.memory_space<vmem>>)
    %dma_wait3A_986 = arith.constant 40 : i32
    %dma_wait3A_987 = arith.constant 0 : i32
    %dma_wait3A_988 = tpu.memref_slice %arg5[%dma_wait3A_986, %dma_wait3A_987] : memref<100x128xi32, #tpu.memory_space<vmem>> -> memref<1x128xi32, #tpu.memory_space<vmem>>
    %dma_wait3A_989 = tpu.memref_squeeze %dma_wait3A_988 : memref<1x128xi32, #tpu.memory_space<vmem>> -> memref<128xi32, #tpu.memory_space<vmem>>
    %dma_wait3A_990 = arith.constant 0 : i32
    %dma_wait3A_991 = arith.constant 0 : i32
    %dma_wait3A_992 = tpu.memref_slice %arg3[%dma_wait3A_990, %dma_wait3A_991] : memref<2031616x16xf32, #tpu.memory_space<hbm>> -> memref<2031616x16xf32, #tpu.memory_space<hbm>>
    tpu.wait_indirect_dma semaphore(%arg8 : memref<!tpu.dma_semaphore, #tpu.memory_space<semaphore_mem>>) src(%dma_wait3A_992 : memref<2031616x16xf32, #tpu.memory_space<hbm>>) dst(%arg6 : memref<128x16xf32, #tpu.memory_space<vmem>>)
    %dma_wait3A_993 = arith.constant 41 : i32
    %dma_wait3A_994 = arith.constant 0 : i32
    %dma_wait3A_995 = tpu.memref_slice %arg5[%dma_wait3A_993, %dma_wait3A_994] : memref<100x128xi32, #tpu.memory_space<vmem>> -> memref<1x128xi32, #tpu.memory_space<vmem>>
    %dma_wait3A_996 = tpu.memref_squeeze %dma_wait3A_995 : memref<1x128xi32, #tpu.memory_space<vmem>> -> memref<128xi32, #tpu.memory_space<vmem>>
    %dma_wait3A_997 = arith.constant 0 : i32
    %dma_wait3A_998 = arith.constant 0 : i32
    %dma_wait3A_999 = tpu.memref_slice %arg3[%dma_wait3A_997, %dma_wait3A_998] : memref<2031616x16xf32, #tpu.memory_space<hbm>> -> memref<2031616x16xf32, #tpu.memory_space<hbm>>
    tpu.wait_indirect_dma semaphore(%arg8 : memref<!tpu.dma_semaphore, #tpu.memory_space<semaphore_mem>>) src(%dma_wait3A_999 : memref<2031616x16xf32, #tpu.memory_space<hbm>>) dst(%arg6 : memref<128x16xf32, #tpu.memory_space<vmem>>)
    %dma_wait3A_1000 = arith.constant 42 : i32
    %dma_wait3A_1001 = arith.constant 0 : i32
    %dma_wait3A_1002 = tpu.memref_slice %arg5[%dma_wait3A_1000, %dma_wait3A_1001] : memref<100x128xi32, #tpu.memory_space<vmem>> -> memref<1x128xi32, #tpu.memory_space<vmem>>
    %dma_wait3A_1003 = tpu.memref_squeeze %dma_wait3A_1002 : memref<1x128xi32, #tpu.memory_space<vmem>> -> memref<128xi32, #tpu.memory_space<vmem>>
    %dma_wait3A_1004 = arith.constant 0 : i32
    %dma_wait3A_1005 = arith.constant 0 : i32
    %dma_wait3A_1006 = tpu.memref_slice %arg3[%dma_wait3A_1004, %dma_wait3A_1005] : memref<2031616x16xf32, #tpu.memory_space<hbm>> -> memref<2031616x16xf32, #tpu.memory_space<hbm>>
    tpu.wait_indirect_dma semaphore(%arg8 : memref<!tpu.dma_semaphore, #tpu.memory_space<semaphore_mem>>) src(%dma_wait3A_1006 : memref<2031616x16xf32, #tpu.memory_space<hbm>>) dst(%arg6 : memref<128x16xf32, #tpu.memory_space<vmem>>)
    %dma_wait3A_1007 = arith.constant 43 : i32
    %dma_wait3A_1008 = arith.constant 0 : i32
    %dma_wait3A_1009 = tpu.memref_slice %arg5[%dma_wait3A_1007, %dma_wait3A_1008] : memref<100x128xi32, #tpu.memory_space<vmem>> -> memref<1x128xi32, #tpu.memory_space<vmem>>
    %dma_wait3A_1010 = tpu.memref_squeeze %dma_wait3A_1009 : memref<1x128xi32, #tpu.memory_space<vmem>> -> memref<128xi32, #tpu.memory_space<vmem>>
    %dma_wait3A_1011 = arith.constant 0 : i32
    %dma_wait3A_1012 = arith.constant 0 : i32
    %dma_wait3A_1013 = tpu.memref_slice %arg3[%dma_wait3A_1011, %dma_wait3A_1012] : memref<2031616x16xf32, #tpu.memory_space<hbm>> -> memref<2031616x16xf32, #tpu.memory_space<hbm>>
    tpu.wait_indirect_dma semaphore(%arg8 : memref<!tpu.dma_semaphore, #tpu.memory_space<semaphore_mem>>) src(%dma_wait3A_1013 : memref<2031616x16xf32, #tpu.memory_space<hbm>>) dst(%arg6 : memref<128x16xf32, #tpu.memory_space<vmem>>)
    %dma_wait3A_1014 = arith.constant 44 : i32
    %dma_wait3A_1015 = arith.constant 0 : i32
    %dma_wait3A_1016 = tpu.memref_slice %arg5[%dma_wait3A_1014, %dma_wait3A_1015] : memref<100x128xi32, #tpu.memory_space<vmem>> -> memref<1x128xi32, #tpu.memory_space<vmem>>
    %dma_wait3A_1017 = tpu.memref_squeeze %dma_wait3A_1016 : memref<1x128xi32, #tpu.memory_space<vmem>> -> memref<128xi32, #tpu.memory_space<vmem>>
    %dma_wait3A_1018 = arith.constant 0 : i32
    %dma_wait3A_1019 = arith.constant 0 : i32
    %dma_wait3A_1020 = tpu.memref_slice %arg3[%dma_wait3A_1018, %dma_wait3A_1019] : memref<2031616x16xf32, #tpu.memory_space<hbm>> -> memref<2031616x16xf32, #tpu.memory_space<hbm>>
    tpu.wait_indirect_dma semaphore(%arg8 : memref<!tpu.dma_semaphore, #tpu.memory_space<semaphore_mem>>) src(%dma_wait3A_1020 : memref<2031616x16xf32, #tpu.memory_space<hbm>>) dst(%arg6 : memref<128x16xf32, #tpu.memory_space<vmem>>)
    %dma_wait3A_1021 = arith.constant 45 : i32
    %dma_wait3A_1022 = arith.constant 0 : i32
    %dma_wait3A_1023 = tpu.memref_slice %arg5[%dma_wait3A_1021, %dma_wait3A_1022] : memref<100x128xi32, #tpu.memory_space<vmem>> -> memref<1x128xi32, #tpu.memory_space<vmem>>
    %dma_wait3A_1024 = tpu.memref_squeeze %dma_wait3A_1023 : memref<1x128xi32, #tpu.memory_space<vmem>> -> memref<128xi32, #tpu.memory_space<vmem>>
    %dma_wait3A_1025 = arith.constant 0 : i32
    %dma_wait3A_1026 = arith.constant 0 : i32
    %dma_wait3A_1027 = tpu.memref_slice %arg3[%dma_wait3A_1025, %dma_wait3A_1026] : memref<2031616x16xf32, #tpu.memory_space<hbm>> -> memref<2031616x16xf32, #tpu.memory_space<hbm>>
    tpu.wait_indirect_dma semaphore(%arg8 : memref<!tpu.dma_semaphore, #tpu.memory_space<semaphore_mem>>) src(%dma_wait3A_1027 : memref<2031616x16xf32, #tpu.memory_space<hbm>>) dst(%arg6 : memref<128x16xf32, #tpu.memory_space<vmem>>)
    %dma_wait3A_1028 = arith.constant 46 : i32
    %dma_wait3A_1029 = arith.constant 0 : i32
    %dma_wait3A_1030 = tpu.memref_slice %arg5[%dma_wait3A_1028, %dma_wait3A_1029] : memref<100x128xi32, #tpu.memory_space<vmem>> -> memref<1x128xi32, #tpu.memory_space<vmem>>
    %dma_wait3A_1031 = tpu.memref_squeeze %dma_wait3A_1030 : memref<1x128xi32, #tpu.memory_space<vmem>> -> memref<128xi32, #tpu.memory_space<vmem>>
    %dma_wait3A_1032 = arith.constant 0 : i32
    %dma_wait3A_1033 = arith.constant 0 : i32
    %dma_wait3A_1034 = tpu.memref_slice %arg3[%dma_wait3A_1032, %dma_wait3A_1033] : memref<2031616x16xf32, #tpu.memory_space<hbm>> -> memref<2031616x16xf32, #tpu.memory_space<hbm>>
    tpu.wait_indirect_dma semaphore(%arg8 : memref<!tpu.dma_semaphore, #tpu.memory_space<semaphore_mem>>) src(%dma_wait3A_1034 : memref<2031616x16xf32, #tpu.memory_space<hbm>>) dst(%arg6 : memref<128x16xf32, #tpu.memory_space<vmem>>)
    %dma_wait3A_1035 = arith.constant 47 : i32
    %dma_wait3A_1036 = arith.constant 0 : i32
    %dma_wait3A_1037 = tpu.memref_slice %arg5[%dma_wait3A_1035, %dma_wait3A_1036] : memref<100x128xi32, #tpu.memory_space<vmem>> -> memref<1x128xi32, #tpu.memory_space<vmem>>
    %dma_wait3A_1038 = tpu.memref_squeeze %dma_wait3A_1037 : memref<1x128xi32, #tpu.memory_space<vmem>> -> memref<128xi32, #tpu.memory_space<vmem>>
    %dma_wait3A_1039 = arith.constant 0 : i32
    %dma_wait3A_1040 = arith.constant 0 : i32
    %dma_wait3A_1041 = tpu.memref_slice %arg3[%dma_wait3A_1039, %dma_wait3A_1040] : memref<2031616x16xf32, #tpu.memory_space<hbm>> -> memref<2031616x16xf32, #tpu.memory_space<hbm>>
    tpu.wait_indirect_dma semaphore(%arg8 : memref<!tpu.dma_semaphore, #tpu.memory_space<semaphore_mem>>) src(%dma_wait3A_1041 : memref<2031616x16xf32, #tpu.memory_space<hbm>>) dst(%arg6 : memref<128x16xf32, #tpu.memory_space<vmem>>)
    %dma_wait3A_1042 = arith.constant 48 : i32
    %dma_wait3A_1043 = arith.constant 0 : i32
    %dma_wait3A_1044 = tpu.memref_slice %arg5[%dma_wait3A_1042, %dma_wait3A_1043] : memref<100x128xi32, #tpu.memory_space<vmem>> -> memref<1x128xi32, #tpu.memory_space<vmem>>
    %dma_wait3A_1045 = tpu.memref_squeeze %dma_wait3A_1044 : memref<1x128xi32, #tpu.memory_space<vmem>> -> memref<128xi32, #tpu.memory_space<vmem>>
    %dma_wait3A_1046 = arith.constant 0 : i32
    %dma_wait3A_1047 = arith.constant 0 : i32
    %dma_wait3A_1048 = tpu.memref_slice %arg3[%dma_wait3A_1046, %dma_wait3A_1047] : memref<2031616x16xf32, #tpu.memory_space<hbm>> -> memref<2031616x16xf32, #tpu.memory_space<hbm>>
    tpu.wait_indirect_dma semaphore(%arg8 : memref<!tpu.dma_semaphore, #tpu.memory_space<semaphore_mem>>) src(%dma_wait3A_1048 : memref<2031616x16xf32, #tpu.memory_space<hbm>>) dst(%arg6 : memref<128x16xf32, #tpu.memory_space<vmem>>)
    %dma_wait3A_1049 = arith.constant 49 : i32
    %dma_wait3A_1050 = arith.constant 0 : i32
    %dma_wait3A_1051 = tpu.memref_slice %arg5[%dma_wait3A_1049, %dma_wait3A_1050] : memref<100x128xi32, #tpu.memory_space<vmem>> -> memref<1x128xi32, #tpu.memory_space<vmem>>
    %dma_wait3A_1052 = tpu.memref_squeeze %dma_wait3A_1051 : memref<1x128xi32, #tpu.memory_space<vmem>> -> memref<128xi32, #tpu.memory_space<vmem>>
    %dma_wait3A_1053 = arith.constant 0 : i32
    %dma_wait3A_1054 = arith.constant 0 : i32
    %dma_wait3A_1055 = tpu.memref_slice %arg3[%dma_wait3A_1053, %dma_wait3A_1054] : memref<2031616x16xf32, #tpu.memory_space<hbm>> -> memref<2031616x16xf32, #tpu.memory_space<hbm>>
    tpu.wait_indirect_dma semaphore(%arg8 : memref<!tpu.dma_semaphore, #tpu.memory_space<semaphore_mem>>) src(%dma_wait3A_1055 : memref<2031616x16xf32, #tpu.memory_space<hbm>>) dst(%arg6 : memref<128x16xf32, #tpu.memory_space<vmem>>)
    %dma_wait3A_1056 = arith.constant 50 : i32
    %dma_wait3A_1057 = arith.constant 0 : i32
    %dma_wait3A_1058 = tpu.memref_slice %arg5[%dma_wait3A_1056, %dma_wait3A_1057] : memref<100x128xi32, #tpu.memory_space<vmem>> -> memref<1x128xi32, #tpu.memory_space<vmem>>
    %dma_wait3A_1059 = tpu.memref_squeeze %dma_wait3A_1058 : memref<1x128xi32, #tpu.memory_space<vmem>> -> memref<128xi32, #tpu.memory_space<vmem>>
    %dma_wait3A_1060 = arith.constant 0 : i32
    %dma_wait3A_1061 = arith.constant 0 : i32
    %dma_wait3A_1062 = tpu.memref_slice %arg3[%dma_wait3A_1060, %dma_wait3A_1061] : memref<2031616x16xf32, #tpu.memory_space<hbm>> -> memref<2031616x16xf32, #tpu.memory_space<hbm>>
    tpu.wait_indirect_dma semaphore(%arg8 : memref<!tpu.dma_semaphore, #tpu.memory_space<semaphore_mem>>) src(%dma_wait3A_1062 : memref<2031616x16xf32, #tpu.memory_space<hbm>>) dst(%arg7 : memref<128x16xf32, #tpu.memory_space<vmem>>)
    %dma_wait3A_1063 = arith.constant 51 : i32
    %dma_wait3A_1064 = arith.constant 0 : i32
    %dma_wait3A_1065 = tpu.memref_slice %arg5[%dma_wait3A_1063, %dma_wait3A_1064] : memref<100x128xi32, #tpu.memory_space<vmem>> -> memref<1x128xi32, #tpu.memory_space<vmem>>
    %dma_wait3A_1066 = tpu.memref_squeeze %dma_wait3A_1065 : memref<1x128xi32, #tpu.memory_space<vmem>> -> memref<128xi32, #tpu.memory_space<vmem>>
    %dma_wait3A_1067 = arith.constant 0 : i32
    %dma_wait3A_1068 = arith.constant 0 : i32
    %dma_wait3A_1069 = tpu.memref_slice %arg3[%dma_wait3A_1067, %dma_wait3A_1068] : memref<2031616x16xf32, #tpu.memory_space<hbm>> -> memref<2031616x16xf32, #tpu.memory_space<hbm>>
    tpu.wait_indirect_dma semaphore(%arg8 : memref<!tpu.dma_semaphore, #tpu.memory_space<semaphore_mem>>) src(%dma_wait3A_1069 : memref<2031616x16xf32, #tpu.memory_space<hbm>>) dst(%arg7 : memref<128x16xf32, #tpu.memory_space<vmem>>)
    %dma_wait3A_1070 = arith.constant 52 : i32
    %dma_wait3A_1071 = arith.constant 0 : i32
    %dma_wait3A_1072 = tpu.memref_slice %arg5[%dma_wait3A_1070, %dma_wait3A_1071] : memref<100x128xi32, #tpu.memory_space<vmem>> -> memref<1x128xi32, #tpu.memory_space<vmem>>
    %dma_wait3A_1073 = tpu.memref_squeeze %dma_wait3A_1072 : memref<1x128xi32, #tpu.memory_space<vmem>> -> memref<128xi32, #tpu.memory_space<vmem>>
    %dma_wait3A_1074 = arith.constant 0 : i32
    %dma_wait3A_1075 = arith.constant 0 : i32
    %dma_wait3A_1076 = tpu.memref_slice %arg3[%dma_wait3A_1074, %dma_wait3A_1075] : memref<2031616x16xf32, #tpu.memory_space<hbm>> -> memref<2031616x16xf32, #tpu.memory_space<hbm>>
    tpu.wait_indirect_dma semaphore(%arg8 : memref<!tpu.dma_semaphore, #tpu.memory_space<semaphore_mem>>) src(%dma_wait3A_1076 : memref<2031616x16xf32, #tpu.memory_space<hbm>>) dst(%arg7 : memref<128x16xf32, #tpu.memory_space<vmem>>)
    %dma_wait3A_1077 = arith.constant 53 : i32
    %dma_wait3A_1078 = arith.constant 0 : i32
    %dma_wait3A_1079 = tpu.memref_slice %arg5[%dma_wait3A_1077, %dma_wait3A_1078] : memref<100x128xi32, #tpu.memory_space<vmem>> -> memref<1x128xi32, #tpu.memory_space<vmem>>
    %dma_wait3A_1080 = tpu.memref_squeeze %dma_wait3A_1079 : memref<1x128xi32, #tpu.memory_space<vmem>> -> memref<128xi32, #tpu.memory_space<vmem>>
    %dma_wait3A_1081 = arith.constant 0 : i32
    %dma_wait3A_1082 = arith.constant 0 : i32
    %dma_wait3A_1083 = tpu.memref_slice %arg3[%dma_wait3A_1081, %dma_wait3A_1082] : memref<2031616x16xf32, #tpu.memory_space<hbm>> -> memref<2031616x16xf32, #tpu.memory_space<hbm>>
    tpu.wait_indirect_dma semaphore(%arg8 : memref<!tpu.dma_semaphore, #tpu.memory_space<semaphore_mem>>) src(%dma_wait3A_1083 : memref<2031616x16xf32, #tpu.memory_space<hbm>>) dst(%arg7 : memref<128x16xf32, #tpu.memory_space<vmem>>)
    %dma_wait3A_1084 = arith.constant 54 : i32
    %dma_wait3A_1085 = arith.constant 0 : i32
    %dma_wait3A_1086 = tpu.memref_slice %arg5[%dma_wait3A_1084, %dma_wait3A_1085] : memref<100x128xi32, #tpu.memory_space<vmem>> -> memref<1x128xi32, #tpu.memory_space<vmem>>
    %dma_wait3A_1087 = tpu.memref_squeeze %dma_wait3A_1086 : memref<1x128xi32, #tpu.memory_space<vmem>> -> memref<128xi32, #tpu.memory_space<vmem>>
    %dma_wait3A_1088 = arith.constant 0 : i32
    %dma_wait3A_1089 = arith.constant 0 : i32
    %dma_wait3A_1090 = tpu.memref_slice %arg3[%dma_wait3A_1088, %dma_wait3A_1089] : memref<2031616x16xf32, #tpu.memory_space<hbm>> -> memref<2031616x16xf32, #tpu.memory_space<hbm>>
    tpu.wait_indirect_dma semaphore(%arg8 : memref<!tpu.dma_semaphore, #tpu.memory_space<semaphore_mem>>) src(%dma_wait3A_1090 : memref<2031616x16xf32, #tpu.memory_space<hbm>>) dst(%arg7 : memref<128x16xf32, #tpu.memory_space<vmem>>)
    %dma_wait3A_1091 = arith.constant 55 : i32
    %dma_wait3A_1092 = arith.constant 0 : i32
    %dma_wait3A_1093 = tpu.memref_slice %arg5[%dma_wait3A_1091, %dma_wait3A_1092] : memref<100x128xi32, #tpu.memory_space<vmem>> -> memref<1x128xi32, #tpu.memory_space<vmem>>
    %dma_wait3A_1094 = tpu.memref_squeeze %dma_wait3A_1093 : memref<1x128xi32, #tpu.memory_space<vmem>> -> memref<128xi32, #tpu.memory_space<vmem>>
    %dma_wait3A_1095 = arith.constant 0 : i32
    %dma_wait3A_1096 = arith.constant 0 : i32
    %dma_wait3A_1097 = tpu.memref_slice %arg3[%dma_wait3A_1095, %dma_wait3A_1096] : memref<2031616x16xf32, #tpu.memory_space<hbm>> -> memref<2031616x16xf32, #tpu.memory_space<hbm>>
    tpu.wait_indirect_dma semaphore(%arg8 : memref<!tpu.dma_semaphore, #tpu.memory_space<semaphore_mem>>) src(%dma_wait3A_1097 : memref<2031616x16xf32, #tpu.memory_space<hbm>>) dst(%arg7 : memref<128x16xf32, #tpu.memory_space<vmem>>)
    %dma_wait3A_1098 = arith.constant 56 : i32
    %dma_wait3A_1099 = arith.constant 0 : i32
    %dma_wait3A_1100 = tpu.memref_slice %arg5[%dma_wait3A_1098, %dma_wait3A_1099] : memref<100x128xi32, #tpu.memory_space<vmem>> -> memref<1x128xi32, #tpu.memory_space<vmem>>
    %dma_wait3A_1101 = tpu.memref_squeeze %dma_wait3A_1100 : memref<1x128xi32, #tpu.memory_space<vmem>> -> memref<128xi32, #tpu.memory_space<vmem>>
    %dma_wait3A_1102 = arith.constant 0 : i32
    %dma_wait3A_1103 = arith.constant 0 : i32
    %dma_wait3A_1104 = tpu.memref_slice %arg3[%dma_wait3A_1102, %dma_wait3A_1103] : memref<2031616x16xf32, #tpu.memory_space<hbm>> -> memref<2031616x16xf32, #tpu.memory_space<hbm>>
    tpu.wait_indirect_dma semaphore(%arg8 : memref<!tpu.dma_semaphore, #tpu.memory_space<semaphore_mem>>) src(%dma_wait3A_1104 : memref<2031616x16xf32, #tpu.memory_space<hbm>>) dst(%arg7 : memref<128x16xf32, #tpu.memory_space<vmem>>)
    %dma_wait3A_1105 = arith.constant 57 : i32
    %dma_wait3A_1106 = arith.constant 0 : i32
    %dma_wait3A_1107 = tpu.memref_slice %arg5[%dma_wait3A_1105, %dma_wait3A_1106] : memref<100x128xi32, #tpu.memory_space<vmem>> -> memref<1x128xi32, #tpu.memory_space<vmem>>
    %dma_wait3A_1108 = tpu.memref_squeeze %dma_wait3A_1107 : memref<1x128xi32, #tpu.memory_space<vmem>> -> memref<128xi32, #tpu.memory_space<vmem>>
    %dma_wait3A_1109 = arith.constant 0 : i32
    %dma_wait3A_1110 = arith.constant 0 : i32
    %dma_wait3A_1111 = tpu.memref_slice %arg3[%dma_wait3A_1109, %dma_wait3A_1110] : memref<2031616x16xf32, #tpu.memory_space<hbm>> -> memref<2031616x16xf32, #tpu.memory_space<hbm>>
    tpu.wait_indirect_dma semaphore(%arg8 : memref<!tpu.dma_semaphore, #tpu.memory_space<semaphore_mem>>) src(%dma_wait3A_1111 : memref<2031616x16xf32, #tpu.memory_space<hbm>>) dst(%arg7 : memref<128x16xf32, #tpu.memory_space<vmem>>)
    %dma_wait3A_1112 = arith.constant 58 : i32
    %dma_wait3A_1113 = arith.constant 0 : i32
    %dma_wait3A_1114 = tpu.memref_slice %arg5[%dma_wait3A_1112, %dma_wait3A_1113] : memref<100x128xi32, #tpu.memory_space<vmem>> -> memref<1x128xi32, #tpu.memory_space<vmem>>
    %dma_wait3A_1115 = tpu.memref_squeeze %dma_wait3A_1114 : memref<1x128xi32, #tpu.memory_space<vmem>> -> memref<128xi32, #tpu.memory_space<vmem>>
    %dma_wait3A_1116 = arith.constant 0 : i32
    %dma_wait3A_1117 = arith.constant 0 : i32
    %dma_wait3A_1118 = tpu.memref_slice %arg3[%dma_wait3A_1116, %dma_wait3A_1117] : memref<2031616x16xf32, #tpu.memory_space<hbm>> -> memref<2031616x16xf32, #tpu.memory_space<hbm>>
    tpu.wait_indirect_dma semaphore(%arg8 : memref<!tpu.dma_semaphore, #tpu.memory_space<semaphore_mem>>) src(%dma_wait3A_1118 : memref<2031616x16xf32, #tpu.memory_space<hbm>>) dst(%arg7 : memref<128x16xf32, #tpu.memory_space<vmem>>)
    %dma_wait3A_1119 = arith.constant 59 : i32
    %dma_wait3A_1120 = arith.constant 0 : i32
    %dma_wait3A_1121 = tpu.memref_slice %arg5[%dma_wait3A_1119, %dma_wait3A_1120] : memref<100x128xi32, #tpu.memory_space<vmem>> -> memref<1x128xi32, #tpu.memory_space<vmem>>
    %dma_wait3A_1122 = tpu.memref_squeeze %dma_wait3A_1121 : memref<1x128xi32, #tpu.memory_space<vmem>> -> memref<128xi32, #tpu.memory_space<vmem>>
    %dma_wait3A_1123 = arith.constant 0 : i32
    %dma_wait3A_1124 = arith.constant 0 : i32
    %dma_wait3A_1125 = tpu.memref_slice %arg3[%dma_wait3A_1123, %dma_wait3A_1124] : memref<2031616x16xf32, #tpu.memory_space<hbm>> -> memref<2031616x16xf32, #tpu.memory_space<hbm>>
    tpu.wait_indirect_dma semaphore(%arg8 : memref<!tpu.dma_semaphore, #tpu.memory_space<semaphore_mem>>) src(%dma_wait3A_1125 : memref<2031616x16xf32, #tpu.memory_space<hbm>>) dst(%arg7 : memref<128x16xf32, #tpu.memory_space<vmem>>)
    %dma_wait3A_1126 = arith.constant 60 : i32
    %dma_wait3A_1127 = arith.constant 0 : i32
    %dma_wait3A_1128 = tpu.memref_slice %arg5[%dma_wait3A_1126, %dma_wait3A_1127] : memref<100x128xi32, #tpu.memory_space<vmem>> -> memref<1x128xi32, #tpu.memory_space<vmem>>
    %dma_wait3A_1129 = tpu.memref_squeeze %dma_wait3A_1128 : memref<1x128xi32, #tpu.memory_space<vmem>> -> memref<128xi32, #tpu.memory_space<vmem>>
    %dma_wait3A_1130 = arith.constant 0 : i32
    %dma_wait3A_1131 = arith.constant 0 : i32
    %dma_wait3A_1132 = tpu.memref_slice %arg3[%dma_wait3A_1130, %dma_wait3A_1131] : memref<2031616x16xf32, #tpu.memory_space<hbm>> -> memref<2031616x16xf32, #tpu.memory_space<hbm>>
    tpu.wait_indirect_dma semaphore(%arg8 : memref<!tpu.dma_semaphore, #tpu.memory_space<semaphore_mem>>) src(%dma_wait3A_1132 : memref<2031616x16xf32, #tpu.memory_space<hbm>>) dst(%arg7 : memref<128x16xf32, #tpu.memory_space<vmem>>)
    %dma_wait3A_1133 = arith.constant 61 : i32
    %dma_wait3A_1134 = arith.constant 0 : i32
    %dma_wait3A_1135 = tpu.memref_slice %arg5[%dma_wait3A_1133, %dma_wait3A_1134] : memref<100x128xi32, #tpu.memory_space<vmem>> -> memref<1x128xi32, #tpu.memory_space<vmem>>
    %dma_wait3A_1136 = tpu.memref_squeeze %dma_wait3A_1135 : memref<1x128xi32, #tpu.memory_space<vmem>> -> memref<128xi32, #tpu.memory_space<vmem>>
    %dma_wait3A_1137 = arith.constant 0 : i32
    %dma_wait3A_1138 = arith.constant 0 : i32
    %dma_wait3A_1139 = tpu.memref_slice %arg3[%dma_wait3A_1137, %dma_wait3A_1138] : memref<2031616x16xf32, #tpu.memory_space<hbm>> -> memref<2031616x16xf32, #tpu.memory_space<hbm>>
    tpu.wait_indirect_dma semaphore(%arg8 : memref<!tpu.dma_semaphore, #tpu.memory_space<semaphore_mem>>) src(%dma_wait3A_1139 : memref<2031616x16xf32, #tpu.memory_space<hbm>>) dst(%arg7 : memref<128x16xf32, #tpu.memory_space<vmem>>)
    %dma_wait3A_1140 = arith.constant 62 : i32
    %dma_wait3A_1141 = arith.constant 0 : i32
    %dma_wait3A_1142 = tpu.memref_slice %arg5[%dma_wait3A_1140, %dma_wait3A_1141] : memref<100x128xi32, #tpu.memory_space<vmem>> -> memref<1x128xi32, #tpu.memory_space<vmem>>
    %dma_wait3A_1143 = tpu.memref_squeeze %dma_wait3A_1142 : memref<1x128xi32, #tpu.memory_space<vmem>> -> memref<128xi32, #tpu.memory_space<vmem>>
    %dma_wait3A_1144 = arith.constant 0 : i32
    %dma_wait3A_1145 = arith.constant 0 : i32
    %dma_wait3A_1146 = tpu.memref_slice %arg3[%dma_wait3A_1144, %dma_wait3A_1145] : memref<2031616x16xf32, #tpu.memory_space<hbm>> -> memref<2031616x16xf32, #tpu.memory_space<hbm>>
    tpu.wait_indirect_dma semaphore(%arg8 : memref<!tpu.dma_semaphore, #tpu.memory_space<semaphore_mem>>) src(%dma_wait3A_1146 : memref<2031616x16xf32, #tpu.memory_space<hbm>>) dst(%arg7 : memref<128x16xf32, #tpu.memory_space<vmem>>)
    %dma_wait3A_1147 = arith.constant 63 : i32
    %dma_wait3A_1148 = arith.constant 0 : i32
    %dma_wait3A_1149 = tpu.memref_slice %arg5[%dma_wait3A_1147, %dma_wait3A_1148] : memref<100x128xi32, #tpu.memory_space<vmem>> -> memref<1x128xi32, #tpu.memory_space<vmem>>
    %dma_wait3A_1150 = tpu.memref_squeeze %dma_wait3A_1149 : memref<1x128xi32, #tpu.memory_space<vmem>> -> memref<128xi32, #tpu.memory_space<vmem>>
    %dma_wait3A_1151 = arith.constant 0 : i32
    %dma_wait3A_1152 = arith.constant 0 : i32
    %dma_wait3A_1153 = tpu.memref_slice %arg3[%dma_wait3A_1151, %dma_wait3A_1152] : memref<2031616x16xf32, #tpu.memory_space<hbm>> -> memref<2031616x16xf32, #tpu.memory_space<hbm>>
    tpu.wait_indirect_dma semaphore(%arg8 : memref<!tpu.dma_semaphore, #tpu.memory_space<semaphore_mem>>) src(%dma_wait3A_1153 : memref<2031616x16xf32, #tpu.memory_space<hbm>>) dst(%arg7 : memref<128x16xf32, #tpu.memory_space<vmem>>)
    %dma_wait3A_1154 = arith.constant 64 : i32
    %dma_wait3A_1155 = arith.constant 0 : i32
    %dma_wait3A_1156 = tpu.memref_slice %arg5[%dma_wait3A_1154, %dma_wait3A_1155] : memref<100x128xi32, #tpu.memory_space<vmem>> -> memref<1x128xi32, #tpu.memory_space<vmem>>
    %dma_wait3A_1157 = tpu.memref_squeeze %dma_wait3A_1156 : memref<1x128xi32, #tpu.memory_space<vmem>> -> memref<128xi32, #tpu.memory_space<vmem>>
    %dma_wait3A_1158 = arith.constant 0 : i32
    %dma_wait3A_1159 = arith.constant 0 : i32
    %dma_wait3A_1160 = tpu.memref_slice %arg3[%dma_wait3A_1158, %dma_wait3A_1159] : memref<2031616x16xf32, #tpu.memory_space<hbm>> -> memref<2031616x16xf32, #tpu.memory_space<hbm>>
    tpu.wait_indirect_dma semaphore(%arg8 : memref<!tpu.dma_semaphore, #tpu.memory_space<semaphore_mem>>) src(%dma_wait3A_1160 : memref<2031616x16xf32, #tpu.memory_space<hbm>>) dst(%arg7 : memref<128x16xf32, #tpu.memory_space<vmem>>)
    %dma_wait3A_1161 = arith.constant 65 : i32
    %dma_wait3A_1162 = arith.constant 0 : i32
    %dma_wait3A_1163 = tpu.memref_slice %arg5[%dma_wait3A_1161, %dma_wait3A_1162] : memref<100x128xi32, #tpu.memory_space<vmem>> -> memref<1x128xi32, #tpu.memory_space<vmem>>
    %dma_wait3A_1164 = tpu.memref_squeeze %dma_wait3A_1163 : memref<1x128xi32, #tpu.memory_space<vmem>> -> memref<128xi32, #tpu.memory_space<vmem>>
    %dma_wait3A_1165 = arith.constant 0 : i32
    %dma_wait3A_1166 = arith.constant 0 : i32
    %dma_wait3A_1167 = tpu.memref_slice %arg3[%dma_wait3A_1165, %dma_wait3A_1166] : memref<2031616x16xf32, #tpu.memory_space<hbm>> -> memref<2031616x16xf32, #tpu.memory_space<hbm>>
    tpu.wait_indirect_dma semaphore(%arg8 : memref<!tpu.dma_semaphore, #tpu.memory_space<semaphore_mem>>) src(%dma_wait3A_1167 : memref<2031616x16xf32, #tpu.memory_space<hbm>>) dst(%arg7 : memref<128x16xf32, #tpu.memory_space<vmem>>)
    %dma_wait3A_1168 = arith.constant 66 : i32
    %dma_wait3A_1169 = arith.constant 0 : i32
    %dma_wait3A_1170 = tpu.memref_slice %arg5[%dma_wait3A_1168, %dma_wait3A_1169] : memref<100x128xi32, #tpu.memory_space<vmem>> -> memref<1x128xi32, #tpu.memory_space<vmem>>
    %dma_wait3A_1171 = tpu.memref_squeeze %dma_wait3A_1170 : memref<1x128xi32, #tpu.memory_space<vmem>> -> memref<128xi32, #tpu.memory_space<vmem>>
    %dma_wait3A_1172 = arith.constant 0 : i32
    %dma_wait3A_1173 = arith.constant 0 : i32
    %dma_wait3A_1174 = tpu.memref_slice %arg3[%dma_wait3A_1172, %dma_wait3A_1173] : memref<2031616x16xf32, #tpu.memory_space<hbm>> -> memref<2031616x16xf32, #tpu.memory_space<hbm>>
    tpu.wait_indirect_dma semaphore(%arg8 : memref<!tpu.dma_semaphore, #tpu.memory_space<semaphore_mem>>) src(%dma_wait3A_1174 : memref<2031616x16xf32, #tpu.memory_space<hbm>>) dst(%arg7 : memref<128x16xf32, #tpu.memory_space<vmem>>)
    %dma_wait3A_1175 = arith.constant 67 : i32
    %dma_wait3A_1176 = arith.constant 0 : i32
    %dma_wait3A_1177 = tpu.memref_slice %arg5[%dma_wait3A_1175, %dma_wait3A_1176] : memref<100x128xi32, #tpu.memory_space<vmem>> -> memref<1x128xi32, #tpu.memory_space<vmem>>
    %dma_wait3A_1178 = tpu.memref_squeeze %dma_wait3A_1177 : memref<1x128xi32, #tpu.memory_space<vmem>> -> memref<128xi32, #tpu.memory_space<vmem>>
    %dma_wait3A_1179 = arith.constant 0 : i32
    %dma_wait3A_1180 = arith.constant 0 : i32
    %dma_wait3A_1181 = tpu.memref_slice %arg3[%dma_wait3A_1179, %dma_wait3A_1180] : memref<2031616x16xf32, #tpu.memory_space<hbm>> -> memref<2031616x16xf32, #tpu.memory_space<hbm>>
    tpu.wait_indirect_dma semaphore(%arg8 : memref<!tpu.dma_semaphore, #tpu.memory_space<semaphore_mem>>) src(%dma_wait3A_1181 : memref<2031616x16xf32, #tpu.memory_space<hbm>>) dst(%arg7 : memref<128x16xf32, #tpu.memory_space<vmem>>)
    %dma_wait3A_1182 = arith.constant 68 : i32
    %dma_wait3A_1183 = arith.constant 0 : i32
    %dma_wait3A_1184 = tpu.memref_slice %arg5[%dma_wait3A_1182, %dma_wait3A_1183] : memref<100x128xi32, #tpu.memory_space<vmem>> -> memref<1x128xi32, #tpu.memory_space<vmem>>
    %dma_wait3A_1185 = tpu.memref_squeeze %dma_wait3A_1184 : memref<1x128xi32, #tpu.memory_space<vmem>> -> memref<128xi32, #tpu.memory_space<vmem>>
    %dma_wait3A_1186 = arith.constant 0 : i32
    %dma_wait3A_1187 = arith.constant 0 : i32
    %dma_wait3A_1188 = tpu.memref_slice %arg3[%dma_wait3A_1186, %dma_wait3A_1187] : memref<2031616x16xf32, #tpu.memory_space<hbm>> -> memref<2031616x16xf32, #tpu.memory_space<hbm>>
    tpu.wait_indirect_dma semaphore(%arg8 : memref<!tpu.dma_semaphore, #tpu.memory_space<semaphore_mem>>) src(%dma_wait3A_1188 : memref<2031616x16xf32, #tpu.memory_space<hbm>>) dst(%arg7 : memref<128x16xf32, #tpu.memory_space<vmem>>)
    %dma_wait3A_1189 = arith.constant 69 : i32
    %dma_wait3A_1190 = arith.constant 0 : i32
    %dma_wait3A_1191 = tpu.memref_slice %arg5[%dma_wait3A_1189, %dma_wait3A_1190] : memref<100x128xi32, #tpu.memory_space<vmem>> -> memref<1x128xi32, #tpu.memory_space<vmem>>
    %dma_wait3A_1192 = tpu.memref_squeeze %dma_wait3A_1191 : memref<1x128xi32, #tpu.memory_space<vmem>> -> memref<128xi32, #tpu.memory_space<vmem>>
    %dma_wait3A_1193 = arith.constant 0 : i32
    %dma_wait3A_1194 = arith.constant 0 : i32
    %dma_wait3A_1195 = tpu.memref_slice %arg3[%dma_wait3A_1193, %dma_wait3A_1194] : memref<2031616x16xf32, #tpu.memory_space<hbm>> -> memref<2031616x16xf32, #tpu.memory_space<hbm>>
    tpu.wait_indirect_dma semaphore(%arg8 : memref<!tpu.dma_semaphore, #tpu.memory_space<semaphore_mem>>) src(%dma_wait3A_1195 : memref<2031616x16xf32, #tpu.memory_space<hbm>>) dst(%arg7 : memref<128x16xf32, #tpu.memory_space<vmem>>)
    %dma_wait3A_1196 = arith.constant 70 : i32
    %dma_wait3A_1197 = arith.constant 0 : i32
    %dma_wait3A_1198 = tpu.memref_slice %arg5[%dma_wait3A_1196, %dma_wait3A_1197] : memref<100x128xi32, #tpu.memory_space<vmem>> -> memref<1x128xi32, #tpu.memory_space<vmem>>
    %dma_wait3A_1199 = tpu.memref_squeeze %dma_wait3A_1198 : memref<1x128xi32, #tpu.memory_space<vmem>> -> memref<128xi32, #tpu.memory_space<vmem>>
    %dma_wait3A_1200 = arith.constant 0 : i32
    %dma_wait3A_1201 = arith.constant 0 : i32
    %dma_wait3A_1202 = tpu.memref_slice %arg3[%dma_wait3A_1200, %dma_wait3A_1201] : memref<2031616x16xf32, #tpu.memory_space<hbm>> -> memref<2031616x16xf32, #tpu.memory_space<hbm>>
    tpu.wait_indirect_dma semaphore(%arg8 : memref<!tpu.dma_semaphore, #tpu.memory_space<semaphore_mem>>) src(%dma_wait3A_1202 : memref<2031616x16xf32, #tpu.memory_space<hbm>>) dst(%arg7 : memref<128x16xf32, #tpu.memory_space<vmem>>)
    %dma_wait3A_1203 = arith.constant 71 : i32
    %dma_wait3A_1204 = arith.constant 0 : i32
    %dma_wait3A_1205 = tpu.memref_slice %arg5[%dma_wait3A_1203, %dma_wait3A_1204] : memref<100x128xi32, #tpu.memory_space<vmem>> -> memref<1x128xi32, #tpu.memory_space<vmem>>
    %dma_wait3A_1206 = tpu.memref_squeeze %dma_wait3A_1205 : memref<1x128xi32, #tpu.memory_space<vmem>> -> memref<128xi32, #tpu.memory_space<vmem>>
    %dma_wait3A_1207 = arith.constant 0 : i32
    %dma_wait3A_1208 = arith.constant 0 : i32
    %dma_wait3A_1209 = tpu.memref_slice %arg3[%dma_wait3A_1207, %dma_wait3A_1208] : memref<2031616x16xf32, #tpu.memory_space<hbm>> -> memref<2031616x16xf32, #tpu.memory_space<hbm>>
    tpu.wait_indirect_dma semaphore(%arg8 : memref<!tpu.dma_semaphore, #tpu.memory_space<semaphore_mem>>) src(%dma_wait3A_1209 : memref<2031616x16xf32, #tpu.memory_space<hbm>>) dst(%arg7 : memref<128x16xf32, #tpu.memory_space<vmem>>)
    %dma_wait3A_1210 = arith.constant 72 : i32
    %dma_wait3A_1211 = arith.constant 0 : i32
    %dma_wait3A_1212 = tpu.memref_slice %arg5[%dma_wait3A_1210, %dma_wait3A_1211] : memref<100x128xi32, #tpu.memory_space<vmem>> -> memref<1x128xi32, #tpu.memory_space<vmem>>
    %dma_wait3A_1213 = tpu.memref_squeeze %dma_wait3A_1212 : memref<1x128xi32, #tpu.memory_space<vmem>> -> memref<128xi32, #tpu.memory_space<vmem>>
    %dma_wait3A_1214 = arith.constant 0 : i32
    %dma_wait3A_1215 = arith.constant 0 : i32
    %dma_wait3A_1216 = tpu.memref_slice %arg3[%dma_wait3A_1214, %dma_wait3A_1215] : memref<2031616x16xf32, #tpu.memory_space<hbm>> -> memref<2031616x16xf32, #tpu.memory_space<hbm>>
    tpu.wait_indirect_dma semaphore(%arg8 : memref<!tpu.dma_semaphore, #tpu.memory_space<semaphore_mem>>) src(%dma_wait3A_1216 : memref<2031616x16xf32, #tpu.memory_space<hbm>>) dst(%arg7 : memref<128x16xf32, #tpu.memory_space<vmem>>)
    %dma_wait3A_1217 = arith.constant 73 : i32
    %dma_wait3A_1218 = arith.constant 0 : i32
    %dma_wait3A_1219 = tpu.memref_slice %arg5[%dma_wait3A_1217, %dma_wait3A_1218] : memref<100x128xi32, #tpu.memory_space<vmem>> -> memref<1x128xi32, #tpu.memory_space<vmem>>
    %dma_wait3A_1220 = tpu.memref_squeeze %dma_wait3A_1219 : memref<1x128xi32, #tpu.memory_space<vmem>> -> memref<128xi32, #tpu.memory_space<vmem>>
    %dma_wait3A_1221 = arith.constant 0 : i32
    %dma_wait3A_1222 = arith.constant 0 : i32
    %dma_wait3A_1223 = tpu.memref_slice %arg3[%dma_wait3A_1221, %dma_wait3A_1222] : memref<2031616x16xf32, #tpu.memory_space<hbm>> -> memref<2031616x16xf32, #tpu.memory_space<hbm>>
    tpu.wait_indirect_dma semaphore(%arg8 : memref<!tpu.dma_semaphore, #tpu.memory_space<semaphore_mem>>) src(%dma_wait3A_1223 : memref<2031616x16xf32, #tpu.memory_space<hbm>>) dst(%arg7 : memref<128x16xf32, #tpu.memory_space<vmem>>)
    %dma_wait3A_1224 = arith.constant 74 : i32
    %dma_wait3A_1225 = arith.constant 0 : i32
    %dma_wait3A_1226 = tpu.memref_slice %arg5[%dma_wait3A_1224, %dma_wait3A_1225] : memref<100x128xi32, #tpu.memory_space<vmem>> -> memref<1x128xi32, #tpu.memory_space<vmem>>
    %dma_wait3A_1227 = tpu.memref_squeeze %dma_wait3A_1226 : memref<1x128xi32, #tpu.memory_space<vmem>> -> memref<128xi32, #tpu.memory_space<vmem>>
    %dma_wait3A_1228 = arith.constant 0 : i32
    %dma_wait3A_1229 = arith.constant 0 : i32
    %dma_wait3A_1230 = tpu.memref_slice %arg3[%dma_wait3A_1228, %dma_wait3A_1229] : memref<2031616x16xf32, #tpu.memory_space<hbm>> -> memref<2031616x16xf32, #tpu.memory_space<hbm>>
    tpu.wait_indirect_dma semaphore(%arg8 : memref<!tpu.dma_semaphore, #tpu.memory_space<semaphore_mem>>) src(%dma_wait3A_1230 : memref<2031616x16xf32, #tpu.memory_space<hbm>>) dst(%arg7 : memref<128x16xf32, #tpu.memory_space<vmem>>)
    %dma_wait3A_1231 = arith.constant 75 : i32
    %dma_wait3A_1232 = arith.constant 0 : i32
    %dma_wait3A_1233 = tpu.memref_slice %arg5[%dma_wait3A_1231, %dma_wait3A_1232] : memref<100x128xi32, #tpu.memory_space<vmem>> -> memref<1x128xi32, #tpu.memory_space<vmem>>
    %dma_wait3A_1234 = tpu.memref_squeeze %dma_wait3A_1233 : memref<1x128xi32, #tpu.memory_space<vmem>> -> memref<128xi32, #tpu.memory_space<vmem>>
    %dma_wait3A_1235 = arith.constant 0 : i32
    %dma_wait3A_1236 = arith.constant 0 : i32
    %dma_wait3A_1237 = tpu.memref_slice %arg3[%dma_wait3A_1235, %dma_wait3A_1236] : memref<2031616x16xf32, #tpu.memory_space<hbm>> -> memref<2031616x16xf32, #tpu.memory_space<hbm>>
    tpu.wait_indirect_dma semaphore(%arg8 : memref<!tpu.dma_semaphore, #tpu.memory_space<semaphore_mem>>) src(%dma_wait3A_1237 : memref<2031616x16xf32, #tpu.memory_space<hbm>>) dst(%arg7 : memref<128x16xf32, #tpu.memory_space<vmem>>)
    %dma_wait3A_1238 = arith.constant 76 : i32
    %dma_wait3A_1239 = arith.constant 0 : i32
    %dma_wait3A_1240 = tpu.memref_slice %arg5[%dma_wait3A_1238, %dma_wait3A_1239] : memref<100x128xi32, #tpu.memory_space<vmem>> -> memref<1x128xi32, #tpu.memory_space<vmem>>
    %dma_wait3A_1241 = tpu.memref_squeeze %dma_wait3A_1240 : memref<1x128xi32, #tpu.memory_space<vmem>> -> memref<128xi32, #tpu.memory_space<vmem>>
    %dma_wait3A_1242 = arith.constant 0 : i32
    %dma_wait3A_1243 = arith.constant 0 : i32
    %dma_wait3A_1244 = tpu.memref_slice %arg3[%dma_wait3A_1242, %dma_wait3A_1243] : memref<2031616x16xf32, #tpu.memory_space<hbm>> -> memref<2031616x16xf32, #tpu.memory_space<hbm>>
    tpu.wait_indirect_dma semaphore(%arg8 : memref<!tpu.dma_semaphore, #tpu.memory_space<semaphore_mem>>) src(%dma_wait3A_1244 : memref<2031616x16xf32, #tpu.memory_space<hbm>>) dst(%arg7 : memref<128x16xf32, #tpu.memory_space<vmem>>)
    %dma_wait3A_1245 = arith.constant 77 : i32
    %dma_wait3A_1246 = arith.constant 0 : i32
    %dma_wait3A_1247 = tpu.memref_slice %arg5[%dma_wait3A_1245, %dma_wait3A_1246] : memref<100x128xi32, #tpu.memory_space<vmem>> -> memref<1x128xi32, #tpu.memory_space<vmem>>
    %dma_wait3A_1248 = tpu.memref_squeeze %dma_wait3A_1247 : memref<1x128xi32, #tpu.memory_space<vmem>> -> memref<128xi32, #tpu.memory_space<vmem>>
    %dma_wait3A_1249 = arith.constant 0 : i32
    %dma_wait3A_1250 = arith.constant 0 : i32
    %dma_wait3A_1251 = tpu.memref_slice %arg3[%dma_wait3A_1249, %dma_wait3A_1250] : memref<2031616x16xf32, #tpu.memory_space<hbm>> -> memref<2031616x16xf32, #tpu.memory_space<hbm>>
    tpu.wait_indirect_dma semaphore(%arg8 : memref<!tpu.dma_semaphore, #tpu.memory_space<semaphore_mem>>) src(%dma_wait3A_1251 : memref<2031616x16xf32, #tpu.memory_space<hbm>>) dst(%arg7 : memref<128x16xf32, #tpu.memory_space<vmem>>)
    %dma_wait3A_1252 = arith.constant 78 : i32
    %dma_wait3A_1253 = arith.constant 0 : i32
    %dma_wait3A_1254 = tpu.memref_slice %arg5[%dma_wait3A_1252, %dma_wait3A_1253] : memref<100x128xi32, #tpu.memory_space<vmem>> -> memref<1x128xi32, #tpu.memory_space<vmem>>
    %dma_wait3A_1255 = tpu.memref_squeeze %dma_wait3A_1254 : memref<1x128xi32, #tpu.memory_space<vmem>> -> memref<128xi32, #tpu.memory_space<vmem>>
    %dma_wait3A_1256 = arith.constant 0 : i32
    %dma_wait3A_1257 = arith.constant 0 : i32
    %dma_wait3A_1258 = tpu.memref_slice %arg3[%dma_wait3A_1256, %dma_wait3A_1257] : memref<2031616x16xf32, #tpu.memory_space<hbm>> -> memref<2031616x16xf32, #tpu.memory_space<hbm>>
    tpu.wait_indirect_dma semaphore(%arg8 : memref<!tpu.dma_semaphore, #tpu.memory_space<semaphore_mem>>) src(%dma_wait3A_1258 : memref<2031616x16xf32, #tpu.memory_space<hbm>>) dst(%arg7 : memref<128x16xf32, #tpu.memory_space<vmem>>)
    %dma_wait3A_1259 = arith.constant 79 : i32
    %dma_wait3A_1260 = arith.constant 0 : i32
    %dma_wait3A_1261 = tpu.memref_slice %arg5[%dma_wait3A_1259, %dma_wait3A_1260] : memref<100x128xi32, #tpu.memory_space<vmem>> -> memref<1x128xi32, #tpu.memory_space<vmem>>
    %dma_wait3A_1262 = tpu.memref_squeeze %dma_wait3A_1261 : memref<1x128xi32, #tpu.memory_space<vmem>> -> memref<128xi32, #tpu.memory_space<vmem>>
    %dma_wait3A_1263 = arith.constant 0 : i32
    %dma_wait3A_1264 = arith.constant 0 : i32
    %dma_wait3A_1265 = tpu.memref_slice %arg3[%dma_wait3A_1263, %dma_wait3A_1264] : memref<2031616x16xf32, #tpu.memory_space<hbm>> -> memref<2031616x16xf32, #tpu.memory_space<hbm>>
    tpu.wait_indirect_dma semaphore(%arg8 : memref<!tpu.dma_semaphore, #tpu.memory_space<semaphore_mem>>) src(%dma_wait3A_1265 : memref<2031616x16xf32, #tpu.memory_space<hbm>>) dst(%arg7 : memref<128x16xf32, #tpu.memory_space<vmem>>)
    %dma_wait3A_1266 = arith.constant 80 : i32
    %dma_wait3A_1267 = arith.constant 0 : i32
    %dma_wait3A_1268 = tpu.memref_slice %arg5[%dma_wait3A_1266, %dma_wait3A_1267] : memref<100x128xi32, #tpu.memory_space<vmem>> -> memref<1x128xi32, #tpu.memory_space<vmem>>
    %dma_wait3A_1269 = tpu.memref_squeeze %dma_wait3A_1268 : memref<1x128xi32, #tpu.memory_space<vmem>> -> memref<128xi32, #tpu.memory_space<vmem>>
    %dma_wait3A_1270 = arith.constant 0 : i32
    %dma_wait3A_1271 = arith.constant 0 : i32
    %dma_wait3A_1272 = tpu.memref_slice %arg3[%dma_wait3A_1270, %dma_wait3A_1271] : memref<2031616x16xf32, #tpu.memory_space<hbm>> -> memref<2031616x16xf32, #tpu.memory_space<hbm>>
    tpu.wait_indirect_dma semaphore(%arg8 : memref<!tpu.dma_semaphore, #tpu.memory_space<semaphore_mem>>) src(%dma_wait3A_1272 : memref<2031616x16xf32, #tpu.memory_space<hbm>>) dst(%arg7 : memref<128x16xf32, #tpu.memory_space<vmem>>)
    %dma_wait3A_1273 = arith.constant 81 : i32
    %dma_wait3A_1274 = arith.constant 0 : i32
    %dma_wait3A_1275 = tpu.memref_slice %arg5[%dma_wait3A_1273, %dma_wait3A_1274] : memref<100x128xi32, #tpu.memory_space<vmem>> -> memref<1x128xi32, #tpu.memory_space<vmem>>
    %dma_wait3A_1276 = tpu.memref_squeeze %dma_wait3A_1275 : memref<1x128xi32, #tpu.memory_space<vmem>> -> memref<128xi32, #tpu.memory_space<vmem>>
    %dma_wait3A_1277 = arith.constant 0 : i32
    %dma_wait3A_1278 = arith.constant 0 : i32
    %dma_wait3A_1279 = tpu.memref_slice %arg3[%dma_wait3A_1277, %dma_wait3A_1278] : memref<2031616x16xf32, #tpu.memory_space<hbm>> -> memref<2031616x16xf32, #tpu.memory_space<hbm>>
    tpu.wait_indirect_dma semaphore(%arg8 : memref<!tpu.dma_semaphore, #tpu.memory_space<semaphore_mem>>) src(%dma_wait3A_1279 : memref<2031616x16xf32, #tpu.memory_space<hbm>>) dst(%arg7 : memref<128x16xf32, #tpu.memory_space<vmem>>)
    %dma_wait3A_1280 = arith.constant 82 : i32
    %dma_wait3A_1281 = arith.constant 0 : i32
    %dma_wait3A_1282 = tpu.memref_slice %arg5[%dma_wait3A_1280, %dma_wait3A_1281] : memref<100x128xi32, #tpu.memory_space<vmem>> -> memref<1x128xi32, #tpu.memory_space<vmem>>
    %dma_wait3A_1283 = tpu.memref_squeeze %dma_wait3A_1282 : memref<1x128xi32, #tpu.memory_space<vmem>> -> memref<128xi32, #tpu.memory_space<vmem>>
    %dma_wait3A_1284 = arith.constant 0 : i32
    %dma_wait3A_1285 = arith.constant 0 : i32
    %dma_wait3A_1286 = tpu.memref_slice %arg3[%dma_wait3A_1284, %dma_wait3A_1285] : memref<2031616x16xf32, #tpu.memory_space<hbm>> -> memref<2031616x16xf32, #tpu.memory_space<hbm>>
    tpu.wait_indirect_dma semaphore(%arg8 : memref<!tpu.dma_semaphore, #tpu.memory_space<semaphore_mem>>) src(%dma_wait3A_1286 : memref<2031616x16xf32, #tpu.memory_space<hbm>>) dst(%arg7 : memref<128x16xf32, #tpu.memory_space<vmem>>)
    %dma_wait3A_1287 = arith.constant 83 : i32
    %dma_wait3A_1288 = arith.constant 0 : i32
    %dma_wait3A_1289 = tpu.memref_slice %arg5[%dma_wait3A_1287, %dma_wait3A_1288] : memref<100x128xi32, #tpu.memory_space<vmem>> -> memref<1x128xi32, #tpu.memory_space<vmem>>
    %dma_wait3A_1290 = tpu.memref_squeeze %dma_wait3A_1289 : memref<1x128xi32, #tpu.memory_space<vmem>> -> memref<128xi32, #tpu.memory_space<vmem>>
    %dma_wait3A_1291 = arith.constant 0 : i32
    %dma_wait3A_1292 = arith.constant 0 : i32
    %dma_wait3A_1293 = tpu.memref_slice %arg3[%dma_wait3A_1291, %dma_wait3A_1292] : memref<2031616x16xf32, #tpu.memory_space<hbm>> -> memref<2031616x16xf32, #tpu.memory_space<hbm>>
    tpu.wait_indirect_dma semaphore(%arg8 : memref<!tpu.dma_semaphore, #tpu.memory_space<semaphore_mem>>) src(%dma_wait3A_1293 : memref<2031616x16xf32, #tpu.memory_space<hbm>>) dst(%arg7 : memref<128x16xf32, #tpu.memory_space<vmem>>)
    %dma_wait3A_1294 = arith.constant 84 : i32
    %dma_wait3A_1295 = arith.constant 0 : i32
    %dma_wait3A_1296 = tpu.memref_slice %arg5[%dma_wait3A_1294, %dma_wait3A_1295] : memref<100x128xi32, #tpu.memory_space<vmem>> -> memref<1x128xi32, #tpu.memory_space<vmem>>
    %dma_wait3A_1297 = tpu.memref_squeeze %dma_wait3A_1296 : memref<1x128xi32, #tpu.memory_space<vmem>> -> memref<128xi32, #tpu.memory_space<vmem>>
    %dma_wait3A_1298 = arith.constant 0 : i32
    %dma_wait3A_1299 = arith.constant 0 : i32
    %dma_wait3A_1300 = tpu.memref_slice %arg3[%dma_wait3A_1298, %dma_wait3A_1299] : memref<2031616x16xf32, #tpu.memory_space<hbm>> -> memref<2031616x16xf32, #tpu.memory_space<hbm>>
    tpu.wait_indirect_dma semaphore(%arg8 : memref<!tpu.dma_semaphore, #tpu.memory_space<semaphore_mem>>) src(%dma_wait3A_1300 : memref<2031616x16xf32, #tpu.memory_space<hbm>>) dst(%arg7 : memref<128x16xf32, #tpu.memory_space<vmem>>)
    %dma_wait3A_1301 = arith.constant 85 : i32
    %dma_wait3A_1302 = arith.constant 0 : i32
    %dma_wait3A_1303 = tpu.memref_slice %arg5[%dma_wait3A_1301, %dma_wait3A_1302] : memref<100x128xi32, #tpu.memory_space<vmem>> -> memref<1x128xi32, #tpu.memory_space<vmem>>
    %dma_wait3A_1304 = tpu.memref_squeeze %dma_wait3A_1303 : memref<1x128xi32, #tpu.memory_space<vmem>> -> memref<128xi32, #tpu.memory_space<vmem>>
    %dma_wait3A_1305 = arith.constant 0 : i32
    %dma_wait3A_1306 = arith.constant 0 : i32
    %dma_wait3A_1307 = tpu.memref_slice %arg3[%dma_wait3A_1305, %dma_wait3A_1306] : memref<2031616x16xf32, #tpu.memory_space<hbm>> -> memref<2031616x16xf32, #tpu.memory_space<hbm>>
    tpu.wait_indirect_dma semaphore(%arg8 : memref<!tpu.dma_semaphore, #tpu.memory_space<semaphore_mem>>) src(%dma_wait3A_1307 : memref<2031616x16xf32, #tpu.memory_space<hbm>>) dst(%arg7 : memref<128x16xf32, #tpu.memory_space<vmem>>)
    %dma_wait3A_1308 = arith.constant 86 : i32
    %dma_wait3A_1309 = arith.constant 0 : i32
    %dma_wait3A_1310 = tpu.memref_slice %arg5[%dma_wait3A_1308, %dma_wait3A_1309] : memref<100x128xi32, #tpu.memory_space<vmem>> -> memref<1x128xi32, #tpu.memory_space<vmem>>
    %dma_wait3A_1311 = tpu.memref_squeeze %dma_wait3A_1310 : memref<1x128xi32, #tpu.memory_space<vmem>> -> memref<128xi32, #tpu.memory_space<vmem>>
    %dma_wait3A_1312 = arith.constant 0 : i32
    %dma_wait3A_1313 = arith.constant 0 : i32
    %dma_wait3A_1314 = tpu.memref_slice %arg3[%dma_wait3A_1312, %dma_wait3A_1313] : memref<2031616x16xf32, #tpu.memory_space<hbm>> -> memref<2031616x16xf32, #tpu.memory_space<hbm>>
    tpu.wait_indirect_dma semaphore(%arg8 : memref<!tpu.dma_semaphore, #tpu.memory_space<semaphore_mem>>) src(%dma_wait3A_1314 : memref<2031616x16xf32, #tpu.memory_space<hbm>>) dst(%arg7 : memref<128x16xf32, #tpu.memory_space<vmem>>)
    %dma_wait3A_1315 = arith.constant 87 : i32
    %dma_wait3A_1316 = arith.constant 0 : i32
    %dma_wait3A_1317 = tpu.memref_slice %arg5[%dma_wait3A_1315, %dma_wait3A_1316] : memref<100x128xi32, #tpu.memory_space<vmem>> -> memref<1x128xi32, #tpu.memory_space<vmem>>
    %dma_wait3A_1318 = tpu.memref_squeeze %dma_wait3A_1317 : memref<1x128xi32, #tpu.memory_space<vmem>> -> memref<128xi32, #tpu.memory_space<vmem>>
    %dma_wait3A_1319 = arith.constant 0 : i32
    %dma_wait3A_1320 = arith.constant 0 : i32
    %dma_wait3A_1321 = tpu.memref_slice %arg3[%dma_wait3A_1319, %dma_wait3A_1320] : memref<2031616x16xf32, #tpu.memory_space<hbm>> -> memref<2031616x16xf32, #tpu.memory_space<hbm>>
    tpu.wait_indirect_dma semaphore(%arg8 : memref<!tpu.dma_semaphore, #tpu.memory_space<semaphore_mem>>) src(%dma_wait3A_1321 : memref<2031616x16xf32, #tpu.memory_space<hbm>>) dst(%arg7 : memref<128x16xf32, #tpu.memory_space<vmem>>)
    %dma_wait3A_1322 = arith.constant 88 : i32
    %dma_wait3A_1323 = arith.constant 0 : i32
    %dma_wait3A_1324 = tpu.memref_slice %arg5[%dma_wait3A_1322, %dma_wait3A_1323] : memref<100x128xi32, #tpu.memory_space<vmem>> -> memref<1x128xi32, #tpu.memory_space<vmem>>
    %dma_wait3A_1325 = tpu.memref_squeeze %dma_wait3A_1324 : memref<1x128xi32, #tpu.memory_space<vmem>> -> memref<128xi32, #tpu.memory_space<vmem>>
    %dma_wait3A_1326 = arith.constant 0 : i32
    %dma_wait3A_1327 = arith.constant 0 : i32
    %dma_wait3A_1328 = tpu.memref_slice %arg3[%dma_wait3A_1326, %dma_wait3A_1327] : memref<2031616x16xf32, #tpu.memory_space<hbm>> -> memref<2031616x16xf32, #tpu.memory_space<hbm>>
    tpu.wait_indirect_dma semaphore(%arg8 : memref<!tpu.dma_semaphore, #tpu.memory_space<semaphore_mem>>) src(%dma_wait3A_1328 : memref<2031616x16xf32, #tpu.memory_space<hbm>>) dst(%arg7 : memref<128x16xf32, #tpu.memory_space<vmem>>)
    %dma_wait3A_1329 = arith.constant 89 : i32
    %dma_wait3A_1330 = arith.constant 0 : i32
    %dma_wait3A_1331 = tpu.memref_slice %arg5[%dma_wait3A_1329, %dma_wait3A_1330] : memref<100x128xi32, #tpu.memory_space<vmem>> -> memref<1x128xi32, #tpu.memory_space<vmem>>
    %dma_wait3A_1332 = tpu.memref_squeeze %dma_wait3A_1331 : memref<1x128xi32, #tpu.memory_space<vmem>> -> memref<128xi32, #tpu.memory_space<vmem>>
    %dma_wait3A_1333 = arith.constant 0 : i32
    %dma_wait3A_1334 = arith.constant 0 : i32
    %dma_wait3A_1335 = tpu.memref_slice %arg3[%dma_wait3A_1333, %dma_wait3A_1334] : memref<2031616x16xf32, #tpu.memory_space<hbm>> -> memref<2031616x16xf32, #tpu.memory_space<hbm>>
    tpu.wait_indirect_dma semaphore(%arg8 : memref<!tpu.dma_semaphore, #tpu.memory_space<semaphore_mem>>) src(%dma_wait3A_1335 : memref<2031616x16xf32, #tpu.memory_space<hbm>>) dst(%arg7 : memref<128x16xf32, #tpu.memory_space<vmem>>)
    %dma_wait3A_1336 = arith.constant 90 : i32
    %dma_wait3A_1337 = arith.constant 0 : i32
    %dma_wait3A_1338 = tpu.memref_slice %arg5[%dma_wait3A_1336, %dma_wait3A_1337] : memref<100x128xi32, #tpu.memory_space<vmem>> -> memref<1x128xi32, #tpu.memory_space<vmem>>
    %dma_wait3A_1339 = tpu.memref_squeeze %dma_wait3A_1338 : memref<1x128xi32, #tpu.memory_space<vmem>> -> memref<128xi32, #tpu.memory_space<vmem>>
    %dma_wait3A_1340 = arith.constant 0 : i32
    %dma_wait3A_1341 = arith.constant 0 : i32
    %dma_wait3A_1342 = tpu.memref_slice %arg3[%dma_wait3A_1340, %dma_wait3A_1341] : memref<2031616x16xf32, #tpu.memory_space<hbm>> -> memref<2031616x16xf32, #tpu.memory_space<hbm>>
    tpu.wait_indirect_dma semaphore(%arg8 : memref<!tpu.dma_semaphore, #tpu.memory_space<semaphore_mem>>) src(%dma_wait3A_1342 : memref<2031616x16xf32, #tpu.memory_space<hbm>>) dst(%arg7 : memref<128x16xf32, #tpu.memory_space<vmem>>)
    %dma_wait3A_1343 = arith.constant 91 : i32
    %dma_wait3A_1344 = arith.constant 0 : i32
    %dma_wait3A_1345 = tpu.memref_slice %arg5[%dma_wait3A_1343, %dma_wait3A_1344] : memref<100x128xi32, #tpu.memory_space<vmem>> -> memref<1x128xi32, #tpu.memory_space<vmem>>
    %dma_wait3A_1346 = tpu.memref_squeeze %dma_wait3A_1345 : memref<1x128xi32, #tpu.memory_space<vmem>> -> memref<128xi32, #tpu.memory_space<vmem>>
    %dma_wait3A_1347 = arith.constant 0 : i32
    %dma_wait3A_1348 = arith.constant 0 : i32
    %dma_wait3A_1349 = tpu.memref_slice %arg3[%dma_wait3A_1347, %dma_wait3A_1348] : memref<2031616x16xf32, #tpu.memory_space<hbm>> -> memref<2031616x16xf32, #tpu.memory_space<hbm>>
    tpu.wait_indirect_dma semaphore(%arg8 : memref<!tpu.dma_semaphore, #tpu.memory_space<semaphore_mem>>) src(%dma_wait3A_1349 : memref<2031616x16xf32, #tpu.memory_space<hbm>>) dst(%arg7 : memref<128x16xf32, #tpu.memory_space<vmem>>)
    %dma_wait3A_1350 = arith.constant 92 : i32
    %dma_wait3A_1351 = arith.constant 0 : i32
    %dma_wait3A_1352 = tpu.memref_slice %arg5[%dma_wait3A_1350, %dma_wait3A_1351] : memref<100x128xi32, #tpu.memory_space<vmem>> -> memref<1x128xi32, #tpu.memory_space<vmem>>
    %dma_wait3A_1353 = tpu.memref_squeeze %dma_wait3A_1352 : memref<1x128xi32, #tpu.memory_space<vmem>> -> memref<128xi32, #tpu.memory_space<vmem>>
    %dma_wait3A_1354 = arith.constant 0 : i32
    %dma_wait3A_1355 = arith.constant 0 : i32
    %dma_wait3A_1356 = tpu.memref_slice %arg3[%dma_wait3A_1354, %dma_wait3A_1355] : memref<2031616x16xf32, #tpu.memory_space<hbm>> -> memref<2031616x16xf32, #tpu.memory_space<hbm>>
    tpu.wait_indirect_dma semaphore(%arg8 : memref<!tpu.dma_semaphore, #tpu.memory_space<semaphore_mem>>) src(%dma_wait3A_1356 : memref<2031616x16xf32, #tpu.memory_space<hbm>>) dst(%arg7 : memref<128x16xf32, #tpu.memory_space<vmem>>)
    %dma_wait3A_1357 = arith.constant 93 : i32
    %dma_wait3A_1358 = arith.constant 0 : i32
    %dma_wait3A_1359 = tpu.memref_slice %arg5[%dma_wait3A_1357, %dma_wait3A_1358] : memref<100x128xi32, #tpu.memory_space<vmem>> -> memref<1x128xi32, #tpu.memory_space<vmem>>
    %dma_wait3A_1360 = tpu.memref_squeeze %dma_wait3A_1359 : memref<1x128xi32, #tpu.memory_space<vmem>> -> memref<128xi32, #tpu.memory_space<vmem>>
    %dma_wait3A_1361 = arith.constant 0 : i32
    %dma_wait3A_1362 = arith.constant 0 : i32
    %dma_wait3A_1363 = tpu.memref_slice %arg3[%dma_wait3A_1361, %dma_wait3A_1362] : memref<2031616x16xf32, #tpu.memory_space<hbm>> -> memref<2031616x16xf32, #tpu.memory_space<hbm>>
    tpu.wait_indirect_dma semaphore(%arg8 : memref<!tpu.dma_semaphore, #tpu.memory_space<semaphore_mem>>) src(%dma_wait3A_1363 : memref<2031616x16xf32, #tpu.memory_space<hbm>>) dst(%arg7 : memref<128x16xf32, #tpu.memory_space<vmem>>)
    %dma_wait3A_1364 = arith.constant 94 : i32
    %dma_wait3A_1365 = arith.constant 0 : i32
    %dma_wait3A_1366 = tpu.memref_slice %arg5[%dma_wait3A_1364, %dma_wait3A_1365] : memref<100x128xi32, #tpu.memory_space<vmem>> -> memref<1x128xi32, #tpu.memory_space<vmem>>
    %dma_wait3A_1367 = tpu.memref_squeeze %dma_wait3A_1366 : memref<1x128xi32, #tpu.memory_space<vmem>> -> memref<128xi32, #tpu.memory_space<vmem>>
    %dma_wait3A_1368 = arith.constant 0 : i32
    %dma_wait3A_1369 = arith.constant 0 : i32
    %dma_wait3A_1370 = tpu.memref_slice %arg3[%dma_wait3A_1368, %dma_wait3A_1369] : memref<2031616x16xf32, #tpu.memory_space<hbm>> -> memref<2031616x16xf32, #tpu.memory_space<hbm>>
    tpu.wait_indirect_dma semaphore(%arg8 : memref<!tpu.dma_semaphore, #tpu.memory_space<semaphore_mem>>) src(%dma_wait3A_1370 : memref<2031616x16xf32, #tpu.memory_space<hbm>>) dst(%arg7 : memref<128x16xf32, #tpu.memory_space<vmem>>)
    %dma_wait3A_1371 = arith.constant 95 : i32
    %dma_wait3A_1372 = arith.constant 0 : i32
    %dma_wait3A_1373 = tpu.memref_slice %arg5[%dma_wait3A_1371, %dma_wait3A_1372] : memref<100x128xi32, #tpu.memory_space<vmem>> -> memref<1x128xi32, #tpu.memory_space<vmem>>
    %dma_wait3A_1374 = tpu.memref_squeeze %dma_wait3A_1373 : memref<1x128xi32, #tpu.memory_space<vmem>> -> memref<128xi32, #tpu.memory_space<vmem>>
    %dma_wait3A_1375 = arith.constant 0 : i32
    %dma_wait3A_1376 = arith.constant 0 : i32
    %dma_wait3A_1377 = tpu.memref_slice %arg3[%dma_wait3A_1375, %dma_wait3A_1376] : memref<2031616x16xf32, #tpu.memory_space<hbm>> -> memref<2031616x16xf32, #tpu.memory_space<hbm>>
    tpu.wait_indirect_dma semaphore(%arg8 : memref<!tpu.dma_semaphore, #tpu.memory_space<semaphore_mem>>) src(%dma_wait3A_1377 : memref<2031616x16xf32, #tpu.memory_space<hbm>>) dst(%arg7 : memref<128x16xf32, #tpu.memory_space<vmem>>)
    %dma_wait3A_1378 = arith.constant 96 : i32
    %dma_wait3A_1379 = arith.constant 0 : i32
    %dma_wait3A_1380 = tpu.memref_slice %arg5[%dma_wait3A_1378, %dma_wait3A_1379] : memref<100x128xi32, #tpu.memory_space<vmem>> -> memref<1x128xi32, #tpu.memory_space<vmem>>
    %dma_wait3A_1381 = tpu.memref_squeeze %dma_wait3A_1380 : memref<1x128xi32, #tpu.memory_space<vmem>> -> memref<128xi32, #tpu.memory_space<vmem>>
    %dma_wait3A_1382 = arith.constant 0 : i32
    %dma_wait3A_1383 = arith.constant 0 : i32
    %dma_wait3A_1384 = tpu.memref_slice %arg3[%dma_wait3A_1382, %dma_wait3A_1383] : memref<2031616x16xf32, #tpu.memory_space<hbm>> -> memref<2031616x16xf32, #tpu.memory_space<hbm>>
    tpu.wait_indirect_dma semaphore(%arg8 : memref<!tpu.dma_semaphore, #tpu.memory_space<semaphore_mem>>) src(%dma_wait3A_1384 : memref<2031616x16xf32, #tpu.memory_space<hbm>>) dst(%arg7 : memref<128x16xf32, #tpu.memory_space<vmem>>)
    %dma_wait3A_1385 = arith.constant 97 : i32
    %dma_wait3A_1386 = arith.constant 0 : i32
    %dma_wait3A_1387 = tpu.memref_slice %arg5[%dma_wait3A_1385, %dma_wait3A_1386] : memref<100x128xi32, #tpu.memory_space<vmem>> -> memref<1x128xi32, #tpu.memory_space<vmem>>
    %dma_wait3A_1388 = tpu.memref_squeeze %dma_wait3A_1387 : memref<1x128xi32, #tpu.memory_space<vmem>> -> memref<128xi32, #tpu.memory_space<vmem>>
    %dma_wait3A_1389 = arith.constant 0 : i32
    %dma_wait3A_1390 = arith.constant 0 : i32
    %dma_wait3A_1391 = tpu.memref_slice %arg3[%dma_wait3A_1389, %dma_wait3A_1390] : memref<2031616x16xf32, #tpu.memory_space<hbm>> -> memref<2031616x16xf32, #tpu.memory_space<hbm>>
    tpu.wait_indirect_dma semaphore(%arg8 : memref<!tpu.dma_semaphore, #tpu.memory_space<semaphore_mem>>) src(%dma_wait3A_1391 : memref<2031616x16xf32, #tpu.memory_space<hbm>>) dst(%arg7 : memref<128x16xf32, #tpu.memory_space<vmem>>)
    %dma_wait3A_1392 = arith.constant 98 : i32
    %dma_wait3A_1393 = arith.constant 0 : i32
    %dma_wait3A_1394 = tpu.memref_slice %arg5[%dma_wait3A_1392, %dma_wait3A_1393] : memref<100x128xi32, #tpu.memory_space<vmem>> -> memref<1x128xi32, #tpu.memory_space<vmem>>
    %dma_wait3A_1395 = tpu.memref_squeeze %dma_wait3A_1394 : memref<1x128xi32, #tpu.memory_space<vmem>> -> memref<128xi32, #tpu.memory_space<vmem>>
    %dma_wait3A_1396 = arith.constant 0 : i32
    %dma_wait3A_1397 = arith.constant 0 : i32
    %dma_wait3A_1398 = tpu.memref_slice %arg3[%dma_wait3A_1396, %dma_wait3A_1397] : memref<2031616x16xf32, #tpu.memory_space<hbm>> -> memref<2031616x16xf32, #tpu.memory_space<hbm>>
    tpu.wait_indirect_dma semaphore(%arg8 : memref<!tpu.dma_semaphore, #tpu.memory_space<semaphore_mem>>) src(%dma_wait3A_1398 : memref<2031616x16xf32, #tpu.memory_space<hbm>>) dst(%arg7 : memref<128x16xf32, #tpu.memory_space<vmem>>)
    %dma_wait3A_1399 = arith.constant 99 : i32
    %dma_wait3A_1400 = arith.constant 0 : i32
    %dma_wait3A_1401 = tpu.memref_slice %arg5[%dma_wait3A_1399, %dma_wait3A_1400] : memref<100x128xi32, #tpu.memory_space<vmem>> -> memref<1x128xi32, #tpu.memory_space<vmem>>
    %dma_wait3A_1402 = tpu.memref_squeeze %dma_wait3A_1401 : memref<1x128xi32, #tpu.memory_space<vmem>> -> memref<128xi32, #tpu.memory_space<vmem>>
    %dma_wait3A_1403 = arith.constant 0 : i32
    %dma_wait3A_1404 = arith.constant 0 : i32
    %dma_wait3A_1405 = tpu.memref_slice %arg3[%dma_wait3A_1403, %dma_wait3A_1404] : memref<2031616x16xf32, #tpu.memory_space<hbm>> -> memref<2031616x16xf32, #tpu.memory_space<hbm>>
    tpu.wait_indirect_dma semaphore(%arg8 : memref<!tpu.dma_semaphore, #tpu.memory_space<semaphore_mem>>) src(%dma_wait3A_1405 : memref<2031616x16xf32, #tpu.memory_space<hbm>>) dst(%arg7 : memref<128x16xf32, #tpu.memory_space<vmem>>)
    "tpu.region"() ({
      %run_scoped3A = tpu.sem_alloc : memref<!tpu.dma_semaphore, #tpu.memory_space<semaphore_mem>>
      %dma_start3A_1406 = arith.constant 0 : i32
      %dma_start3A_1407 = tpu.memref_slice %arg4[%mul3A_2, %dma_start3A_1406] : memref<4096x32xf32, #tpu.memory_space<hbm>> -> memref<128x16xf32, #tpu.memory_space<hbm>>
      %dma_start3A_1408 = arith.constant 0 : i32
      %dma_start3A_1409 = tpu.memref_slice %arg4[%mul3A_2, %dma_start3A_1408] : memref<4096x32xf32, #tpu.memory_space<hbm>> -> memref<128x16xf32, #tpu.memory_space<hbm>>
      tpu.enqueue_dma source(%arg6 : memref<128x16xf32, #tpu.memory_space<vmem>>) target(%dma_start3A_1409 : memref<128x16xf32, #tpu.memory_space<hbm>>) target_semaphore(%run_scoped3A : memref<!tpu.dma_semaphore, #tpu.memory_space<semaphore_mem>>)
      %dma_wait3A_1410 = arith.constant 0 : i32
      %dma_wait3A_1411 = tpu.memref_slice %arg4[%mul3A_2, %dma_wait3A_1410] : memref<4096x32xf32, #tpu.memory_space<hbm>> -> memref<128x16xf32, #tpu.memory_space<hbm>>
      %dma_wait3A_1412 = arith.constant 0 : i32
      %dma_wait3A_1413 = tpu.memref_slice %arg4[%mul3A_2, %dma_wait3A_1412] : memref<4096x32xf32, #tpu.memory_space<hbm>> -> memref<128x16xf32, #tpu.memory_space<hbm>>
      tpu.wait_dma2 semaphore(%run_scoped3A : memref<!tpu.dma_semaphore, #tpu.memory_space<semaphore_mem>>) src(%arg6 : memref<128x16xf32, #tpu.memory_space<vmem>>) dst(%dma_wait3A_1413 : memref<128x16xf32, #tpu.memory_space<hbm>>)
      tpu.yield
    }) : () -> ()
    "tpu.region"() ({
      %run_scoped3A = tpu.sem_alloc : memref<!tpu.dma_semaphore, #tpu.memory_space<semaphore_mem>>
      %dma_start3A_1406 = arith.constant 16 : i32
      %dma_start3A_1407 = tpu.memref_slice %arg4[%mul3A_2, %dma_start3A_1406] : memref<4096x32xf32, #tpu.memory_space<hbm>> -> memref<128x16xf32, #tpu.memory_space<hbm>>
      %dma_start3A_1408 = arith.constant 16 : i32
      %dma_start3A_1409 = tpu.memref_slice %arg4[%mul3A_2, %dma_start3A_1408] : memref<4096x32xf32, #tpu.memory_space<hbm>> -> memref<128x16xf32, #tpu.memory_space<hbm>>
      tpu.enqueue_dma source(%arg7 : memref<128x16xf32, #tpu.memory_space<vmem>>) target(%dma_start3A_1409 : memref<128x16xf32, #tpu.memory_space<hbm>>) target_semaphore(%run_scoped3A : memref<!tpu.dma_semaphore, #tpu.memory_space<semaphore_mem>>)
      %dma_wait3A_1410 = arith.constant 16 : i32
      %dma_wait3A_1411 = tpu.memref_slice %arg4[%mul3A_2, %dma_wait3A_1410] : memref<4096x32xf32, #tpu.memory_space<hbm>> -> memref<128x16xf32, #tpu.memory_space<hbm>>
      %dma_wait3A_1412 = arith.constant 16 : i32
      %dma_wait3A_1413 = tpu.memref_slice %arg4[%mul3A_2, %dma_wait3A_1412] : memref<4096x32xf32, #tpu.memory_space<hbm>> -> memref<128x16xf32, #tpu.memory_space<hbm>>
      tpu.wait_dma2 semaphore(%run_scoped3A : memref<!tpu.dma_semaphore, #tpu.memory_space<semaphore_mem>>) src(%arg7 : memref<128x16xf32, #tpu.memory_space<vmem>>) dst(%dma_wait3A_1413 : memref<128x16xf32, #tpu.memory_space<hbm>>)
      tpu.yield
    }) : () -> ()
    return
  }
}

module attributes {stable_mosaic.version = 14 : i64} {
  func.func @body(%arg0: i32, %arg1: memref<32x32768xf32, #tpu.memory_space<vmem>>, %arg2: memref<1024x1024xf32, #tpu.memory_space<vmem>>) attributes {dimension_semantics = [#tpu.dimension_semantics<arbitrary>], iteration_bounds = array<i64: 31>, scalar_prefetch = 0 : i64, scratch_operands = 0 : i64, tpu.core_type = #tpu.core_type<tc>, window_params = [{transform_indices = @transform_0, window_bounds = array<i64: 32, 32768>}, {transform_indices = @transform_1, window_bounds = array<i64: 1024, 1024>}]} {
    %get3A = arith.constant 0 : index
    %get3A_0 = arith.constant 0 : index
    %get3A_1 = vector.load %arg1[%get3A, %get3A_0] : memref<32x32768xf32, #tpu.memory_space<vmem>>, vector<32x1024xf32>
    %transpose3A = tpu.transpose %get3A_1, [1, 0] : vector<32x1024xf32> -> vector<1024x32xf32>
    %get3A_2 = arith.constant 0 : index
    %get3A_3 = arith.constant 1024 : index
    %get3A_4 = vector.load %arg1[%get3A_2, %get3A_3] : memref<32x32768xf32, #tpu.memory_space<vmem>>, vector<32x1024xf32>
    %transpose3A_5 = tpu.transpose %get3A_4, [1, 0] : vector<32x1024xf32> -> vector<1024x32xf32>
    %get3A_6 = arith.constant 0 : index
    %get3A_7 = arith.constant 2048 : index
    %get3A_8 = vector.load %arg1[%get3A_6, %get3A_7] : memref<32x32768xf32, #tpu.memory_space<vmem>>, vector<32x1024xf32>
    %transpose3A_9 = tpu.transpose %get3A_8, [1, 0] : vector<32x1024xf32> -> vector<1024x32xf32>
    %get3A_10 = arith.constant 0 : index
    %get3A_11 = arith.constant 3072 : index
    %get3A_12 = vector.load %arg1[%get3A_10, %get3A_11] : memref<32x32768xf32, #tpu.memory_space<vmem>>, vector<32x1024xf32>
    %transpose3A_13 = tpu.transpose %get3A_12, [1, 0] : vector<32x1024xf32> -> vector<1024x32xf32>
    %get3A_14 = arith.constant 0 : index
    %get3A_15 = arith.constant 4096 : index
    %get3A_16 = vector.load %arg1[%get3A_14, %get3A_15] : memref<32x32768xf32, #tpu.memory_space<vmem>>, vector<32x1024xf32>
    %transpose3A_17 = tpu.transpose %get3A_16, [1, 0] : vector<32x1024xf32> -> vector<1024x32xf32>
    %get3A_18 = arith.constant 0 : index
    %get3A_19 = arith.constant 5120 : index
    %get3A_20 = vector.load %arg1[%get3A_18, %get3A_19] : memref<32x32768xf32, #tpu.memory_space<vmem>>, vector<32x1024xf32>
    %transpose3A_21 = tpu.transpose %get3A_20, [1, 0] : vector<32x1024xf32> -> vector<1024x32xf32>
    %get3A_22 = arith.constant 0 : index
    %get3A_23 = arith.constant 6144 : index
    %get3A_24 = vector.load %arg1[%get3A_22, %get3A_23] : memref<32x32768xf32, #tpu.memory_space<vmem>>, vector<32x1024xf32>
    %transpose3A_25 = tpu.transpose %get3A_24, [1, 0] : vector<32x1024xf32> -> vector<1024x32xf32>
    %get3A_26 = arith.constant 0 : index
    %get3A_27 = arith.constant 7168 : index
    %get3A_28 = vector.load %arg1[%get3A_26, %get3A_27] : memref<32x32768xf32, #tpu.memory_space<vmem>>, vector<32x1024xf32>
    %transpose3A_29 = tpu.transpose %get3A_28, [1, 0] : vector<32x1024xf32> -> vector<1024x32xf32>
    %get3A_30 = arith.constant 0 : index
    %get3A_31 = arith.constant 8192 : index
    %get3A_32 = vector.load %arg1[%get3A_30, %get3A_31] : memref<32x32768xf32, #tpu.memory_space<vmem>>, vector<32x1024xf32>
    %transpose3A_33 = tpu.transpose %get3A_32, [1, 0] : vector<32x1024xf32> -> vector<1024x32xf32>
    %get3A_34 = arith.constant 0 : index
    %get3A_35 = arith.constant 9216 : index
    %get3A_36 = vector.load %arg1[%get3A_34, %get3A_35] : memref<32x32768xf32, #tpu.memory_space<vmem>>, vector<32x1024xf32>
    %transpose3A_37 = tpu.transpose %get3A_36, [1, 0] : vector<32x1024xf32> -> vector<1024x32xf32>
    %get3A_38 = arith.constant 0 : index
    %get3A_39 = arith.constant 10240 : index
    %get3A_40 = vector.load %arg1[%get3A_38, %get3A_39] : memref<32x32768xf32, #tpu.memory_space<vmem>>, vector<32x1024xf32>
    %transpose3A_41 = tpu.transpose %get3A_40, [1, 0] : vector<32x1024xf32> -> vector<1024x32xf32>
    %get3A_42 = arith.constant 0 : index
    %get3A_43 = arith.constant 11264 : index
    %get3A_44 = vector.load %arg1[%get3A_42, %get3A_43] : memref<32x32768xf32, #tpu.memory_space<vmem>>, vector<32x1024xf32>
    %transpose3A_45 = tpu.transpose %get3A_44, [1, 0] : vector<32x1024xf32> -> vector<1024x32xf32>
    %get3A_46 = arith.constant 0 : index
    %get3A_47 = arith.constant 12288 : index
    %get3A_48 = vector.load %arg1[%get3A_46, %get3A_47] : memref<32x32768xf32, #tpu.memory_space<vmem>>, vector<32x1024xf32>
    %transpose3A_49 = tpu.transpose %get3A_48, [1, 0] : vector<32x1024xf32> -> vector<1024x32xf32>
    %get3A_50 = arith.constant 0 : index
    %get3A_51 = arith.constant 13312 : index
    %get3A_52 = vector.load %arg1[%get3A_50, %get3A_51] : memref<32x32768xf32, #tpu.memory_space<vmem>>, vector<32x1024xf32>
    %transpose3A_53 = tpu.transpose %get3A_52, [1, 0] : vector<32x1024xf32> -> vector<1024x32xf32>
    %get3A_54 = arith.constant 0 : index
    %get3A_55 = arith.constant 14336 : index
    %get3A_56 = vector.load %arg1[%get3A_54, %get3A_55] : memref<32x32768xf32, #tpu.memory_space<vmem>>, vector<32x1024xf32>
    %transpose3A_57 = tpu.transpose %get3A_56, [1, 0] : vector<32x1024xf32> -> vector<1024x32xf32>
    %get3A_58 = arith.constant 0 : index
    %get3A_59 = arith.constant 15360 : index
    %get3A_60 = vector.load %arg1[%get3A_58, %get3A_59] : memref<32x32768xf32, #tpu.memory_space<vmem>>, vector<32x1024xf32>
    %transpose3A_61 = tpu.transpose %get3A_60, [1, 0] : vector<32x1024xf32> -> vector<1024x32xf32>
    %get3A_62 = arith.constant 0 : index
    %get3A_63 = arith.constant 16384 : index
    %get3A_64 = vector.load %arg1[%get3A_62, %get3A_63] : memref<32x32768xf32, #tpu.memory_space<vmem>>, vector<32x1024xf32>
    %transpose3A_65 = tpu.transpose %get3A_64, [1, 0] : vector<32x1024xf32> -> vector<1024x32xf32>
    %get3A_66 = arith.constant 0 : index
    %get3A_67 = arith.constant 17408 : index
    %get3A_68 = vector.load %arg1[%get3A_66, %get3A_67] : memref<32x32768xf32, #tpu.memory_space<vmem>>, vector<32x1024xf32>
    %transpose3A_69 = tpu.transpose %get3A_68, [1, 0] : vector<32x1024xf32> -> vector<1024x32xf32>
    %get3A_70 = arith.constant 0 : index
    %get3A_71 = arith.constant 18432 : index
    %get3A_72 = vector.load %arg1[%get3A_70, %get3A_71] : memref<32x32768xf32, #tpu.memory_space<vmem>>, vector<32x1024xf32>
    %transpose3A_73 = tpu.transpose %get3A_72, [1, 0] : vector<32x1024xf32> -> vector<1024x32xf32>
    %get3A_74 = arith.constant 0 : index
    %get3A_75 = arith.constant 19456 : index
    %get3A_76 = vector.load %arg1[%get3A_74, %get3A_75] : memref<32x32768xf32, #tpu.memory_space<vmem>>, vector<32x1024xf32>
    %transpose3A_77 = tpu.transpose %get3A_76, [1, 0] : vector<32x1024xf32> -> vector<1024x32xf32>
    %get3A_78 = arith.constant 0 : index
    %get3A_79 = arith.constant 20480 : index
    %get3A_80 = vector.load %arg1[%get3A_78, %get3A_79] : memref<32x32768xf32, #tpu.memory_space<vmem>>, vector<32x1024xf32>
    %transpose3A_81 = tpu.transpose %get3A_80, [1, 0] : vector<32x1024xf32> -> vector<1024x32xf32>
    %get3A_82 = arith.constant 0 : index
    %get3A_83 = arith.constant 21504 : index
    %get3A_84 = vector.load %arg1[%get3A_82, %get3A_83] : memref<32x32768xf32, #tpu.memory_space<vmem>>, vector<32x1024xf32>
    %transpose3A_85 = tpu.transpose %get3A_84, [1, 0] : vector<32x1024xf32> -> vector<1024x32xf32>
    %get3A_86 = arith.constant 0 : index
    %get3A_87 = arith.constant 22528 : index
    %get3A_88 = vector.load %arg1[%get3A_86, %get3A_87] : memref<32x32768xf32, #tpu.memory_space<vmem>>, vector<32x1024xf32>
    %transpose3A_89 = tpu.transpose %get3A_88, [1, 0] : vector<32x1024xf32> -> vector<1024x32xf32>
    %get3A_90 = arith.constant 0 : index
    %get3A_91 = arith.constant 23552 : index
    %get3A_92 = vector.load %arg1[%get3A_90, %get3A_91] : memref<32x32768xf32, #tpu.memory_space<vmem>>, vector<32x1024xf32>
    %transpose3A_93 = tpu.transpose %get3A_92, [1, 0] : vector<32x1024xf32> -> vector<1024x32xf32>
    %get3A_94 = arith.constant 0 : index
    %get3A_95 = arith.constant 24576 : index
    %get3A_96 = vector.load %arg1[%get3A_94, %get3A_95] : memref<32x32768xf32, #tpu.memory_space<vmem>>, vector<32x1024xf32>
    %transpose3A_97 = tpu.transpose %get3A_96, [1, 0] : vector<32x1024xf32> -> vector<1024x32xf32>
    %get3A_98 = arith.constant 0 : index
    %get3A_99 = arith.constant 25600 : index
    %get3A_100 = vector.load %arg1[%get3A_98, %get3A_99] : memref<32x32768xf32, #tpu.memory_space<vmem>>, vector<32x1024xf32>
    %transpose3A_101 = tpu.transpose %get3A_100, [1, 0] : vector<32x1024xf32> -> vector<1024x32xf32>
    %get3A_102 = arith.constant 0 : index
    %get3A_103 = arith.constant 26624 : index
    %get3A_104 = vector.load %arg1[%get3A_102, %get3A_103] : memref<32x32768xf32, #tpu.memory_space<vmem>>, vector<32x1024xf32>
    %transpose3A_105 = tpu.transpose %get3A_104, [1, 0] : vector<32x1024xf32> -> vector<1024x32xf32>
    %get3A_106 = arith.constant 0 : index
    %get3A_107 = arith.constant 27648 : index
    %get3A_108 = vector.load %arg1[%get3A_106, %get3A_107] : memref<32x32768xf32, #tpu.memory_space<vmem>>, vector<32x1024xf32>
    %transpose3A_109 = tpu.transpose %get3A_108, [1, 0] : vector<32x1024xf32> -> vector<1024x32xf32>
    %get3A_110 = arith.constant 0 : index
    %get3A_111 = arith.constant 28672 : index
    %get3A_112 = vector.load %arg1[%get3A_110, %get3A_111] : memref<32x32768xf32, #tpu.memory_space<vmem>>, vector<32x1024xf32>
    %transpose3A_113 = tpu.transpose %get3A_112, [1, 0] : vector<32x1024xf32> -> vector<1024x32xf32>
    %get3A_114 = arith.constant 0 : index
    %get3A_115 = arith.constant 29696 : index
    %get3A_116 = vector.load %arg1[%get3A_114, %get3A_115] : memref<32x32768xf32, #tpu.memory_space<vmem>>, vector<32x1024xf32>
    %transpose3A_117 = tpu.transpose %get3A_116, [1, 0] : vector<32x1024xf32> -> vector<1024x32xf32>
    %get3A_118 = arith.constant 0 : index
    %get3A_119 = arith.constant 30720 : index
    %get3A_120 = vector.load %arg1[%get3A_118, %get3A_119] : memref<32x32768xf32, #tpu.memory_space<vmem>>, vector<32x1024xf32>
    %transpose3A_121 = tpu.transpose %get3A_120, [1, 0] : vector<32x1024xf32> -> vector<1024x32xf32>
    %get3A_122 = arith.constant 0 : index
    %get3A_123 = arith.constant 31744 : index
    %get3A_124 = vector.load %arg1[%get3A_122, %get3A_123] : memref<32x32768xf32, #tpu.memory_space<vmem>>, vector<32x1024xf32>
    %transpose3A_125 = tpu.transpose %get3A_124, [1, 0] : vector<32x1024xf32> -> vector<1024x32xf32>
    %concatenate3A = tpu.concatenate %transpose3A, %transpose3A_5, %transpose3A_9, %transpose3A_13, %transpose3A_17, %transpose3A_21, %transpose3A_25, %transpose3A_29, %transpose3A_33, %transpose3A_37, %transpose3A_41, %transpose3A_45, %transpose3A_49, %transpose3A_53, %transpose3A_57, %transpose3A_61, %transpose3A_65, %transpose3A_69, %transpose3A_73, %transpose3A_77, %transpose3A_81, %transpose3A_85, %transpose3A_89, %transpose3A_93, %transpose3A_97, %transpose3A_101, %transpose3A_105, %transpose3A_109, %transpose3A_113, %transpose3A_117, %transpose3A_121, %transpose3A_125 in 1 : vector<1024x32xf32>, vector<1024x32xf32>, vector<1024x32xf32>, vector<1024x32xf32>, vector<1024x32xf32>, vector<1024x32xf32>, vector<1024x32xf32>, vector<1024x32xf32>, vector<1024x32xf32>, vector<1024x32xf32>, vector<1024x32xf32>, vector<1024x32xf32>, vector<1024x32xf32>, vector<1024x32xf32>, vector<1024x32xf32>, vector<1024x32xf32>, vector<1024x32xf32>, vector<1024x32xf32>, vector<1024x32xf32>, vector<1024x32xf32>, vector<1024x32xf32>, vector<1024x32xf32>, vector<1024x32xf32>, vector<1024x32xf32>, vector<1024x32xf32>, vector<1024x32xf32>, vector<1024x32xf32>, vector<1024x32xf32>, vector<1024x32xf32>, vector<1024x32xf32>, vector<1024x32xf32>, vector<1024x32xf32> -> vector<1024x1024xf32>
    %swap3A = arith.constant 0 : index
    %swap3A_126 = arith.constant 0 : index
    %swap3A_127 = vector.load %arg2[%swap3A, %swap3A_126] : memref<1024x1024xf32, #tpu.memory_space<vmem>>, vector<1024x1024xf32>
    tpu.vector_store %arg2[%swap3A, %swap3A_126], %concatenate3A {strides = array<i32>} : memref<1024x1024xf32, #tpu.memory_space<vmem>>, vector<1024x1024xf32>,
    return
  }
  func.func @transform_0(%arg0: i32) -> (i32, i32) {
    %c0_i32 = arith.constant 0 : i32
    %c0_i32_0 = arith.constant 0 : i32
    return %c0_i32, %arg0 : i32, i32
  }
  func.func @transform_1(%arg0: i32) -> (i32, i32) {
    %c0_i32 = arith.constant 0 : i32
    %c0_i32_0 = arith.constant 0 : i32
    return %arg0, %c0_i32 : i32, i32
  }
}

module attributes {stable_mosaic.version = 14 : i64} {
  func.func @body(%arg0: i32, %arg1: memref<1024x32xf32, #tpu.memory_space<vmem>>, %arg2: memref<128x32xf32, #tpu.memory_space<vmem>>, %arg3: memref<1024x128xf32, #tpu.memory_space<vmem>>) attributes {dimension_semantics = [#tpu.dimension_semantics<arbitrary>], iteration_bounds = array<i64: 4>, scalar_prefetch = 0 : i64, scratch_operands = 0 : i64, tpu.core_type = #tpu.core_type<tc>, window_params = [{transform_indices = @transform_0, window_bounds = array<i64: 1024, 32>}, {pipeline_mode = #tpu.pipeline_mode<synchronous>, transform_indices = @transform_1, window_bounds = array<i64: 128, 32>}, {transform_indices = @transform_2, window_bounds = array<i64: 1024, 128>}]} {
    %get3A = arith.constant 0 : index
    %get3A_0 = arith.constant 0 : index
    %get3A_1 = vector.load %arg1[%get3A, %get3A_0] : memref<1024x32xf32, #tpu.memory_space<vmem>>, vector<1024x32xf32>
    %get3A_2 = arith.constant 0 : index
    %get3A_3 = arith.constant 0 : index
    %get3A_4 = vector.load %arg2[%get3A_2, %get3A_3] : memref<128x32xf32, #tpu.memory_space<vmem>>, vector<128x32xf32>
    %dot_general3A = arith.constant dense<0.000000e+00> : vector<1024x128xf32>
    %dot_general3A_5 = tpu.matmul %get3A_1, %get3A_4, %dot_general3A {dimension_numbers = #tpu.dot_dimension_numbers<[1], [1], [0], [0], [0, 0, 1, 0], [], []>, transpose_lhs_hint = false} : vector<1024x32xf32>, vector<128x32xf32>, vector<1024x128xf32> -> vector<1024x128xf32>
    %swap3A = arith.constant 0 : index
    %swap3A_6 = arith.constant 0 : index
    %swap3A_7 = vector.load %arg3[%swap3A, %swap3A_6] : memref<1024x128xf32, #tpu.memory_space<vmem>>, vector<1024x128xf32>
    tpu.vector_store %arg3[%swap3A, %swap3A_6], %dot_general3A_5 {strides = array<i32>} : memref<1024x128xf32, #tpu.memory_space<vmem>>, vector<1024x128xf32>,
    return
  }
  func.func @transform_0(%arg0: i32) -> (i32, i32) {
    %c0_i32 = arith.constant 0 : i32
    %c0_i32_0 = arith.constant 0 : i32
    return %arg0, %c0_i32 : i32, i32
  }
  func.func @transform_1(%arg0: i32) -> (i32, i32) {
    %c0_i32 = arith.constant 0 : i32
    %c0_i32_0 = arith.constant 0 : i32
    %c0_i32_1 = arith.constant 0 : i32
    return %c0_i32, %c0_i32_0 : i32, i32
  }
  func.func @transform_2(%arg0: i32) -> (i32, i32) {
    %c0_i32 = arith.constant 0 : i32
    %c0_i32_0 = arith.constant 0 : i32
    return %arg0, %c0_i32 : i32, i32
  }
}

</mosaic_0001>

<sc_bundles>
// kernel: kernel.5.cloned.1.call-start
scs
__scs_entry_jumppad:
0x0: {  	(pc) =	sbr.rel $0x88, $3  }
0x1: {  	(tag) =	ssettag $0x0;
	lr =	simm.s32 $0x1  }
0x2: {  	[smem:$0x3F9E] =	sst lr;
	_ =	strace $0xD0000000  }
0x3: {  	_ = 	snop  }
0x4: {  	_ = 	snop  }
0x5: {  	_ = 	snop  }
0x6: {  	_ = 	snop  }
0x7: {  	_ = 	snop  }
__scs_overlays_trampoline_lowered:
0x8: {  	[smem:$0x3FAD] =	sst s0  }
0x9: {  	[smem:$0x3FAE] =	sst s1  }
0xa: {  	[smem:$0x3FAF] =	sst s2  }
0xb: {  	[smem:$0x3FB0] =	sst s3  }
0xc: {  	[smem:$0x3FB1] =	sst s4  }
0xd: {  	[smem:$0x3FB2] =	sst s5  }
0xe: {  	[smem:$0x3FB3] =	sst s6  }
0xf: {  	[smem:$0x3FB4] =	sst s7  }
0x10: {  	[smem:$0x3FB5] =	sst s8  }
0x11: {  	[smem:$0x3FB6] =	sst s9;
	s0 =	simm.s32 @!p0 $0x0  }
0x12: {  	s1 =	sld [smem:$0x3F9C];
	s0 =	simm.s32 @p0 $0x1  }
0x13: {  	[smem:$0x3FB7] =	sst s0;
	s0 =	simm.s32 @!p1 $0x0  }
0x14: {  	s2 =	sld [smem:$0x3F9B];
	s0 =	simm.s32 @p1 $0x1  }
0x15: {  	[smem:$0x3FB8] =	sst s0;
	s0 =	simm.s32 @!p2 $0x0  }
0x16: {  	s3 =	sld [smem:$0x3FDB];
	s0 =	simm.s32 @p2 $0x1  }
0x17: {  	s4 =	simm.s32 $0x1BF5;
	[smem:$0x3FBA] =	sst s0  }
0x18: {  	s0 =	sld [smem:$0x3F9D];
	_ =	swait.ge [sflag:s4], $0x0  }
0x19: {  	s7 =	sld [smem:$0x3F9E]  }
0x1a: {  	s8 =	sadd.s32 $0xFFFFE003, lr  }
0x1b: {  	s9 =	sadd.s32 $0xFFFFFEF7, lr;
	s5 =	simm.s32 $0xFFFFFFFF;
	p2 =	slt.u32 s8, $0xFFFFF086  }
0x1c: {  	p1 =	slt.u32 s9, $0xF7A;
	s5 =	simm.s32 @!p2 $0x0  }
0x1d: {  	s5 =	simm.s32 @p1 $0x1;
	p0 =	seq.s32 s7, s2  }
0x1e: {  	s7 =	smul.u32 @!p0 $0xF7A, s2;
	p2 =	seq.s32 @!p0 s5, $0x0  }
0x1f: {  	s9 =	smul.u32 $0xF7A, s1;
	s8 =	simm.s32 @!p0 $0x1BF5;
	p2 =	por !p2, p0  }
0x20: {  	[sflag:s8] =	ssyncset.s32 @!p0 $0xFFFFF086;
	s6 =	sadd.s32 @!p0 s3, s7;
	s7 =	simm.s32 @!p0 $0x108  }
0x21: {  	s3 =	sadd.s32 s3, s9;
	s6 =	sadd.s32 @!p0 $0x88, s6;
	s7 =	simm.s32 @p2 $0x1082  }
0x22: {  	[simem:s7], [sflag:s8] =	dma.local @!p0 [hbm:s6], $0xF7A  }
0x23: {  	s9 =	sor.u32 $0xD0000000, s2;
	s6 =	simm.s32 $0x108;
	_ =	swait.ge @!p0 [sflag:s8], $0x0  }
0x24: {  	s3 =	sadd.s32 $0x88, s3;
	s6 =	simm.s32 @!p1 $0x1082;
	[sflag:s4] =	ssyncset.s32 $0xFFFFF086  }
0x25: {  	[simem:s6], [sflag:s4] =	dma.local [hbm:s3], $0xF7A  }
0x26: {  	[smem:$0x3F9E] =	sst s1;
	(tag) =	ssettag s2;
	_ =	strace s9  }
0x27: {  	s1 =	sld [smem:$0x3FAE]  }
0x28: {  	s2 =	sld [smem:$0x3FAF]  }
0x29: {  	s4 =	sld [smem:$0x3FB1]  }
0x2a: {  	p0 =	seq.s32 s5, $0x0;
	s5 =	sld [smem:$0x3FB2]  }
0x2b: {  	s6 =	sld [smem:$0x3FB3]  }
0x2c: {  	s7 =	sld [smem:$0x3FB4]  }
0x2d: {  	s3 =	simm.s32 $0x108;
	s8 =	sld [smem:$0x3FB5]  }
0x2e: {  	s3 =	simm.s32 @!p0 $0x1082;
	s9 =	sld [smem:$0x3FB6]  }
0x2f: {  	lr =	sadd.s32 s0, s3;
	s0 =	sld [smem:$0x3FAD]  }
0x30: {  	s3 =	sld [smem:$0x3FB0]  }
0x31: {  	[smem:$0x3FB9] =	sst s10  }
0x32: {  	s10 =	sld [smem:$0x3FB7];
	_ =	sdelay $0x3  }
0x33: {  	p0 =	seq.s32 s10, $0x1;
	s10 =	sld [smem:$0x3FB9];
	_ =	sdelay $0x3  }
0x34: {  	[smem:$0x3FB9] =	sst s10  }
0x35: {  	s10 =	sld [smem:$0x3FB8];
	_ =	sdelay $0x3  }
0x36: {  	p1 =	seq.s32 s10, $0x1;
	s10 =	sld [smem:$0x3FB9];
	_ =	sdelay $0x3  }
0x37: {  	[smem:$0x3FB9] =	sst s10  }
0x38: {  	s10 =	sld [smem:$0x3FBA]  }
0x39: {  	_ = 	snop;
	(pc) =	sbr.ind lr, $3  }
0x3a: {  	_ = 	snop  }
0x3b: {  	_ = 	snop  }
0x3c: {  	p2 =	seq.s32 s10, $0x1;
	s10 =	sld [smem:$0x3FB9]  }
0x3d: {  	_ =	shalt  }
0x3e: {  	_ =	shalt  }
0x3f: {  	_ =	shalt  }
0x40: {  	_ =	shalt  }
0x41: {  	_ =	shalt  }
0x42: {  	_ =	shalt  }
0x43: {  	_ =	shalt  }
0x44: {  	_ =	shalt  }
0x45: {  	_ =	shalt  }
0x46: {  	_ =	shalt  }
0x47: {  	_ =	shalt  }
0x48: {  	_ =	shalt  }
0x49: {  	_ =	shalt  }
0x4a: {  	_ =	shalt  }
0x4b: {  	_ =	shalt  }
0x4c: {  	_ =	shalt  }
0x4d: {  	_ =	shalt  }
0x4e: {  	_ =	shalt  }
0x4f: {  	_ =	shalt  }
0x50: {  	_ =	shalt  }
0x51: {  	_ =	shalt  }
0x52: {  	_ =	shalt  }
0x53: {  	_ =	shalt  }
0x54: {  	_ =	shalt  }
0x55: {  	_ =	shalt  }
0x56: {  	_ =	shalt  }
0x57: {  	_ =	shalt  }
0x58: {  	_ =	shalt  }
0x59: {  	_ =	shalt  }
0x5a: {  	_ =	shalt  }
0x5b: {  	_ =	shalt  }
0x5c: {  	_ =	shalt  }
0x5d: {  	_ =	shalt  }
0x5e: {  	_ =	shalt  }
0x5f: {  	_ =	shalt  }
0x60: {  	_ =	shalt  }
0x61: {  	_ =	shalt  }
0x62: {  	_ =	shalt  }
0x63: {  	_ =	shalt  }
0x64: {  	_ =	shalt  }
0x65: {  	_ =	shalt  }
0x66: {  	_ =	shalt  }
0x67: {  	_ =	shalt  }
0x68: {  	_ =	shalt  }
0x69: {  	_ =	shalt  }
0x6a: {  	_ =	shalt  }
0x6b: {  	_ =	shalt  }
0x6c: {  	_ =	shalt  }
0x6d: {  	_ =	shalt  }
0x6e: {  	_ =	shalt  }
0x6f: {  	_ =	shalt  }
0x70: {  	_ =	shalt  }
0x71: {  	_ =	shalt  }
0x72: {  	_ =	shalt  }
0x73: {  	_ =	shalt  }
0x74: {  	_ =	shalt  }
0x75: {  	_ =	shalt  }
0x76: {  	_ =	shalt  }
0x77: {  	_ =	shalt  }
0x78: {  	_ =	shalt  }
0x79: {  	_ =	shalt  }
0x7a: {  	_ =	shalt  }
0x7b: {  	_ =	shalt  }
0x7c: {  	_ =	shalt  }
0x7d: {  	_ =	shalt  }
0x7e: {  	_ =	shalt  }
0x7f: {  	_ =	shalt  }
0x80: {  	_ =	shalt  }
0x81: {  	_ =	shalt  }
0x82: {  	_ =	shalt  }
0x83: {  	_ =	shalt  }
0x84: {  	_ =	shalt  }
0x85: {  	_ =	shalt  }
0x86: {  	_ =	shalt  }
0x87: {  	_ =	shalt  }
.Lfunc_end0:
.L_simem_size_0:
called_computation_lowered:
.L_overlay_start_0:
0x88: {  	s2 =	sld [smem:$0x3FD9]  }
0x89: {  	s3 =	sld [smem:$0x3FFE];
	_ =	sdelay $0x1  }
0x8a: {  	s1 =	srdreg.scid  }
0x8b: {  	s0 =	sand.u32 $0x1, s1  }
0x8c: {  	s17 =	sshll.u32 s0, $0xA;
	s2 =	sadd.s32 s3, s2  }
0x8d: {  	s2 =	sadd.s32 s2, s17  }
0x8e: {  	[smem:$0x3FC5] =	sst s2  }
0x8f: {  	_ = 	snop  }
0x90: {  	s2 =	sld [smem:$0x3FD0];
	(tm) =	ssettm $0x1  }
0x91: {  	s18 =	sld [smem:$0x3FFB];
	_ =	sdelay $0x3  }
0x92: {  	_ =	strace s18  }
0x93: {  	s3 =	sld [smem:$0x3FFC];
	_ =	sdelay $0x3  }
0x94: {  	_ =	strace s3  }
0x95: {  	s3 =	sld [smem:$0x3FFD];
	_ =	sdelay $0x3  }
0x96: {  	_ =	strace s3  }
0x97: {  	_ =	strace $0x8FFFFFFF  }
0x98: {  	s19 =	sld [smem:$0x3FDB];
	_ =	sdelay $0x1  }
0x99: {  	s4 =	simm.s32 $_scs_section_size  }
0x9a: {  	s5 =	simm.s32 $_size__tile_overlayer_lowered;
	s6 =	simm.s32 $_tile_overlayer_lowered  }
0x9b: {  	s22 =	simm.s32 $0x1BFF;
	s21 =	sshll.u32 s6, $0x1;
	s3 =	sadd.s32 s4, s19  }
0x9c: {  	s7 =	simm.s32 $0x0;
	s20 =	sshll.u32 s5, $0x1;
	s5 =	sadd.s32 s21, s3  }
0x9d: {  	[timem:s7], [sflag:s22] =	dma.local [hbm:s5], s20  }
0x9e: {  	_ =	swait.ge [sflag:s22], s20  }
0x9f: {  	s4 =	ssub.s32 $0x0, s20;
	[sflag:s22] =	ssyncset.done $0x0  }
0xa0: {  	[sflag:s22] =	ssyncadd.s32 s4;
	_ =	sdelay $0x1  }
0xa1: {  	s23 =	simm.s32 $0x1B8B  }
0xa2: {  	_ =	swait.ge [sflag:s23], $0x1  }
0xa3: {  	[sflag:s23] =	ssyncset.done $0x0  }
0xa4: {  	s25 =	simm.s32 $0x1B8E;
	s24 =	sld [smem:$0x3FFE];
	[sflag:s23] =	ssyncadd.s32 $0xFFFFFFFF  }
0xa5: {  	s26 =	simm.s32 $execute0_lowered;
	[smem:$0x3FD2] =	sst s25  }
0xa6: {  	s5 =	sshll.u32 s26, $0x1;
	_ =	strace $0x80000046;
	[dreg:$0x1] =	wrdreg $0xFFFFFFFF  }
0xa7: {  	s28 =	simm.s32 $_size_execute0_lowered;
	s3 =	sadd.s32 s3, s5;
	[dreg:$0x0] =	wrdreg $0x0  }
0xa8: {  	s5 =	sshll.u32 s28, $0x1;
	[dreg:$0x2] =	wrdreg s3  }
0xa9: {  	[dreg:$0x3] =	wrdreg s5  }
0xaa: {  	[dreg:$0x4] =	wrdreg $0xC0  }
0xab: {  	_ =	task [dreg:s7], $0x5FFFF  }
0xac: {  	[dreg:$0x1] =	wrdreg $0xFFFFFFFF  }
0xad: {  	[dreg:$0x0] =	wrdreg $0x60  }
0xae: {  	[dreg:$0x2] =	wrdreg s2  }
0xaf: {  	[dreg:$0x3] =	wrdreg s24  }
0xb0: {  	[dreg:$0x4] =	wrdreg $0x9  }
0xb1: {  	_ =	task.clear_ibuf [dreg:s7], $0x5FFFF;
	_ =	strace $0x90000046  }
0xb2: {  	s29 =	simm.s32 $0x9;
	_ =	strace $0x80000048  }
0xb3: {  	_ =	swait.ge [sflag:s29], $0x1  }
0xb4: {  	[sflag:s29] =	ssyncadd.s32 $0xFFFFFFFF  }
0xb5: {  	_ =	strace $0x90000048  }
0xb6: {  	_ =	sfence  }
0xb7: {  	s30 =	sld [smem:$0x0];
	_ =	sdelay $0x2  }
0xb8: {  	s31 =	sshll.u32 s1, $0xD;
	s1 =	sshrl.u32 s1, $0x2  }
0xb9: {  	s3 =	sand.u32 $0x4000, s31;
	s1 =	sadd.s32 s1, s30  }
0xba: {  	s0 =	sor.u32 s3, s0;
	s1 =	sshll.u32 s1, $0x11  }
0xbb: {  	s0 =	sor.u32 s1, s0  }
0xbc: {  	s0 =	sadd.s32 $0x8F2B, s0  }
0xbd: {  	[sflag:s0] =	ssyncadd.remote.s32 $0x1  }
0xbe: {  	_ =	sfence.sel $0xFFFF  }
0xbf: {  	[dreg:$0x0] =	wrdreg $0xFFFFFFFF;
	(pc) =	sbr.abs _section_cstart, $3  }
0xc0: {  	[dreg:$0x1] =	wrdreg $0xFFFFFFFF  }
0xc1: {  	_ =	task.clear_ibuf [dreg:s7], $0x2FFFF;
	_ =	strace $0x9FFFFFFF  }
0xc2: {  	(tm) =	ssettm $0x7FFFFFFF  }
0xc3: {  	_ =	shalt  }
tec
execute0_lowered:
.L_overlay_start_1:
0x0: {  	(tag) =	ssettag $0x1  }
0x1: {  	s0 =	rddreg [dreg:$0x0]  }
0x2: {  	s1 =	rddreg [dreg:$0x1]  }
0x3: {  	s3 =	srdreg.scid;
	s2 =	simm.s32 $0x0;
	s5 =	stileid.u32  }
0x4: {  	s8 =	simm.s32 $0x80;
	s9 =	simm.s32 $0x1000;
	s10 =	simm.s32 $0x2  }
0x5: {  	s11 =	simm.s32 $0x3200;
	s18 =	simm.s32 $0x3A00;
	s14 =	simm.s32 $0x2B80  }
0x6: {  	s15 =	simm.s32 $0x2C00;
	s16 =	simm.s32 $0x2C80;
	s17 =	simm.s32 $0x2D00  }
0x7: {  	s19 =	simm.s32 $0x2D80;
	s20 =	simm.s32 $0x2E00;
	s21 =	simm.s32 $0x2E80  }
0x8: {  	s22 =	simm.s32 $0x2F00;
	s23 =	simm.s32 $0x2F80;
	s28 =	simm.s32 $0x3180  }
0x9: {  	s29 =	simm.s32 $0x1;
	s30 =	simm.s32 $0x10;
	s31 =	simm.s32 $0x20  }
0xa: {  	s4 =	sand.u32 $0x1, s3;
	[smem:$0x7FF] =	sst s2;
	s24 =	sshll.u32 s5, $0x8  }
0xb: {  	s3 =	sadd.s32 $0x800, s1;
	s25 =	sshll.u32 s4, $0x7;
	s4 =	ssub.s32 $0x2, s4  }
0xc: {  	_ =	strace $0x80000047;
	s5 =	sor.u32 s25, s24;
	s26 =	sshrl.u32 s4, $0x1  }
0xd: {  	s24 =	simm.s32 $0x3000;
	s25 =	simm.s32 $0x3080;
	s6 =	sshll.u32 s5, $0x2  }
0xe: {  	s5 =	sshrl.u32 s5, $0x3;
	s7 =	ssub.s32 s4, s26;
	s26 =	simm.s32 $0x3100  }
0xf: {  	s1 =	sadd.s32 s6, s1;
	s4 =	sadd.s32 s0, s5;
	s7 =	smax.u32 s7, $0x1  }
0x10: {  	v0 =	vimm.f32 $0.0e+00;
	s0 =	simm.s32 $0x0;
	s5 =	sadd.s32 $0x3E0800, s1;
	s6 =	sadd.s32 $0x3E0802, s1  }
.LBB2_1:
0x11: {  	[tilespmem:s2], [sflag:$0x2] =	stream.strided.gather [hbm4b:s4+s8], $0x3200, s9, s8, $0x38;
	[tilespmem:$0x4200] =	vst v63  }
0x12: {  	_ =	swait.ge [sflag:s10], $0x3200  }
0x13: {  	[sflag:s10] =	ssyncset.done $0x0  }
0x14: {  	s1 =	simm.s32 $0x40;
	s12 =	simm.s32 $0x0;
	[sflag:s10] =	ssyncadd.s32 $0xFFFFCE00  }
.LBB2_2:
0x15: {  	p0 =	sne.s32 s1, $0x1FC0;
	[tilespmem:s12+$0x3200] =	vst v0;
	s13 =	smov.u32 s1;
	s1 =	sadd.s32 $0x40, s1  }
.Ltmp0:
0x16: {  	[tilespmem:s12+$0x3A00] =	vst v0;
	(pc) =	sbr.rel @p0 .LBB2_2-.Ltmp0, $2  }
0x17: {  	_ =	sdelay $0x2  }
0x18: {  	s12 =	sshra.s32 s13, $0x2  }
0x19: {  	[tilespmem:s12+$0x3200] =	vst v0  }
0x1a: {  	[tilespmem:s12+$0x3A00] =	vst v0  }
0x1b: {  	[tilespmem:s11], [sflag:$0x1] =	stream.indirect.gather.add.f32 [hbm:s3], $0x10, s2, s8, $0xb8;
	[tilespmem:$0x4200] =	vst v63  }
0x1c: {  	_ = 	snop  }
0x1d: {  	[tilespmem:s11], [sflag:$0x1] =	stream.indirect.gather.add.f32 [hbm:s3], $0x10, s8, s8, $0xb8;
	[tilespmem:$0x4200] =	vst v63  }
0x1e: {  	s1 =	simm.s32 $0x100  }
0x1f: {  	[tilespmem:s11], [sflag:$0x1] =	stream.indirect.gather.add.f32 [hbm:s3], $0x10, s1, s8, $0xb8;
	[tilespmem:$0x4200] =	vst v63  }
0x20: {  	s13 =	simm.s32 $0x180  }
0x21: {  	[tilespmem:s11], [sflag:$0x1] =	stream.indirect.gather.add.f32 [hbm:s3], $0x10, s13, s8, $0xb8;
	[tilespmem:$0x4200] =	vst v63  }
0x22: {  	s12 =	simm.s32 $0x200  }
0x23: {  	[tilespmem:s11], [sflag:$0x1] =	stream.indirect.gather.add.f32 [hbm:s3], $0x10, s12, s8, $0xb8;
	[tilespmem:$0x4200] =	vst v63  }
0x24: {  	s13 =	simm.s32 $0x280  }
0x25: {  	[tilespmem:s11], [sflag:$0x1] =	stream.indirect.gather.add.f32 [hbm:s3], $0x10, s13, s8, $0xb8;
	[tilespmem:$0x4200] =	vst v63  }
0x26: {  	s12 =	simm.s32 $0x300  }
0x27: {  	[tilespmem:s11], [sflag:$0x1] =	stream.indirect.gather.add.f32 [hbm:s3], $0x10, s12, s8, $0xb8;
	[tilespmem:$0x4200] =	vst v63  }
0x28: {  	s13 =	simm.s32 $0x380  }
0x29: {  	[tilespmem:s11], [sflag:$0x1] =	stream.indirect.gather.add.f32 [hbm:s3], $0x10, s13, s8, $0xb8;
	[tilespmem:$0x4200] =	vst v63  }
0x2a: {  	s12 =	simm.s32 $0x400  }
0x2b: {  	[tilespmem:s11], [sflag:$0x1] =	stream.indirect.gather.add.f32 [hbm:s3], $0x10, s12, s8, $0xb8;
	[tilespmem:$0x4200] =	vst v63  }
0x2c: {  	s13 =	simm.s32 $0x480  }
0x2d: {  	[tilespmem:s11], [sflag:$0x1] =	stream.indirect.gather.add.f32 [hbm:s3], $0x10, s13, s8, $0xb8;
	[tilespmem:$0x4200] =	vst v63  }
0x2e: {  	s12 =	simm.s32 $0x500  }
0x2f: {  	[tilespmem:s11], [sflag:$0x1] =	stream.indirect.gather.add.f32 [hbm:s3], $0x10, s12, s8, $0xb8;
	[tilespmem:$0x4200] =	vst v63  }
0x30: {  	s13 =	simm.s32 $0x580  }
0x31: {  	[tilespmem:s11], [sflag:$0x1] =	stream.indirect.gather.add.f32 [hbm:s3], $0x10, s13, s8, $0xb8;
	[tilespmem:$0x4200] =	vst v63  }
0x32: {  	s12 =	simm.s32 $0x600  }
0x33: {  	[tilespmem:s11], [sflag:$0x1] =	stream.indirect.gather.add.f32 [hbm:s3], $0x10, s12, s8, $0xb8;
	[tilespmem:$0x4200] =	vst v63  }
0x34: {  	s13 =	simm.s32 $0x680  }
0x35: {  	[tilespmem:s11], [sflag:$0x1] =	stream.indirect.gather.add.f32 [hbm:s3], $0x10, s13, s8, $0xb8;
	[tilespmem:$0x4200] =	vst v63  }
0x36: {  	s12 =	simm.s32 $0x700  }
0x37: {  	[tilespmem:s11], [sflag:$0x1] =	stream.indirect.gather.add.f32 [hbm:s3], $0x10, s12, s8, $0xb8;
	[tilespmem:$0x4200] =	vst v63  }
0x38: {  	s13 =	simm.s32 $0x780  }
0x39: {  	[tilespmem:s11], [sflag:$0x1] =	stream.indirect.gather.add.f32 [hbm:s3], $0x10, s13, s8, $0xb8;
	[tilespmem:$0x4200] =	vst v63  }
0x3a: {  	s12 =	simm.s32 $0x800  }
0x3b: {  	[tilespmem:s11], [sflag:$0x1] =	stream.indirect.gather.add.f32 [hbm:s3], $0x10, s12, s8, $0xb8;
	[tilespmem:$0x4200] =	vst v63  }
0x3c: {  	s13 =	simm.s32 $0x880  }
0x3d: {  	[tilespmem:s11], [sflag:$0x1] =	stream.indirect.gather.add.f32 [hbm:s3], $0x10, s13, s8, $0xb8;
	[tilespmem:$0x4200] =	vst v63  }
0x3e: {  	s12 =	simm.s32 $0x900  }
0x3f: {  	[tilespmem:s11], [sflag:$0x1] =	stream.indirect.gather.add.f32 [hbm:s3], $0x10, s12, s8, $0xb8;
	[tilespmem:$0x4200] =	vst v63  }
0x40: {  	s13 =	simm.s32 $0x980  }
0x41: {  	[tilespmem:s11], [sflag:$0x1] =	stream.indirect.gather.add.f32 [hbm:s3], $0x10, s13, s8, $0xb8;
	[tilespmem:$0x4200] =	vst v63  }
0x42: {  	s12 =	simm.s32 $0xA00  }
0x43: {  	[tilespmem:s11], [sflag:$0x1] =	stream.indirect.gather.add.f32 [hbm:s3], $0x10, s12, s8, $0xb8;
	[tilespmem:$0x4200] =	vst v63  }
0x44: {  	s13 =	simm.s32 $0xA80  }
0x45: {  	[tilespmem:s11], [sflag:$0x1] =	stream.indirect.gather.add.f32 [hbm:s3], $0x10, s13, s8, $0xb8;
	[tilespmem:$0x4200] =	vst v63  }
0x46: {  	s12 =	simm.s32 $0xB00  }
0x47: {  	[tilespmem:s11], [sflag:$0x1] =	stream.indirect.gather.add.f32 [hbm:s3], $0x10, s12, s8, $0xb8;
	[tilespmem:$0x4200] =	vst v63  }
0x48: {  	s13 =	simm.s32 $0xB80  }
0x49: {  	[tilespmem:s11], [sflag:$0x1] =	stream.indirect.gather.add.f32 [hbm:s3], $0x10, s13, s8, $0xb8;
	[tilespmem:$0x4200] =	vst v63  }
0x4a: {  	s12 =	simm.s32 $0xC00  }
0x4b: {  	[tilespmem:s11], [sflag:$0x1] =	stream.indirect.gather.add.f32 [hbm:s3], $0x10, s12, s8, $0xb8;
	[tilespmem:$0x4200] =	vst v63  }
0x4c: {  	s13 =	simm.s32 $0xC80  }
0x4d: {  	[tilespmem:s11], [sflag:$0x1] =	stream.indirect.gather.add.f32 [hbm:s3], $0x10, s13, s8, $0xb8;
	[tilespmem:$0x4200] =	vst v63  }
0x4e: {  	s12 =	simm.s32 $0xD00  }
0x4f: {  	[tilespmem:s11], [sflag:$0x1] =	stream.indirect.gather.add.f32 [hbm:s3], $0x10, s12, s8, $0xb8;
	[tilespmem:$0x4200] =	vst v63  }
0x50: {  	s13 =	simm.s32 $0xD80  }
0x51: {  	[tilespmem:s11], [sflag:$0x1] =	stream.indirect.gather.add.f32 [hbm:s3], $0x10, s13, s8, $0xb8;
	[tilespmem:$0x4200] =	vst v63  }
0x52: {  	s12 =	simm.s32 $0xE00  }
0x53: {  	[tilespmem:s11], [sflag:$0x1] =	stream.indirect.gather.add.f32 [hbm:s3], $0x10, s12, s8, $0xb8;
	[tilespmem:$0x4200] =	vst v63  }
0x54: {  	s13 =	simm.s32 $0xE80  }
0x55: {  	[tilespmem:s11], [sflag:$0x1] =	stream.indirect.gather.add.f32 [hbm:s3], $0x10, s13, s8, $0xb8;
	[tilespmem:$0x4200] =	vst v63  }
0x56: {  	s12 =	simm.s32 $0xF00  }
0x57: {  	[tilespmem:s11], [sflag:$0x1] =	stream.indirect.gather.add.f32 [hbm:s3], $0x10, s12, s8, $0xb8;
	[tilespmem:$0x4200] =	vst v63  }
0x58: {  	s13 =	simm.s32 $0xF80  }
0x59: {  	[tilespmem:s11], [sflag:$0x1] =	stream.indirect.gather.add.f32 [hbm:s3], $0x10, s13, s8, $0xb8;
	[tilespmem:$0x4200] =	vst v63  }
0x5a: {  	_ = 	snop  }
0x5b: {  	[tilespmem:s11], [sflag:$0x1] =	stream.indirect.gather.add.f32 [hbm:s3], $0x10, s9, s8, $0xb8;
	[tilespmem:$0x4200] =	vst v63  }
0x5c: {  	s12 =	simm.s32 $0x1080  }
0x5d: {  	[tilespmem:s11], [sflag:$0x1] =	stream.indirect.gather.add.f32 [hbm:s3], $0x10, s12, s8, $0xb8;
	[tilespmem:$0x4200] =	vst v63  }
0x5e: {  	s13 =	simm.s32 $0x1100  }
0x5f: {  	[tilespmem:s11], [sflag:$0x1] =	stream.indirect.gather.add.f32 [hbm:s3], $0x10, s13, s8, $0xb8;
	[tilespmem:$0x4200] =	vst v63  }
0x60: {  	s12 =	simm.s32 $0x1180  }
0x61: {  	[tilespmem:s11], [sflag:$0x1] =	stream.indirect.gather.add.f32 [hbm:s3], $0x10, s12, s8, $0xb8;
	[tilespmem:$0x4200] =	vst v63  }
0x62: {  	s13 =	simm.s32 $0x1200  }
0x63: {  	[tilespmem:s11], [sflag:$0x1] =	stream.indirect.gather.add.f32 [hbm:s3], $0x10, s13, s8, $0xb8;
	[tilespmem:$0x4200] =	vst v63  }
0x64: {  	s12 =	simm.s32 $0x1280  }
0x65: {  	[tilespmem:s11], [sflag:$0x1] =	stream.indirect.gather.add.f32 [hbm:s3], $0x10, s12, s8, $0xb8;
	[tilespmem:$0x4200] =	vst v63  }
0x66: {  	s13 =	simm.s32 $0x1300  }
0x67: {  	[tilespmem:s11], [sflag:$0x1] =	stream.indirect.gather.add.f32 [hbm:s3], $0x10, s13, s8, $0xb8;
	[tilespmem:$0x4200] =	vst v63  }
0x68: {  	s12 =	simm.s32 $0x1380  }
0x69: {  	[tilespmem:s11], [sflag:$0x1] =	stream.indirect.gather.add.f32 [hbm:s3], $0x10, s12, s8, $0xb8;
	[tilespmem:$0x4200] =	vst v63  }
0x6a: {  	s13 =	simm.s32 $0x1400  }
0x6b: {  	[tilespmem:s11], [sflag:$0x1] =	stream.indirect.gather.add.f32 [hbm:s3], $0x10, s13, s8, $0xb8;
	[tilespmem:$0x4200] =	vst v63  }
0x6c: {  	s12 =	simm.s32 $0x1480  }
0x6d: {  	[tilespmem:s11], [sflag:$0x1] =	stream.indirect.gather.add.f32 [hbm:s3], $0x10, s12, s8, $0xb8;
	[tilespmem:$0x4200] =	vst v63  }
0x6e: {  	s13 =	simm.s32 $0x1500  }
0x6f: {  	[tilespmem:s11], [sflag:$0x1] =	stream.indirect.gather.add.f32 [hbm:s3], $0x10, s13, s8, $0xb8;
	[tilespmem:$0x4200] =	vst v63  }
0x70: {  	s12 =	simm.s32 $0x1580  }
0x71: {  	[tilespmem:s11], [sflag:$0x1] =	stream.indirect.gather.add.f32 [hbm:s3], $0x10, s12, s8, $0xb8;
	[tilespmem:$0x4200] =	vst v63  }
0x72: {  	s13 =	simm.s32 $0x1600  }
0x73: {  	[tilespmem:s11], [sflag:$0x1] =	stream.indirect.gather.add.f32 [hbm:s3], $0x10, s13, s8, $0xb8;
	[tilespmem:$0x4200] =	vst v63  }
0x74: {  	s12 =	simm.s32 $0x1680  }
0x75: {  	[tilespmem:s11], [sflag:$0x1] =	stream.indirect.gather.add.f32 [hbm:s3], $0x10, s12, s8, $0xb8;
	[tilespmem:$0x4200] =	vst v63  }
0x76: {  	s13 =	simm.s32 $0x1700  }
0x77: {  	[tilespmem:s11], [sflag:$0x1] =	stream.indirect.gather.add.f32 [hbm:s3], $0x10, s13, s8, $0xb8;
	[tilespmem:$0x4200] =	vst v63  }
0x78: {  	s12 =	simm.s32 $0x1780  }
0x79: {  	[tilespmem:s11], [sflag:$0x1] =	stream.indirect.gather.add.f32 [hbm:s3], $0x10, s12, s8, $0xb8;
	[tilespmem:$0x4200] =	vst v63  }
0x7a: {  	s13 =	simm.s32 $0x1800  }
0x7b: {  	[tilespmem:s11], [sflag:$0x1] =	stream.indirect.gather.add.f32 [hbm:s3], $0x10, s13, s8, $0xb8;
	[tilespmem:$0x4200] =	vst v63  }
0x7c: {  	s12 =	simm.s32 $0x1880  }
0x7d: {  	[tilespmem:s11], [sflag:$0x1] =	stream.indirect.gather.add.f32 [hbm:s3], $0x10, s12, s8, $0xb8;
	[tilespmem:$0x4200] =	vst v63  }
0x7e: {  	s13 =	simm.s32 $0x1900  }
0x7f: {  	[tilespmem:s18], [sflag:$0x1] =	stream.indirect.gather.add.f32 [hbm:s3], $0x10, s13, s8, $0xb8;
	[tilespmem:$0x4200] =	vst v63  }
0x80: {  	s12 =	simm.s32 $0x1980  }
0x81: {  	[tilespmem:s18], [sflag:$0x1] =	stream.indirect.gather.add.f32 [hbm:s3], $0x10, s12, s8, $0xb8;
	[tilespmem:$0x4200] =	vst v63  }
0x82: {  	s13 =	simm.s32 $0x1A00  }
0x83: {  	[tilespmem:s18], [sflag:$0x1] =	stream.indirect.gather.add.f32 [hbm:s3], $0x10, s13, s8, $0xb8;
	[tilespmem:$0x4200] =	vst v63  }
0x84: {  	s12 =	simm.s32 $0x1A80  }
0x85: {  	[tilespmem:s18], [sflag:$0x1] =	stream.indirect.gather.add.f32 [hbm:s3], $0x10, s12, s8, $0xb8;
	[tilespmem:$0x4200] =	vst v63  }
0x86: {  	s13 =	simm.s32 $0x1B00  }
0x87: {  	[tilespmem:s18], [sflag:$0x1] =	stream.indirect.gather.add.f32 [hbm:s3], $0x10, s13, s8, $0xb8;
	[tilespmem:$0x4200] =	vst v63  }
0x88: {  	s12 =	simm.s32 $0x1B80  }
0x89: {  	[tilespmem:s18], [sflag:$0x1] =	stream.indirect.gather.add.f32 [hbm:s3], $0x10, s12, s8, $0xb8;
	[tilespmem:$0x4200] =	vst v63  }
0x8a: {  	s13 =	simm.s32 $0x1C00  }
0x8b: {  	[tilespmem:s18], [sflag:$0x1] =	stream.indirect.gather.add.f32 [hbm:s3], $0x10, s13, s8, $0xb8;
	[tilespmem:$0x4200] =	vst v63  }
0x8c: {  	s12 =	simm.s32 $0x1C80  }
0x8d: {  	[tilespmem:s18], [sflag:$0x1] =	stream.indirect.gather.add.f32 [hbm:s3], $0x10, s12, s8, $0xb8;
	[tilespmem:$0x4200] =	vst v63  }
0x8e: {  	s13 =	simm.s32 $0x1D00  }
0x8f: {  	[tilespmem:s18], [sflag:$0x1] =	stream.indirect.gather.add.f32 [hbm:s3], $0x10, s13, s8, $0xb8;
	[tilespmem:$0x4200] =	vst v63  }
0x90: {  	s12 =	simm.s32 $0x1D80  }
0x91: {  	[tilespmem:s18], [sflag:$0x1] =	stream.indirect.gather.add.f32 [hbm:s3], $0x10, s12, s8, $0xb8;
	[tilespmem:$0x4200] =	vst v63  }
0x92: {  	s13 =	simm.s32 $0x1E00  }
0x93: {  	[tilespmem:s18], [sflag:$0x1] =	stream.indirect.gather.add.f32 [hbm:s3], $0x10, s13, s8, $0xb8;
	[tilespmem:$0x4200] =	vst v63  }
0x94: {  	s12 =	simm.s32 $0x1E80  }
0x95: {  	[tilespmem:s18], [sflag:$0x1] =	stream.indirect.gather.add.f32 [hbm:s3], $0x10, s12, s8, $0xb8;
	[tilespmem:$0x4200] =	vst v63  }
0x96: {  	s13 =	simm.s32 $0x1F00  }
0x97: {  	[tilespmem:s18], [sflag:$0x1] =	stream.indirect.gather.add.f32 [hbm:s3], $0x10, s13, s8, $0xb8;
	[tilespmem:$0x4200] =	vst v63  }
0x98: {  	s12 =	simm.s32 $0x1F80  }
0x99: {  	[tilespmem:s18], [sflag:$0x1] =	stream.indirect.gather.add.f32 [hbm:s3], $0x10, s12, s8, $0xb8;
	[tilespmem:$0x4200] =	vst v63  }
0x9a: {  	s13 =	simm.s32 $0x2000  }
0x9b: {  	[tilespmem:s18], [sflag:$0x1] =	stream.indirect.gather.add.f32 [hbm:s3], $0x10, s13, s8, $0xb8;
	[tilespmem:$0x4200] =	vst v63  }
0x9c: {  	s12 =	simm.s32 $0x2080  }
0x9d: {  	[tilespmem:s18], [sflag:$0x1] =	stream.indirect.gather.add.f32 [hbm:s3], $0x10, s12, s8, $0xb8;
	[tilespmem:$0x4200] =	vst v63  }
0x9e: {  	s13 =	simm.s32 $0x2100  }
0x9f: {  	[tilespmem:s18], [sflag:$0x1] =	stream.indirect.gather.add.f32 [hbm:s3], $0x10, s13, s8, $0xb8;
	[tilespmem:$0x4200] =	vst v63  }
0xa0: {  	s12 =	simm.s32 $0x2180  }
0xa1: {  	[tilespmem:s18], [sflag:$0x1] =	stream.indirect.gather.add.f32 [hbm:s3], $0x10, s12, s8, $0xb8;
	[tilespmem:$0x4200] =	vst v63  }
0xa2: {  	s13 =	simm.s32 $0x2200  }
0xa3: {  	[tilespmem:s18], [sflag:$0x1] =	stream.indirect.gather.add.f32 [hbm:s3], $0x10, s13, s8, $0xb8;
	[tilespmem:$0x4200] =	vst v63  }
0xa4: {  	s12 =	simm.s32 $0x2280  }
0xa5: {  	[tilespmem:s18], [sflag:$0x1] =	stream.indirect.gather.add.f32 [hbm:s3], $0x10, s12, s8, $0xb8;
	[tilespmem:$0x4200] =	vst v63  }
0xa6: {  	s13 =	simm.s32 $0x2300  }
0xa7: {  	[tilespmem:s18], [sflag:$0x1] =	stream.indirect.gather.add.f32 [hbm:s3], $0x10, s13, s8, $0xb8;
	[tilespmem:$0x4200] =	vst v63  }
0xa8: {  	s12 =	simm.s32 $0x2380  }
0xa9: {  	[tilespmem:s18], [sflag:$0x1] =	stream.indirect.gather.add.f32 [hbm:s3], $0x10, s12, s8, $0xb8;
	[tilespmem:$0x4200] =	vst v63  }
0xaa: {  	s13 =	simm.s32 $0x2400  }
0xab: {  	[tilespmem:s18], [sflag:$0x1] =	stream.indirect.gather.add.f32 [hbm:s3], $0x10, s13, s8, $0xb8;
	[tilespmem:$0x4200] =	vst v63  }
0xac: {  	s12 =	simm.s32 $0x2480  }
0xad: {  	[tilespmem:s18], [sflag:$0x1] =	stream.indirect.gather.add.f32 [hbm:s3], $0x10, s12, s8, $0xb8;
	[tilespmem:$0x4200] =	vst v63  }
0xae: {  	s13 =	simm.s32 $0x2500  }
0xaf: {  	[tilespmem:s18], [sflag:$0x1] =	stream.indirect.gather.add.f32 [hbm:s3], $0x10, s13, s8, $0xb8;
	[tilespmem:$0x4200] =	vst v63  }
0xb0: {  	s12 =	simm.s32 $0x2580  }
0xb1: {  	[tilespmem:s18], [sflag:$0x1] =	stream.indirect.gather.add.f32 [hbm:s3], $0x10, s12, s8, $0xb8;
	[tilespmem:$0x4200] =	vst v63  }
0xb2: {  	s13 =	simm.s32 $0x2600  }
0xb3: {  	[tilespmem:s18], [sflag:$0x1] =	stream.indirect.gather.add.f32 [hbm:s3], $0x10, s13, s8, $0xb8;
	[tilespmem:$0x4200] =	vst v63  }
0xb4: {  	s12 =	simm.s32 $0x2680  }
0xb5: {  	[tilespmem:s18], [sflag:$0x1] =	stream.indirect.gather.add.f32 [hbm:s3], $0x10, s12, s8, $0xb8;
	[tilespmem:$0x4200] =	vst v63  }
0xb6: {  	s13 =	simm.s32 $0x2700  }
0xb7: {  	[tilespmem:s18], [sflag:$0x1] =	stream.indirect.gather.add.f32 [hbm:s3], $0x10, s13, s8, $0xb8;
	[tilespmem:$0x4200] =	vst v63  }
0xb8: {  	s12 =	simm.s32 $0x2780  }
0xb9: {  	[tilespmem:s18], [sflag:$0x1] =	stream.indirect.gather.add.f32 [hbm:s3], $0x10, s12, s8, $0xb8;
	[tilespmem:$0x4200] =	vst v63  }
0xba: {  	s13 =	simm.s32 $0x2800  }
0xbb: {  	[tilespmem:s18], [sflag:$0x1] =	stream.indirect.gather.add.f32 [hbm:s3], $0x10, s13, s8, $0xb8;
	[tilespmem:$0x4200] =	vst v63  }
0xbc: {  	s12 =	simm.s32 $0x2880  }
0xbd: {  	[tilespmem:s18], [sflag:$0x1] =	stream.indirect.gather.add.f32 [hbm:s3], $0x10, s12, s8, $0xb8;
	[tilespmem:$0x4200] =	vst v63  }
0xbe: {  	s13 =	simm.s32 $0x2900  }
0xbf: {  	[tilespmem:s18], [sflag:$0x1] =	stream.indirect.gather.add.f32 [hbm:s3], $0x10, s13, s8, $0xb8;
	[tilespmem:$0x4200] =	vst v63  }
0xc0: {  	s12 =	simm.s32 $0x2980  }
0xc1: {  	[tilespmem:s18], [sflag:$0x1] =	stream.indirect.gather.add.f32 [hbm:s3], $0x10, s12, s8, $0xb8;
	[tilespmem:$0x4200] =	vst v63  }
0xc2: {  	s13 =	simm.s32 $0x2A00  }
0xc3: {  	[tilespmem:s18], [sflag:$0x1] =	stream.indirect.gather.add.f32 [hbm:s3], $0x10, s13, s8, $0xb8;
	[tilespmem:$0x4200] =	vst v63  }
0xc4: {  	s12 =	simm.s32 $0x2A80  }
0xc5: {  	[tilespmem:s18], [sflag:$0x1] =	stream.indirect.gather.add.f32 [hbm:s3], $0x10, s12, s8, $0xb8;
	[tilespmem:$0x4200] =	vst v63  }
0xc6: {  	s13 =	simm.s32 $0x2B00  }
0xc7: {  	[tilespmem:s18], [sflag:$0x1] =	stream.indirect.gather.add.f32 [hbm:s3], $0x10, s13, s8, $0xb8;
	[tilespmem:$0x4200] =	vst v63  }
0xc8: {  	_ = 	snop  }
0xc9: {  	[tilespmem:s18], [sflag:$0x1] =	stream.indirect.gather.add.f32 [hbm:s3], $0x10, s14, s8, $0xb8;
	[tilespmem:$0x4200] =	vst v63  }
0xca: {  	_ = 	snop  }
0xcb: {  	[tilespmem:s18], [sflag:$0x1] =	stream.indirect.gather.add.f32 [hbm:s3], $0x10, s15, s8, $0xb8;
	[tilespmem:$0x4200] =	vst v63  }
0xcc: {  	_ = 	snop  }
0xcd: {  	[tilespmem:s18], [sflag:$0x1] =	stream.indirect.gather.add.f32 [hbm:s3], $0x10, s16, s8, $0xb8;
	[tilespmem:$0x4200] =	vst v63  }
0xce: {  	_ = 	snop  }
0xcf: {  	[tilespmem:s18], [sflag:$0x1] =	stream.indirect.gather.add.f32 [hbm:s3], $0x10, s17, s8, $0xb8;
	[tilespmem:$0x4200] =	vst v63  }
0xd0: {  	_ = 	snop  }
0xd1: {  	[tilespmem:s18], [sflag:$0x1] =	stream.indirect.gather.add.f32 [hbm:s3], $0x10, s19, s8, $0xb8;
	[tilespmem:$0x4200] =	vst v63  }
0xd2: {  	_ = 	snop  }
0xd3: {  	[tilespmem:s18], [sflag:$0x1] =	stream.indirect.gather.add.f32 [hbm:s3], $0x10, s20, s8, $0xb8;
	[tilespmem:$0x4200] =	vst v63  }
0xd4: {  	_ = 	snop  }
0xd5: {  	[tilespmem:s18], [sflag:$0x1] =	stream.indirect.gather.add.f32 [hbm:s3], $0x10, s21, s8, $0xb8;
	[tilespmem:$0x4200] =	vst v63  }
0xd6: {  	_ = 	snop  }
0xd7: {  	[tilespmem:s18], [sflag:$0x1] =	stream.indirect.gather.add.f32 [hbm:s3], $0x10, s22, s8, $0xb8;
	[tilespmem:$0x4200] =	vst v63  }
0xd8: {  	_ = 	snop  }
0xd9: {  	[tilespmem:s18], [sflag:$0x1] =	stream.indirect.gather.add.f32 [hbm:s3], $0x10, s23, s8, $0xb8;
	[tilespmem:$0x4200] =	vst v63  }
0xda: {  	_ = 	snop  }
0xdb: {  	[tilespmem:s18], [sflag:$0x1] =	stream.indirect.gather.add.f32 [hbm:s3], $0x10, s24, s8, $0xb8;
	[tilespmem:$0x4200] =	vst v63  }
0xdc: {  	_ = 	snop  }
0xdd: {  	[tilespmem:s18], [sflag:$0x1] =	stream.indirect.gather.add.f32 [hbm:s3], $0x10, s25, s8, $0xb8;
	[tilespmem:$0x4200] =	vst v63  }
0xde: {  	_ = 	snop  }
0xdf: {  	[tilespmem:s18], [sflag:$0x1] =	stream.indirect.gather.add.f32 [hbm:s3], $0x10, s26, s8, $0xb8;
	[tilespmem:$0x4200] =	vst v63  }
0xe0: {  	_ = 	snop  }
0xe1: {  	[tilespmem:s18], [sflag:$0x1] =	stream.indirect.gather.add.f32 [hbm:s3], $0x10, s28, s8, $0xb8;
	[tilespmem:$0x4200] =	vst v63  }
0xe2: {  	_ =	swait.ge [sflag:s29], $0x800  }
0xe3: {  	[sflag:s29] =	ssyncset.done $0x0  }
0xe4: {  	[sflag:s29] =	ssyncadd.s32 $0xFFFFF800  }
0xe5: {  	_ =	swait.ge [sflag:s29], $0x800  }
0xe6: {  	[sflag:s29] =	ssyncset.done $0x0  }
0xe7: {  	[sflag:s29] =	ssyncadd.s32 $0xFFFFF800  }
0xe8: {  	_ =	swait.ge [sflag:s29], $0x800  }
0xe9: {  	[sflag:s29] =	ssyncset.done $0x0  }
0xea: {  	[sflag:s29] =	ssyncadd.s32 $0xFFFFF800  }
0xeb: {  	_ =	swait.ge [sflag:s29], $0x800  }
0xec: {  	[sflag:s29] =	ssyncset.done $0x0  }
0xed: {  	[sflag:s29] =	ssyncadd.s32 $0xFFFFF800  }
0xee: {  	_ =	swait.ge [sflag:s29], $0x800  }
0xef: {  	[sflag:s29] =	ssyncset.done $0x0  }
0xf0: {  	[sflag:s29] =	ssyncadd.s32 $0xFFFFF800  }
0xf1: {  	_ =	swait.ge [sflag:s29], $0x800  }
0xf2: {  	[sflag:s29] =	ssyncset.done $0x0  }
0xf3: {  	[sflag:s29] =	ssyncadd.s32 $0xFFFFF800  }
0xf4: {  	_ =	swait.ge [sflag:s29], $0x800  }
0xf5: {  	[sflag:s29] =	ssyncset.done $0x0  }
0xf6: {  	[sflag:s29] =	ssyncadd.s32 $0xFFFFF800  }
0xf7: {  	_ =	swait.ge [sflag:s29], $0x800  }
0xf8: {  	[sflag:s29] =	ssyncset.done $0x0  }
0xf9: {  	[sflag:s29] =	ssyncadd.s32 $0xFFFFF800  }
0xfa: {  	_ =	swait.ge [sflag:s29], $0x800  }
0xfb: {  	[sflag:s29] =	ssyncset.done $0x0  }
0xfc: {  	[sflag:s29] =	ssyncadd.s32 $0xFFFFF800  }
0xfd: {  	_ =	swait.ge [sflag:s29], $0x800  }
0xfe: {  	[sflag:s29] =	ssyncset.done $0x0  }
0xff: {  	[sflag:s29] =	ssyncadd.s32 $0xFFFFF800  }
0x100: {  	_ =	swait.ge [sflag:s29], $0x800  }
0x101: {  	[sflag:s29] =	ssyncset.done $0x0  }
0x102: {  	[sflag:s29] =	ssyncadd.s32 $0xFFFFF800  }
0x103: {  	_ =	swait.ge [sflag:s29], $0x800  }
0x104: {  	[sflag:s29] =	ssyncset.done $0x0  }
0x105: {  	[sflag:s29] =	ssyncadd.s32 $0xFFFFF800  }
0x106: {  	_ =	swait.ge [sflag:s29], $0x800  }
0x107: {  	[sflag:s29] =	ssyncset.done $0x0  }
0x108: {  	[sflag:s29] =	ssyncadd.s32 $0xFFFFF800  }
0x109: {  	_ =	swait.ge [sflag:s29], $0x800  }
0x10a: {  	[sflag:s29] =	ssyncset.done $0x0  }
0x10b: {  	[sflag:s29] =	ssyncadd.s32 $0xFFFFF800  }
0x10c: {  	_ =	swait.ge [sflag:s29], $0x800  }
0x10d: {  	[sflag:s29] =	ssyncset.done $0x0  }
0x10e: {  	[sflag:s29] =	ssyncadd.s32 $0xFFFFF800  }
0x10f: {  	_ =	swait.ge [sflag:s29], $0x800  }
0x110: {  	[sflag:s29] =	ssyncset.done $0x0  }
0x111: {  	[sflag:s29] =	ssyncadd.s32 $0xFFFFF800  }
0x112: {  	_ =	swait.ge [sflag:s29], $0x800  }
0x113: {  	[sflag:s29] =	ssyncset.done $0x0  }
0x114: {  	[sflag:s29] =	ssyncadd.s32 $0xFFFFF800  }
0x115: {  	_ =	swait.ge [sflag:s29], $0x800  }
0x116: {  	[sflag:s29] =	ssyncset.done $0x0  }
0x117: {  	[sflag:s29] =	ssyncadd.s32 $0xFFFFF800  }
0x118: {  	_ =	swait.ge [sflag:s29], $0x800  }
0x119: {  	[sflag:s29] =	ssyncset.done $0x0  }
0x11a: {  	[sflag:s29] =	ssyncadd.s32 $0xFFFFF800  }
0x11b: {  	_ =	swait.ge [sflag:s29], $0x800  }
0x11c: {  	[sflag:s29] =	ssyncset.done $0x0  }
0x11d: {  	[sflag:s29] =	ssyncadd.s32 $0xFFFFF800  }
0x11e: {  	_ =	swait.ge [sflag:s29], $0x800  }
0x11f: {  	[sflag:s29] =	ssyncset.done $0x0  }
0x120: {  	[sflag:s29] =	ssyncadd.s32 $0xFFFFF800  }
0x121: {  	_ =	swait.ge [sflag:s29], $0x800  }
0x122: {  	[sflag:s29] =	ssyncset.done $0x0  }
0x123: {  	[sflag:s29] =	ssyncadd.s32 $0xFFFFF800  }
0x124: {  	_ =	swait.ge [sflag:s29], $0x800  }
0x125: {  	[sflag:s29] =	ssyncset.done $0x0  }
0x126: {  	[sflag:s29] =	ssyncadd.s32 $0xFFFFF800  }
0x127: {  	_ =	swait.ge [sflag:s29], $0x800  }
0x128: {  	[sflag:s29] =	ssyncset.done $0x0  }
0x129: {  	[sflag:s29] =	ssyncadd.s32 $0xFFFFF800  }
0x12a: {  	_ =	swait.ge [sflag:s29], $0x800  }
0x12b: {  	[sflag:s29] =	ssyncset.done $0x0  }
0x12c: {  	[sflag:s29] =	ssyncadd.s32 $0xFFFFF800  }
0x12d: {  	_ =	swait.ge [sflag:s29], $0x800  }
0x12e: {  	[sflag:s29] =	ssyncset.done $0x0  }
0x12f: {  	[sflag:s29] =	ssyncadd.s32 $0xFFFFF800  }
0x130: {  	_ =	swait.ge [sflag:s29], $0x800  }
0x131: {  	[sflag:s29] =	ssyncset.done $0x0  }
0x132: {  	[sflag:s29] =	ssyncadd.s32 $0xFFFFF800  }
0x133: {  	_ =	swait.ge [sflag:s29], $0x800  }
0x134: {  	[sflag:s29] =	ssyncset.done $0x0  }
0x135: {  	[sflag:s29] =	ssyncadd.s32 $0xFFFFF800  }
0x136: {  	_ =	swait.ge [sflag:s29], $0x800  }
0x137: {  	[sflag:s29] =	ssyncset.done $0x0  }
0x138: {  	[sflag:s29] =	ssyncadd.s32 $0xFFFFF800  }
0x139: {  	_ =	swait.ge [sflag:s29], $0x800  }
0x13a: {  	[sflag:s29] =	ssyncset.done $0x0  }
0x13b: {  	[sflag:s29] =	ssyncadd.s32 $0xFFFFF800  }
0x13c: {  	_ =	swait.ge [sflag:s29], $0x800  }
0x13d: {  	[sflag:s29] =	ssyncset.done $0x0  }
0x13e: {  	[sflag:s29] =	ssyncadd.s32 $0xFFFFF800  }
0x13f: {  	_ =	swait.ge [sflag:s29], $0x800  }
0x140: {  	[sflag:s29] =	ssyncset.done $0x0  }
0x141: {  	[sflag:s29] =	ssyncadd.s32 $0xFFFFF800  }
0x142: {  	_ =	swait.ge [sflag:s29], $0x800  }
0x143: {  	[sflag:s29] =	ssyncset.done $0x0  }
0x144: {  	[sflag:s29] =	ssyncadd.s32 $0xFFFFF800  }
0x145: {  	_ =	swait.ge [sflag:s29], $0x800  }
0x146: {  	[sflag:s29] =	ssyncset.done $0x0  }
0x147: {  	[sflag:s29] =	ssyncadd.s32 $0xFFFFF800  }
0x148: {  	_ =	swait.ge [sflag:s29], $0x800  }
0x149: {  	[sflag:s29] =	ssyncset.done $0x0  }
0x14a: {  	[sflag:s29] =	ssyncadd.s32 $0xFFFFF800  }
0x14b: {  	_ =	swait.ge [sflag:s29], $0x800  }
0x14c: {  	[sflag:s29] =	ssyncset.done $0x0  }
0x14d: {  	[sflag:s29] =	ssyncadd.s32 $0xFFFFF800  }
0x14e: {  	_ =	swait.ge [sflag:s29], $0x800  }
0x14f: {  	[sflag:s29] =	ssyncset.done $0x0  }
0x150: {  	[sflag:s29] =	ssyncadd.s32 $0xFFFFF800  }
0x151: {  	_ =	swait.ge [sflag:s29], $0x800  }
0x152: {  	[sflag:s29] =	ssyncset.done $0x0  }
0x153: {  	[sflag:s29] =	ssyncadd.s32 $0xFFFFF800  }
0x154: {  	_ =	swait.ge [sflag:s29], $0x800  }
0x155: {  	[sflag:s29] =	ssyncset.done $0x0  }
0x156: {  	[sflag:s29] =	ssyncadd.s32 $0xFFFFF800  }
0x157: {  	_ =	swait.ge [sflag:s29], $0x800  }
0x158: {  	[sflag:s29] =	ssyncset.done $0x0  }
0x159: {  	[sflag:s29] =	ssyncadd.s32 $0xFFFFF800  }
0x15a: {  	_ =	swait.ge [sflag:s29], $0x800  }
0x15b: {  	[sflag:s29] =	ssyncset.done $0x0  }
0x15c: {  	[sflag:s29] =	ssyncadd.s32 $0xFFFFF800  }
0x15d: {  	_ =	swait.ge [sflag:s29], $0x800  }
0x15e: {  	[sflag:s29] =	ssyncset.done $0x0  }
0x15f: {  	[sflag:s29] =	ssyncadd.s32 $0xFFFFF800  }
0x160: {  	_ =	swait.ge [sflag:s29], $0x800  }
0x161: {  	[sflag:s29] =	ssyncset.done $0x0  }
0x162: {  	[sflag:s29] =	ssyncadd.s32 $0xFFFFF800  }
0x163: {  	_ =	swait.ge [sflag:s29], $0x800  }
0x164: {  	[sflag:s29] =	ssyncset.done $0x0  }
0x165: {  	[sflag:s29] =	ssyncadd.s32 $0xFFFFF800  }
0x166: {  	_ =	swait.ge [sflag:s29], $0x800  }
0x167: {  	[sflag:s29] =	ssyncset.done $0x0  }
0x168: {  	[sflag:s29] =	ssyncadd.s32 $0xFFFFF800  }
0x169: {  	_ =	swait.ge [sflag:s29], $0x800  }
0x16a: {  	[sflag:s29] =	ssyncset.done $0x0  }
0x16b: {  	[sflag:s29] =	ssyncadd.s32 $0xFFFFF800  }
0x16c: {  	_ =	swait.ge [sflag:s29], $0x800  }
0x16d: {  	[sflag:s29] =	ssyncset.done $0x0  }
0x16e: {  	[sflag:s29] =	ssyncadd.s32 $0xFFFFF800  }
0x16f: {  	_ =	swait.ge [sflag:s29], $0x800  }
0x170: {  	[sflag:s29] =	ssyncset.done $0x0  }
0x171: {  	[sflag:s29] =	ssyncadd.s32 $0xFFFFF800  }
0x172: {  	_ =	swait.ge [sflag:s29], $0x800  }
0x173: {  	[sflag:s29] =	ssyncset.done $0x0  }
0x174: {  	[sflag:s29] =	ssyncadd.s32 $0xFFFFF800  }
0x175: {  	_ =	swait.ge [sflag:s29], $0x800  }
0x176: {  	[sflag:s29] =	ssyncset.done $0x0  }
0x177: {  	[sflag:s29] =	ssyncadd.s32 $0xFFFFF800  }
0x178: {  	_ =	swait.ge [sflag:s29], $0x800  }
0x179: {  	[sflag:s29] =	ssyncset.done $0x0  }
0x17a: {  	[sflag:s29] =	ssyncadd.s32 $0xFFFFF800  }
0x17b: {  	_ =	swait.ge [sflag:s29], $0x800  }
0x17c: {  	[sflag:s29] =	ssyncset.done $0x0  }
0x17d: {  	[sflag:s29] =	ssyncadd.s32 $0xFFFFF800  }
0x17e: {  	_ =	swait.ge [sflag:s29], $0x800  }
0x17f: {  	[sflag:s29] =	ssyncset.done $0x0  }
0x180: {  	[sflag:s29] =	ssyncadd.s32 $0xFFFFF800  }
0x181: {  	_ =	swait.ge [sflag:s29], $0x800  }
0x182: {  	[sflag:s29] =	ssyncset.done $0x0  }
0x183: {  	[sflag:s29] =	ssyncadd.s32 $0xFFFFF800  }
0x184: {  	_ =	swait.ge [sflag:s29], $0x800  }
0x185: {  	[sflag:s29] =	ssyncset.done $0x0  }
0x186: {  	[sflag:s29] =	ssyncadd.s32 $0xFFFFF800  }
0x187: {  	_ =	swait.ge [sflag:s29], $0x800  }
0x188: {  	[sflag:s29] =	ssyncset.done $0x0  }
0x189: {  	[sflag:s29] =	ssyncadd.s32 $0xFFFFF800  }
0x18a: {  	_ =	swait.ge [sflag:s29], $0x800  }
0x18b: {  	[sflag:s29] =	ssyncset.done $0x0  }
0x18c: {  	[sflag:s29] =	ssyncadd.s32 $0xFFFFF800  }
0x18d: {  	_ =	swait.ge [sflag:s29], $0x800  }
0x18e: {  	[sflag:s29] =	ssyncset.done $0x0  }
0x18f: {  	[sflag:s29] =	ssyncadd.s32 $0xFFFFF800  }
0x190: {  	_ =	swait.ge [sflag:s29], $0x800  }
0x191: {  	[sflag:s29] =	ssyncset.done $0x0  }
0x192: {  	[sflag:s29] =	ssyncadd.s32 $0xFFFFF800  }
0x193: {  	_ =	swait.ge [sflag:s29], $0x800  }
0x194: {  	[sflag:s29] =	ssyncset.done $0x0  }
0x195: {  	[sflag:s29] =	ssyncadd.s32 $0xFFFFF800  }
0x196: {  	_ =	swait.ge [sflag:s29], $0x800  }
0x197: {  	[sflag:s29] =	ssyncset.done $0x0  }
0x198: {  	[sflag:s29] =	ssyncadd.s32 $0xFFFFF800  }
0x199: {  	_ =	swait.ge [sflag:s29], $0x800  }
0x19a: {  	[sflag:s29] =	ssyncset.done $0x0  }
0x19b: {  	[sflag:s29] =	ssyncadd.s32 $0xFFFFF800  }
0x19c: {  	_ =	swait.ge [sflag:s29], $0x800  }
0x19d: {  	[sflag:s29] =	ssyncset.done $0x0  }
0x19e: {  	[sflag:s29] =	ssyncadd.s32 $0xFFFFF800  }
0x19f: {  	_ =	swait.ge [sflag:s29], $0x800  }
0x1a0: {  	[sflag:s29] =	ssyncset.done $0x0  }
0x1a1: {  	[sflag:s29] =	ssyncadd.s32 $0xFFFFF800  }
0x1a2: {  	_ =	swait.ge [sflag:s29], $0x800  }
0x1a3: {  	[sflag:s29] =	ssyncset.done $0x0  }
0x1a4: {  	[sflag:s29] =	ssyncadd.s32 $0xFFFFF800  }
0x1a5: {  	_ =	swait.ge [sflag:s29], $0x800  }
0x1a6: {  	[sflag:s29] =	ssyncset.done $0x0  }
0x1a7: {  	[sflag:s29] =	ssyncadd.s32 $0xFFFFF800  }
0x1a8: {  	_ =	swait.ge [sflag:s29], $0x800  }
0x1a9: {  	[sflag:s29] =	ssyncset.done $0x0  }
0x1aa: {  	[sflag:s29] =	ssyncadd.s32 $0xFFFFF800  }
0x1ab: {  	_ =	swait.ge [sflag:s29], $0x800  }
0x1ac: {  	[sflag:s29] =	ssyncset.done $0x0  }
0x1ad: {  	[sflag:s29] =	ssyncadd.s32 $0xFFFFF800  }
0x1ae: {  	_ =	swait.ge [sflag:s29], $0x800  }
0x1af: {  	[sflag:s29] =	ssyncset.done $0x0  }
0x1b0: {  	[sflag:s29] =	ssyncadd.s32 $0xFFFFF800  }
0x1b1: {  	_ =	swait.ge [sflag:s29], $0x800  }
0x1b2: {  	[sflag:s29] =	ssyncset.done $0x0  }
0x1b3: {  	[sflag:s29] =	ssyncadd.s32 $0xFFFFF800  }
0x1b4: {  	_ =	swait.ge [sflag:s29], $0x800  }
0x1b5: {  	[sflag:s29] =	ssyncset.done $0x0  }
0x1b6: {  	[sflag:s29] =	ssyncadd.s32 $0xFFFFF800  }
0x1b7: {  	_ =	swait.ge [sflag:s29], $0x800  }
0x1b8: {  	[sflag:s29] =	ssyncset.done $0x0  }
0x1b9: {  	[sflag:s29] =	ssyncadd.s32 $0xFFFFF800  }
0x1ba: {  	_ =	swait.ge [sflag:s29], $0x800  }
0x1bb: {  	[sflag:s29] =	ssyncset.done $0x0  }
0x1bc: {  	[sflag:s29] =	ssyncadd.s32 $0xFFFFF800  }
0x1bd: {  	_ =	swait.ge [sflag:s29], $0x800  }
0x1be: {  	[sflag:s29] =	ssyncset.done $0x0  }
0x1bf: {  	[sflag:s29] =	ssyncadd.s32 $0xFFFFF800  }
0x1c0: {  	_ =	swait.ge [sflag:s29], $0x800  }
0x1c1: {  	[sflag:s29] =	ssyncset.done $0x0  }
0x1c2: {  	[sflag:s29] =	ssyncadd.s32 $0xFFFFF800  }
0x1c3: {  	_ =	swait.ge [sflag:s29], $0x800  }
0x1c4: {  	[sflag:s29] =	ssyncset.done $0x0  }
0x1c5: {  	[sflag:s29] =	ssyncadd.s32 $0xFFFFF800  }
0x1c6: {  	_ =	swait.ge [sflag:s29], $0x800  }
0x1c7: {  	[sflag:s29] =	ssyncset.done $0x0  }
0x1c8: {  	[sflag:s29] =	ssyncadd.s32 $0xFFFFF800  }
0x1c9: {  	_ =	swait.ge [sflag:s29], $0x800  }
0x1ca: {  	[sflag:s29] =	ssyncset.done $0x0  }
0x1cb: {  	[sflag:s29] =	ssyncadd.s32 $0xFFFFF800  }
0x1cc: {  	_ =	swait.ge [sflag:s29], $0x800  }
0x1cd: {  	[sflag:s29] =	ssyncset.done $0x0  }
0x1ce: {  	[sflag:s29] =	ssyncadd.s32 $0xFFFFF800  }
0x1cf: {  	_ =	swait.ge [sflag:s29], $0x800  }
0x1d0: {  	[sflag:s29] =	ssyncset.done $0x0  }
0x1d1: {  	[sflag:s29] =	ssyncadd.s32 $0xFFFFF800  }
0x1d2: {  	_ =	swait.ge [sflag:s29], $0x800  }
0x1d3: {  	[sflag:s29] =	ssyncset.done $0x0  }
0x1d4: {  	[sflag:s29] =	ssyncadd.s32 $0xFFFFF800  }
0x1d5: {  	_ =	swait.ge [sflag:s29], $0x800  }
0x1d6: {  	[sflag:s29] =	ssyncset.done $0x0  }
0x1d7: {  	[sflag:s29] =	ssyncadd.s32 $0xFFFFF800  }
0x1d8: {  	_ =	swait.ge [sflag:s29], $0x800  }
0x1d9: {  	[sflag:s29] =	ssyncset.done $0x0  }
0x1da: {  	[sflag:s29] =	ssyncadd.s32 $0xFFFFF800  }
0x1db: {  	_ =	swait.ge [sflag:s29], $0x800  }
0x1dc: {  	[sflag:s29] =	ssyncset.done $0x0  }
0x1dd: {  	[sflag:s29] =	ssyncadd.s32 $0xFFFFF800  }
0x1de: {  	_ =	swait.ge [sflag:s29], $0x800  }
0x1df: {  	[sflag:s29] =	ssyncset.done $0x0  }
0x1e0: {  	[sflag:s29] =	ssyncadd.s32 $0xFFFFF800  }
0x1e1: {  	_ =	swait.ge [sflag:s29], $0x800  }
0x1e2: {  	[sflag:s29] =	ssyncset.done $0x0  }
0x1e3: {  	[sflag:s29] =	ssyncadd.s32 $0xFFFFF800  }
0x1e4: {  	_ =	swait.ge [sflag:s29], $0x800  }
0x1e5: {  	[sflag:s29] =	ssyncset.done $0x0  }
0x1e6: {  	[sflag:s29] =	ssyncadd.s32 $0xFFFFF800  }
0x1e7: {  	_ =	swait.ge [sflag:s29], $0x800  }
0x1e8: {  	[sflag:s29] =	ssyncset.done $0x0  }
0x1e9: {  	[sflag:s29] =	ssyncadd.s32 $0xFFFFF800  }
0x1ea: {  	_ =	swait.ge [sflag:s29], $0x800  }
0x1eb: {  	[sflag:s29] =	ssyncset.done $0x0  }
0x1ec: {  	[sflag:s29] =	ssyncadd.s32 $0xFFFFF800  }
0x1ed: {  	_ =	swait.ge [sflag:s29], $0x800  }
0x1ee: {  	[sflag:s29] =	ssyncset.done $0x0  }
0x1ef: {  	[sflag:s29] =	ssyncadd.s32 $0xFFFFF800  }
0x1f0: {  	_ =	swait.ge [sflag:s29], $0x800  }
0x1f1: {  	[sflag:s29] =	ssyncset.done $0x0  }
0x1f2: {  	[sflag:s29] =	ssyncadd.s32 $0xFFFFF800  }
0x1f3: {  	_ =	swait.ge [sflag:s29], $0x800  }
0x1f4: {  	[sflag:s29] =	ssyncset.done $0x0  }
0x1f5: {  	[sflag:s29] =	ssyncadd.s32 $0xFFFFF800  }
0x1f6: {  	_ =	swait.ge [sflag:s29], $0x800  }
0x1f7: {  	[sflag:s29] =	ssyncset.done $0x0  }
0x1f8: {  	[sflag:s29] =	ssyncadd.s32 $0xFFFFF800  }
0x1f9: {  	_ =	swait.ge [sflag:s29], $0x800  }
0x1fa: {  	[sflag:s29] =	ssyncset.done $0x0  }
0x1fb: {  	[sflag:s29] =	ssyncadd.s32 $0xFFFFF800  }
0x1fc: {  	_ =	swait.ge [sflag:s29], $0x800  }
0x1fd: {  	[sflag:s29] =	ssyncset.done $0x0  }
0x1fe: {  	[sflag:s29] =	ssyncadd.s32 $0xFFFFF800  }
0x1ff: {  	_ =	swait.ge [sflag:s29], $0x800  }
0x200: {  	[sflag:s29] =	ssyncset.done $0x0  }
0x201: {  	[sflag:s29] =	ssyncadd.s32 $0xFFFFF800  }
0x202: {  	_ =	swait.ge [sflag:s29], $0x800  }
0x203: {  	[sflag:s29] =	ssyncset.done $0x0  }
0x204: {  	[sflag:s29] =	ssyncadd.s32 $0xFFFFF800  }
0x205: {  	_ =	swait.ge [sflag:s29], $0x800  }
0x206: {  	[sflag:s29] =	ssyncset.done $0x0  }
0x207: {  	[sflag:s29] =	ssyncadd.s32 $0xFFFFF800  }
0x208: {  	_ =	swait.ge [sflag:s29], $0x800  }
0x209: {  	[sflag:s29] =	ssyncset.done $0x0  }
0x20a: {  	[sflag:s29] =	ssyncadd.s32 $0xFFFFF800  }
0x20b: {  	_ =	swait.ge [sflag:s29], $0x800  }
0x20c: {  	[sflag:s29] =	ssyncset.done $0x0  }
0x20d: {  	[sflag:s29] =	ssyncadd.s32 $0xFFFFF800  }
0x20e: {  	[hbm4b:s5+s30] =	stream.strided.scatter [tilespmem:s11], [sflag:$0x2], $0x800, s31, s30, $0x38;
	[tilespmem:$0x4200] =	vst v63  }
0x20f: {  	s0 =	sadd.s32 $0x1, s0;
	_ =	swait.ge [sflag:s10], $0x800  }
0x210: {  	p0 =	sne.s32 s0, s7;
	[sflag:s10] =	ssyncset.done $0x0  }
.Ltmp1:
0x211: {  	[sflag:s10] =	ssyncadd.s32 $0xFFFFF800;
	(pc) =	sbr.rel @p0 .LBB2_1-.Ltmp1, $4  }
0x212: {  	[hbm4b:s6+s30] =	stream.strided.scatter [tilespmem:s18], [sflag:$0x2], $0x800, s31, s30, $0x38;
	[tilespmem:$0x4200] =	vst v63  }
0x213: {  	_ =	swait.ge [sflag:s10], $0x800  }
0x214: {  	[sflag:s10] =	ssyncset.done $0x0  }
0x215: {  	[sflag:s10] =	ssyncadd.s32 $0xFFFFF800  }
0x216: {  	_ =	sfence.sel $0x180000  }
0x217: {  	[bflag:$0x0] =	sbarrier.arrive $0xFFFF  }
0x218: {  	_ =	strace $0x90000047  }
0x219: {  	s0 =	stileid.u32;
	[bflag:$0x2] =	sbarrier.arrive $0xFFFF  }
0x21a: {  	p0 =	sne.s32 s0, $0x0;
	s0 =	rddreg [dreg:$0x2]  }
0x21b: {  	s0 =	sadd.s32 @!p0 $0x100000, s0  }
0x21c: {  	[sflag:s0] =	ssyncadd.tile.s32 @!p0 $0x1;
	_ =	shalt  }
.Lfunc_end2:
_tile_overlayer_lowered:
.L_overlay_start_2:
0x21d: {  	(tag) =	ssettag $0x2  }
0x21e: {  	s0 =	rddreg [dreg:$0x0];
	s2 =	stileid.u32  }
0x21f: {  	s1 =	rddreg [dreg:$0x1];
	p0 =	sne.s32 s2, $0x0  }
0x220: {  	s3 =	rddreg [dreg:$0x2];
	[bflag:$0x3] =	sbarrier.arrive $0xFFFF;
	s2 =	simm.s32 @!p0 $0x1C02  }
0x221: {  	[timem:s3], [sflag:s2] =	dma.local @!p0 [hbm:s0], s1  }
0x222: {  	s0 =	simm.s32 @!p0 $0x2  }
0x223: {  	_ =	swait.ge @!p0 [sflag:s0], s1  }
0x224: {  	s1 =	ssub.s32 @!p0 $0x0, s1;
	[sflag:s0] =	ssyncset.done @!p0 $0x0  }
0x225: {  	[sflag:s0] =	ssyncadd.s32 @!p0 s1  }
0x226: {  	[bflag:$0x3] =	sbarrier.arrive $0xFFFF  }
0x227: {  	_ =	shalt  }

</sc_bundles>
